<compile_context>
chip_gen: v7x
topology: tpu7x:2x2x1
jax: 0.10.2.dev20260603
libtpu: 0.0.44.dev20260713+nightly
codegen_flags: <defaults>
</compile_context>

<pallas_src>
import jax
import jax.numpy as jnp
import numpy as np
from jax import lax
from jax.experimental import pallas as pl
from jax.experimental.pallas import tpu as pltpu
from jax.experimental.pallas import tpu_sc as plsc

N_NODES = 40962
FEAT = 128
HALF = FEAT // 2
NUM_NEW = 3 * N_NODES - 6
N_IDX = 2 * NUM_NEW
N_OUT = N_NODES + NUM_NEW

NC, NS = 2, 16
NW = NC * NS

N_GW = 24
N_CW = NW - N_GW
NEW_PER_GW = NUM_NEW // N_GW
IDX_PER_GW = 2 * NEW_PER_GW

GROWS = 256
NGRP = NEW_PER_GW // GROWS
GB = GROWS // 128

TOP_PER_CW = N_NODES // N_CW
TOP_REM = N_NODES - TOP_PER_CW * N_CW
N_CCH = TOP_PER_CW // GROWS

_ZBLK = 4096


ZC = 6 * _ZBLK


def _tc_body(xa_ref, xb_ref, a_ref, z_ref):
    kw = dict(precision=lax.Precision.HIGHEST,
              preferred_element_type=jnp.float32)
    za = jnp.dot(xa_ref[...], a_ref[...], **kw)
    zb = jnp.dot(xb_ref[...], a_ref[...], **kw)
    z_ref[...] = jnp.concatenate([za, zb], axis=1)


def _make_avg_matrix():
    a = np.zeros((FEAT, HALF), np.float32)
    for f in range(HALF):
        a[2 * f, f] = 0.5
        a[2 * f + 1, f] = 0.5
    return jnp.asarray(a)


def _compute_z(x):
    n_blk = ZC // _ZBLK
    z2 = pl.pallas_call(
        _tc_body,
        grid=(n_blk,),
        in_specs=[
            pl.BlockSpec((_ZBLK, FEAT), lambda i: (i, 0)),
            pl.BlockSpec((_ZBLK, FEAT),
                         lambda i: (jnp.minimum(i + n_blk, 2 * n_blk - 2),
                                    0)),
            pl.BlockSpec((FEAT, HALF), lambda i: (0, 0)),
        ],
        out_specs=pl.BlockSpec((_ZBLK, FEAT), lambda i: (i, 0)),
        out_shape=jax.ShapeDtypeStruct((ZC, FEAT), jnp.float32),
    )(x, x, _make_avg_matrix())
    return z2.reshape(2 * ZC, HALF)


def _sc_body(x_hbm, z_hbm, idx_hbm, out_hbm,
             idx_v, idx_e, idx_o, buf_ea, buf_oa, buf_eb, buf_ob,
             sem_ia, sem_ib, sem_oa, sem_ob):
    wid = lax.axis_index("s") * NC + lax.axis_index("c")

    @pl.when(wid < N_GW)
    def _gather():
        pltpu.sync_copy(idx_hbm.at[pl.ds(wid * IDX_PER_GW, IDX_PER_GW)],
                        idx_v)

        lane = lax.iota(jnp.int32, 16)

        def tr(v):
            return jnp.where(v < ZC, 2 * v, 2 * v - (2 * ZC - 1))

        def deint(k, carry):
            base = 32 * k
            ev = plsc.load_gather(idx_v, [base + 2 * lane])
            od = plsc.load_gather(idx_v, [base + 2 * lane + 1])
            idx_e[pl.ds(16 * k, 16)] = tr(ev)
            idx_o[pl.ds(16 * k, 16)] = tr(od)
            return carry

        lax.fori_loop(0, IDX_PER_GW // 32, deint, 0)

        def run_group(i, g, b_e, b_o, sem_i, sem_o):
            @pl.when(i > 0)
            def _():
                pltpu.make_async_copy(z_hbm.at[pl.ds(0, GROWS)], b_e,
                                      sem_o).wait()
                pltpu.make_async_copy(z_hbm.at[pl.ds(0, GROWS)], b_o,
                                      sem_o).wait()
            descs = []
            for b in range(GB):
                sl = pl.ds(g * GROWS + 128 * b, 128)
                dsl = pl.ds(128 * b, 128)
                descs.append(pltpu.async_copy(
                    z_hbm.at[idx_e.at[sl]], b_e.at[dsl],
                    sem_i))
                descs.append(pltpu.async_copy(
                    z_hbm.at[idx_o.at[sl]], b_o.at[dsl],
                    sem_i))
            for d in descs:
                d.wait()
            row = N_NODES + wid * NEW_PER_GW + g * GROWS
            pltpu.async_copy(
                b_e, out_hbm.at[pl.ds(row, GROWS), pl.ds(0, HALF)], sem_o)
            pltpu.async_copy(
                b_o, out_hbm.at[pl.ds(row, GROWS), pl.ds(HALF, HALF)], sem_o)

        def body(i, carry):
            run_group(i, 2 * i, buf_ea, buf_oa, sem_ia, sem_oa)
            run_group(i, 2 * i + 1, buf_eb, buf_ob, sem_ib, sem_ob)
            return carry

        lax.fori_loop(0, NGRP // 2, body, 0)

        for b_x, sem in ((buf_ea, sem_oa), (buf_oa, sem_oa),
                         (buf_eb, sem_ob), (buf_ob, sem_ob)):
            pltpu.make_async_copy(z_hbm.at[pl.ds(0, GROWS)], b_x, sem).wait()

    @pl.when(wid >= N_GW)
    def _copy():
        cw = wid - N_GW
        for c in range(N_CCH):
            b_e, b_o, sem_i, sem_o = ((buf_ea, buf_oa, sem_ia, sem_oa)
                                      if c % 2 == 0 else
                                      (buf_eb, buf_ob, sem_ib, sem_ob))
            base = cw * TOP_PER_CW + c * GROWS
            rows = pl.ds(base, GROWS)
            if c >= 2:
                pltpu.make_async_copy(z_hbm.at[pl.ds(0, GROWS)], b_e,
                                      sem_o).wait()
                pltpu.make_async_copy(z_hbm.at[pl.ds(0, GROWS)], b_o,
                                      sem_o).wait()
            dl = pltpu.async_copy(x_hbm.at[rows, pl.ds(0, HALF)], b_e, sem_i)
            dr = pltpu.async_copy(x_hbm.at[rows, pl.ds(HALF, HALF)], b_o,
                                  sem_i)
            dl.wait()
            dr.wait()
            pltpu.async_copy(b_e, out_hbm.at[rows, pl.ds(0, HALF)], sem_o)
            pltpu.async_copy(b_o, out_hbm.at[rows, pl.ds(HALF, HALF)], sem_o)
        for b_x, sem in ((buf_ea, sem_oa), (buf_oa, sem_oa),
                         (buf_eb, sem_ob), (buf_ob, sem_ob)):
            pltpu.make_async_copy(z_hbm.at[pl.ds(0, GROWS)], b_x, sem).wait()

        @pl.when(wid == NW - 1)
        def _():
            tail = pl.ds(TOP_PER_CW * N_CW, TOP_REM)
            rsl = pl.ds(0, TOP_REM)
            pltpu.sync_copy(x_hbm.at[tail, pl.ds(0, HALF)],
                            buf_ea.at[rsl])
            pltpu.sync_copy(buf_ea.at[rsl],
                            out_hbm.at[tail, pl.ds(0, HALF)])
            pltpu.sync_copy(x_hbm.at[tail, pl.ds(HALF, HALF)],
                            buf_oa.at[rsl])
            pltpu.sync_copy(buf_oa.at[rsl],
                            out_hbm.at[tail, pl.ds(HALF, HALF)])


@jax.jit
def _run(x, idx32):
    z = _compute_z(x)
    mesh = plsc.VectorSubcoreMesh(core_axis_name="c", subcore_axis_name="s",
                                  num_cores=NC, num_subcores=NS)
    return pl.kernel(
        _sc_body,
        out_type=jax.ShapeDtypeStruct((N_OUT, FEAT), jnp.float32),
        mesh=mesh,
        compiler_params=pltpu.CompilerParams(use_tc_tiling_on_sc=False,
                                             needs_layout_passes=False),
        scratch_types=[
            pltpu.VMEM((IDX_PER_GW,), jnp.int32),
            pltpu.VMEM((NEW_PER_GW,), jnp.int32),
            pltpu.VMEM((NEW_PER_GW,), jnp.int32),
            pltpu.VMEM((GROWS, HALF), jnp.float32),
            pltpu.VMEM((GROWS, HALF), jnp.float32),
            pltpu.VMEM((GROWS, HALF), jnp.float32),
            pltpu.VMEM((GROWS, HALF), jnp.float32),
            pltpu.SemaphoreType.DMA,
            pltpu.SemaphoreType.DMA,
            pltpu.SemaphoreType.DMA,
            pltpu.SemaphoreType.DMA,
        ],
    )(x, z, idx32)


def kernel(x, upsample_neighs_order):
    return _run(x, upsample_neighs_order.astype(jnp.int32))

# --- scband reference (transcript-rebuilt; emitter-appended) ---
"""Pipeline reference for scband-upsample-interpolation-22565758173782 (READ-ONLY COPY).

The authoritative reference and input builder live on the scoring server;
editing this copy changes nothing except your own understanding.
"""

import jax, jax.numpy as jnp
import numpy as np

N_NODES = 40962  # icosahedron level-6 sphere: 10*4^6 + 2
FEAT = 128
NUM_NEW = 3 * N_NODES - 6  # 122880 new nodes after subdivision


def setup_inputs(seed: int = 0) -> dict:
    key = jax.random.key(seed)
    kx, ki = jax.random.split(key)
    x = jax.random.normal(kx, (N_NODES, FEAT), dtype=jnp.float32)
    # each new node is interpolated from 2 parent nodes -> 2*NUM_NEW indices
    upsample_neighs_order = jax.random.randint(
        ki, (NUM_NEW * 2,), 0, N_NODES, dtype=jnp.int64
    )
    return {"x": x, "upsample_neighs_order": upsample_neighs_order}


def reference(x, upsample_neighs_order):
    num_nodes = x.shape[0] * 4 - 6
    feat_num = x.shape[1]
    # gather the 2 parent features for each new node
    x1 = jnp.take(x, upsample_neighs_order, axis=0)
    x1 = x1.reshape(num_nodes - x.shape[0], feat_num, 2)
    x1 = jnp.mean(x1, axis=2)
    out = jnp.concatenate((x, x1), axis=0)
    return out

if __name__ == "__main__":
    import jax
    _d = setup_inputs()
    print(jax.jit(kernel)(*tuple(_d.values())))

</pallas_src>

<mosaic_0001>
#map = affine_map<(d0, d1) -> (0, 0)>
#map1 = affine_map<(d0, d1) -> (0)>
module attributes {stable_mosaic.version = 14 : i64} {
  func.func @_sc_body(%arg0: i32, %arg1: i32, %arg2: memref<40962x128xf32, #tpu.memory_space<hbm>>, %arg3: memref<49152x64xf32, #tpu.memory_space<hbm>>, %arg4: memref<245760xi32, #tpu.memory_space<hbm>>, %arg5: memref<163842x128xf32, #tpu.memory_space<hbm>>, %arg6: memref<10240xi32, #tpu.memory_space<vmem>>, %arg7: memref<5120xi32, #tpu.memory_space<vmem>>, %arg8: memref<5120xi32, #tpu.memory_space<vmem>>, %arg9: memref<256x64xf32, #tpu.memory_space<vmem>>, %arg10: memref<256x64xf32, #tpu.memory_space<vmem>>, %arg11: memref<256x64xf32, #tpu.memory_space<vmem>>, %arg12: memref<256x64xf32, #tpu.memory_space<vmem>>, %arg13: memref<!tpu.dma_semaphore, #tpu.memory_space<semaphore_mem>>, %arg14: memref<!tpu.dma_semaphore, #tpu.memory_space<semaphore_mem>>, %arg15: memref<!tpu.dma_semaphore, #tpu.memory_space<semaphore_mem>>, %arg16: memref<!tpu.dma_semaphore, #tpu.memory_space<semaphore_mem>>) attributes {dimension_semantics = [#tpu.dimension_semantics<core_parallel>, #tpu.dimension_semantics<subcore_parallel>], iteration_bounds = array<i64: 2, 16>, scalar_prefetch = 0 : i64, scratch_operands = 11 : i64, tpu.core_type = #tpu.core_type<sc_vector_subcore>, window_params = [{transform_indices = #map}, {transform_indices = #map}, {transform_indices = #map1}, {transform_indices = #map}]} {
    %mul3A = arith.constant 2 : i32
    %mul3A_0 = arith.muli %arg1, %mul3A : i32
    %add3A = arith.addi %mul3A_0, %arg0 : i32
    %lt3A = arith.constant 24 : i32
    %lt3A_1 = arith.cmpi slt, %add3A, %lt3A : i32
    %convert_element_type3A = arith.extui %lt3A_1 : i1 to i32
    %cond3A = arith.constant 0 : i32
    %cond3A_2 = arith.cmpi ne, %convert_element_type3A, %cond3A : i32
    scf.if %cond3A_2 {
      %mul3A_7 = arith.constant 10240 : i32
      %mul3A_8 = arith.muli %add3A, %mul3A_7 : i32
      "tpu.region"() ({
        %run_scoped3A = tpu.sem_alloc : memref<!tpu.dma_semaphore, #tpu.memory_space<semaphore_mem>>
        %dma_start3A = tpu.memref_slice %arg4[%mul3A_8] : memref<245760xi32, #tpu.memory_space<hbm>> -> memref<10240xi32, #tpu.memory_space<hbm>>
        %dma_start3A_43 = tpu.memref_slice %arg4[%mul3A_8] : memref<245760xi32, #tpu.memory_space<hbm>> -> memref<10240xi32, #tpu.memory_space<hbm>>
        tpu.enqueue_dma source(%dma_start3A_43 : memref<10240xi32, #tpu.memory_space<hbm>>) target(%arg6 : memref<10240xi32, #tpu.memory_space<vmem>>) target_semaphore(%run_scoped3A : memref<!tpu.dma_semaphore, #tpu.memory_space<semaphore_mem>>)
        %dma_wait3A_44 = tpu.memref_slice %arg4[%mul3A_8] : memref<245760xi32, #tpu.memory_space<hbm>> -> memref<10240xi32, #tpu.memory_space<hbm>>
        %dma_wait3A_45 = tpu.memref_slice %arg4[%mul3A_8] : memref<245760xi32, #tpu.memory_space<hbm>> -> memref<10240xi32, #tpu.memory_space<hbm>>
        tpu.wait_dma2 semaphore(%run_scoped3A : memref<!tpu.dma_semaphore, #tpu.memory_space<semaphore_mem>>) src(%dma_wait3A_45 : memref<10240xi32, #tpu.memory_space<hbm>>) dst(%arg6 : memref<10240xi32, #tpu.memory_space<vmem>>)
        tpu.yield
      }) : () -> ()
      %iota3A = tpu.iota {dimensions = array<i32: 0>} : vector<16xi32>
      %scan3A = arith.constant 0 : i32
      %scan3A_9 = arith.constant 0 : i32
      %scan3A_10 = arith.constant 320 : i32
      %scan3A_11 = arith.addi %scan3A_9, %scan3A_10 : i32
      %scan3A_12 = arith.constant 1 : i32
      scf.for %scan3A_43 = %scan3A_9 to %scan3A_11 step %scan3A_12  : i32 {
        %mul3A_44 = arith.constant 32 : i32
        %mul3A_45 = arith.muli %mul3A_44, %scan3A_43 : i32
        %mul3A_46 = arith.constant 2 : i32
        %mul3A_47 = vector.broadcast %mul3A_46 : i32 to vector<16xi32>
        %mul3A_48 = arith.muli %mul3A_47, %iota3A : vector<16xi32>
        %add3A_49 = vector.broadcast %mul3A_45 : i32 to vector<16xi32>
        %add3A_50 = arith.addi %add3A_49, %mul3A_48 : vector<16xi32>
        %gather3A = tpu.vector_load_idx %arg6[%add3A_50] : memref<10240xi32, #tpu.memory_space<vmem>>[vector<16xi32>], vector<16xi32>,
        %mul3A_51 = arith.constant 2 : i32
        %mul3A_52 = vector.broadcast %mul3A_51 : i32 to vector<16xi32>
        %mul3A_53 = arith.muli %mul3A_52, %iota3A : vector<16xi32>
        %add3A_54 = vector.broadcast %mul3A_45 : i32 to vector<16xi32>
        %add3A_55 = arith.addi %add3A_54, %mul3A_53 : vector<16xi32>
        %add3A_56 = arith.constant 1 : i32
        %add3A_57 = vector.broadcast %add3A_56 : i32 to vector<16xi32>
        %add3A_58 = arith.addi %add3A_55, %add3A_57 : vector<16xi32>
        %gather3A_59 = tpu.vector_load_idx %arg6[%add3A_58] : memref<10240xi32, #tpu.memory_space<vmem>>[vector<16xi32>], vector<16xi32>,
        %lt3A_60 = arith.constant 24576 : i32
        %lt3A_61 = vector.broadcast %lt3A_60 : i32 to vector<16xi32>
        %lt3A_62 = arith.cmpi slt, %gather3A, %lt3A_61 : vector<16xi32>
        %mul3A_63 = arith.constant 2 : i32
        %mul3A_64 = vector.broadcast %mul3A_63 : i32 to vector<16xi32>
        %mul3A_65 = arith.muli %mul3A_64, %gather3A : vector<16xi32>
        %mul3A_66 = arith.constant 2 : i32
        %mul3A_67 = vector.broadcast %mul3A_66 : i32 to vector<16xi32>
        %mul3A_68 = arith.muli %mul3A_67, %gather3A : vector<16xi32>
        %sub3A = arith.constant 49151 : i32
        %sub3A_69 = vector.broadcast %sub3A : i32 to vector<16xi32>
        %sub3A_70 = arith.subi %mul3A_68, %sub3A_69 : vector<16xi32>
        %select_n3A = arith.select %lt3A_62, %mul3A_65, %sub3A_70 : vector<16xi1>, vector<16xi32>
        %mul3A_71 = arith.constant 16 : i32
        %mul3A_72 = arith.muli %mul3A_71, %scan3A_43 : i32
        %swap3A = arith.index_cast %mul3A_72 : i32 to index
        %swap3A_73 = tpu.vector_load %arg7[%swap3A] {strides = array<i32>} : memref<5120xi32, #tpu.memory_space<vmem>>, vector<16xi32>,
        tpu.vector_store %arg7[%swap3A], %select_n3A {strides = array<i32>} : memref<5120xi32, #tpu.memory_space<vmem>>, vector<16xi32>,
        %lt3A_74 = arith.constant 24576 : i32
        %lt3A_75 = vector.broadcast %lt3A_74 : i32 to vector<16xi32>
        %lt3A_76 = arith.cmpi slt, %gather3A_59, %lt3A_75 : vector<16xi32>
        %mul3A_77 = arith.constant 2 : i32
        %mul3A_78 = vector.broadcast %mul3A_77 : i32 to vector<16xi32>
        %mul3A_79 = arith.muli %mul3A_78, %gather3A_59 : vector<16xi32>
        %mul3A_80 = arith.constant 2 : i32
        %mul3A_81 = vector.broadcast %mul3A_80 : i32 to vector<16xi32>
        %mul3A_82 = arith.muli %mul3A_81, %gather3A_59 : vector<16xi32>
        %sub3A_83 = arith.constant 49151 : i32
        %sub3A_84 = vector.broadcast %sub3A_83 : i32 to vector<16xi32>
        %sub3A_85 = arith.subi %mul3A_82, %sub3A_84 : vector<16xi32>
        %select_n3A_86 = arith.select %lt3A_76, %mul3A_79, %sub3A_85 : vector<16xi1>, vector<16xi32>
        %mul3A_87 = arith.constant 16 : i32
        %mul3A_88 = arith.muli %mul3A_87, %scan3A_43 : i32
        %swap3A_89 = arith.index_cast %mul3A_88 : i32 to index
        %swap3A_90 = tpu.vector_load %arg8[%swap3A_89] {strides = array<i32>} : memref<5120xi32, #tpu.memory_space<vmem>>, vector<16xi32>,
        tpu.vector_store %arg8[%swap3A_89], %select_n3A_86 {strides = array<i32>} : memref<5120xi32, #tpu.memory_space<vmem>>, vector<16xi32>,
      }
      %scan3A_13 = arith.constant 320 : i32
      %scan3A_14 = arith.constant 0 : i32
      %scan3A_15 = arith.constant 0 : i32
      %scan3A_16 = arith.constant 10 : i32
      %scan3A_17 = arith.addi %scan3A_15, %scan3A_16 : i32
      %scan3A_18 = arith.constant 1 : i32
      scf.for %scan3A_43 = %scan3A_15 to %scan3A_17 step %scan3A_18  : i32 {
        %mul3A_44 = arith.constant 2 : i32
        %mul3A_45 = arith.muli %mul3A_44, %scan3A_43 : i32
        %gt3A = arith.constant 0 : i32
        %gt3A_46 = arith.cmpi sgt, %scan3A_43, %gt3A : i32
        %convert_element_type3A_47 = arith.extui %gt3A_46 : i1 to i32
        %cond3A_48 = arith.constant 0 : i32
        %cond3A_49 = arith.cmpi ne, %convert_element_type3A_47, %cond3A_48 : i32
        scf.if %cond3A_49 {
          %dma_wait3A_216 = arith.constant 0 : i32
          %dma_wait3A_217 = arith.constant 0 : i32
          %dma_wait3A_218 = tpu.memref_slice %arg3[%dma_wait3A_216, %dma_wait3A_217] : memref<49152x64xf32, #tpu.memory_space<hbm>> -> memref<256x64xf32, #tpu.memory_space<hbm>>
          %dma_wait3A_219 = arith.constant 0 : i32
          %dma_wait3A_220 = arith.constant 0 : i32
          %dma_wait3A_221 = tpu.memref_slice %arg3[%dma_wait3A_219, %dma_wait3A_220] : memref<49152x64xf32, #tpu.memory_space<hbm>> -> memref<256x64xf32, #tpu.memory_space<hbm>>
          tpu.wait_dma2 semaphore(%arg15 : memref<!tpu.dma_semaphore, #tpu.memory_space<semaphore_mem>>) src(%dma_wait3A_221 : memref<256x64xf32, #tpu.memory_space<hbm>>) dst(%arg9 : memref<256x64xf32, #tpu.memory_space<vmem>>)
          %dma_wait3A_222 = arith.constant 0 : i32
          %dma_wait3A_223 = arith.constant 0 : i32
          %dma_wait3A_224 = tpu.memref_slice %arg3[%dma_wait3A_222, %dma_wait3A_223] : memref<49152x64xf32, #tpu.memory_space<hbm>> -> memref<256x64xf32, #tpu.memory_space<hbm>>
          %dma_wait3A_225 = arith.constant 0 : i32
          %dma_wait3A_226 = arith.constant 0 : i32
          %dma_wait3A_227 = tpu.memref_slice %arg3[%dma_wait3A_225, %dma_wait3A_226] : memref<49152x64xf32, #tpu.memory_space<hbm>> -> memref<256x64xf32, #tpu.memory_space<hbm>>
          tpu.wait_dma2 semaphore(%arg15 : memref<!tpu.dma_semaphore, #tpu.memory_space<semaphore_mem>>) src(%dma_wait3A_227 : memref<256x64xf32, #tpu.memory_space<hbm>>) dst(%arg10 : memref<256x64xf32, #tpu.memory_space<vmem>>)
        } else {
        }
        %mul3A_50 = arith.constant 256 : i32
        %mul3A_51 = arith.muli %mul3A_45, %mul3A_50 : i32
        %add3A_52 = arith.constant 0 : i32
        %add3A_53 = arith.addi %mul3A_51, %add3A_52 : i32
        %dma_start3A = arith.constant 0 : i32
        %dma_start3A_54 = arith.constant 0 : i32
        %dma_start3A_55 = tpu.memref_slice %arg9[%dma_start3A, %dma_start3A_54] : memref<256x64xf32, #tpu.memory_space<vmem>> -> memref<128x64xf32, #tpu.memory_space<vmem>>
        %dma_start3A_56 = tpu.memref_slice %arg7[%add3A_53] : memref<5120xi32, #tpu.memory_space<vmem>> -> memref<128xi32, #tpu.memory_space<vmem>>
        %dma_start3A_57 = arith.constant 0 : i32
        %dma_start3A_58 = arith.constant 0 : i32
        %dma_start3A_59 = tpu.memref_slice %arg3[%dma_start3A_57, %dma_start3A_58] : memref<49152x64xf32, #tpu.memory_space<hbm>> -> memref<49152x64xf32, #tpu.memory_space<hbm>>
        tpu.enqueue_indirect_dma source(%dma_start3A_59 : memref<49152x64xf32, #tpu.memory_space<hbm>>) target(%dma_start3A_55 : memref<128x64xf32, #tpu.memory_space<vmem>>) offsets(%dma_start3A_56 : memref<128xi32, #tpu.memory_space<vmem>>) semaphore(%arg13 : memref<!tpu.dma_semaphore, #tpu.memory_space<semaphore_mem>>)
        %dma_start3A_60 = arith.constant 0 : i32
        %dma_start3A_61 = arith.constant 0 : i32
        %dma_start3A_62 = tpu.memref_slice %arg10[%dma_start3A_60, %dma_start3A_61] : memref<256x64xf32, #tpu.memory_space<vmem>> -> memref<128x64xf32, #tpu.memory_space<vmem>>
        %dma_start3A_63 = tpu.memref_slice %arg8[%add3A_53] : memref<5120xi32, #tpu.memory_space<vmem>> -> memref<128xi32, #tpu.memory_space<vmem>>
        %dma_start3A_64 = arith.constant 0 : i32
        %dma_start3A_65 = arith.constant 0 : i32
        %dma_start3A_66 = tpu.memref_slice %arg3[%dma_start3A_64, %dma_start3A_65] : memref<49152x64xf32, #tpu.memory_space<hbm>> -> memref<49152x64xf32, #tpu.memory_space<hbm>>
        tpu.enqueue_indirect_dma source(%dma_start3A_66 : memref<49152x64xf32, #tpu.memory_space<hbm>>) target(%dma_start3A_62 : memref<128x64xf32, #tpu.memory_space<vmem>>) offsets(%dma_start3A_63 : memref<128xi32, #tpu.memory_space<vmem>>) semaphore(%arg13 : memref<!tpu.dma_semaphore, #tpu.memory_space<semaphore_mem>>)
        %mul3A_67 = arith.constant 256 : i32
        %mul3A_68 = arith.muli %mul3A_45, %mul3A_67 : i32
        %add3A_69 = arith.constant 128 : i32
        %add3A_70 = arith.addi %mul3A_68, %add3A_69 : i32
        %dma_start3A_71 = arith.constant 128 : i32
        %dma_start3A_72 = arith.constant 0 : i32
        %dma_start3A_73 = tpu.memref_slice %arg9[%dma_start3A_71, %dma_start3A_72] : memref<256x64xf32, #tpu.memory_space<vmem>> -> memref<128x64xf32, #tpu.memory_space<vmem>>
        %dma_start3A_74 = tpu.memref_slice %arg7[%add3A_70] : memref<5120xi32, #tpu.memory_space<vmem>> -> memref<128xi32, #tpu.memory_space<vmem>>
        %dma_start3A_75 = arith.constant 0 : i32
        %dma_start3A_76 = arith.constant 0 : i32
        %dma_start3A_77 = tpu.memref_slice %arg3[%dma_start3A_75, %dma_start3A_76] : memref<49152x64xf32, #tpu.memory_space<hbm>> -> memref<49152x64xf32, #tpu.memory_space<hbm>>
        tpu.enqueue_indirect_dma source(%dma_start3A_77 : memref<49152x64xf32, #tpu.memory_space<hbm>>) target(%dma_start3A_73 : memref<128x64xf32, #tpu.memory_space<vmem>>) offsets(%dma_start3A_74 : memref<128xi32, #tpu.memory_space<vmem>>) semaphore(%arg13 : memref<!tpu.dma_semaphore, #tpu.memory_space<semaphore_mem>>)
        %dma_start3A_78 = arith.constant 128 : i32
        %dma_start3A_79 = arith.constant 0 : i32
        %dma_start3A_80 = tpu.memref_slice %arg10[%dma_start3A_78, %dma_start3A_79] : memref<256x64xf32, #tpu.memory_space<vmem>> -> memref<128x64xf32, #tpu.memory_space<vmem>>
        %dma_start3A_81 = tpu.memref_slice %arg8[%add3A_70] : memref<5120xi32, #tpu.memory_space<vmem>> -> memref<128xi32, #tpu.memory_space<vmem>>
        %dma_start3A_82 = arith.constant 0 : i32
        %dma_start3A_83 = arith.constant 0 : i32
        %dma_start3A_84 = tpu.memref_slice %arg3[%dma_start3A_82, %dma_start3A_83] : memref<49152x64xf32, #tpu.memory_space<hbm>> -> memref<49152x64xf32, #tpu.memory_space<hbm>>
        tpu.enqueue_indirect_dma source(%dma_start3A_84 : memref<49152x64xf32, #tpu.memory_space<hbm>>) target(%dma_start3A_80 : memref<128x64xf32, #tpu.memory_space<vmem>>) offsets(%dma_start3A_81 : memref<128xi32, #tpu.memory_space<vmem>>) semaphore(%arg13 : memref<!tpu.dma_semaphore, #tpu.memory_space<semaphore_mem>>)
        %dma_wait3A_85 = arith.constant 0 : i32
        %dma_wait3A_86 = arith.constant 0 : i32
        %dma_wait3A_87 = tpu.memref_slice %arg9[%dma_wait3A_85, %dma_wait3A_86] : memref<256x64xf32, #tpu.memory_space<vmem>> -> memref<128x64xf32, #tpu.memory_space<vmem>>
        %dma_wait3A_88 = tpu.memref_slice %arg7[%add3A_53] : memref<5120xi32, #tpu.memory_space<vmem>> -> memref<128xi32, #tpu.memory_space<vmem>>
        %dma_wait3A_89 = arith.constant 0 : i32
        %dma_wait3A_90 = arith.constant 0 : i32
        %dma_wait3A_91 = tpu.memref_slice %arg3[%dma_wait3A_89, %dma_wait3A_90] : memref<49152x64xf32, #tpu.memory_space<hbm>> -> memref<49152x64xf32, #tpu.memory_space<hbm>>
        tpu.wait_indirect_dma semaphore(%arg13 : memref<!tpu.dma_semaphore, #tpu.memory_space<semaphore_mem>>) src(%dma_wait3A_91 : memref<49152x64xf32, #tpu.memory_space<hbm>>) dst(%dma_wait3A_87 : memref<128x64xf32, #tpu.memory_space<vmem>>)
        %dma_wait3A_92 = arith.constant 0 : i32
        %dma_wait3A_93 = arith.constant 0 : i32
        %dma_wait3A_94 = tpu.memref_slice %arg10[%dma_wait3A_92, %dma_wait3A_93] : memref<256x64xf32, #tpu.memory_space<vmem>> -> memref<128x64xf32, #tpu.memory_space<vmem>>
        %dma_wait3A_95 = tpu.memref_slice %arg8[%add3A_53] : memref<5120xi32, #tpu.memory_space<vmem>> -> memref<128xi32, #tpu.memory_space<vmem>>
        %dma_wait3A_96 = arith.constant 0 : i32
        %dma_wait3A_97 = arith.constant 0 : i32
        %dma_wait3A_98 = tpu.memref_slice %arg3[%dma_wait3A_96, %dma_wait3A_97] : memref<49152x64xf32, #tpu.memory_space<hbm>> -> memref<49152x64xf32, #tpu.memory_space<hbm>>
        tpu.wait_indirect_dma semaphore(%arg13 : memref<!tpu.dma_semaphore, #tpu.memory_space<semaphore_mem>>) src(%dma_wait3A_98 : memref<49152x64xf32, #tpu.memory_space<hbm>>) dst(%dma_wait3A_94 : memref<128x64xf32, #tpu.memory_space<vmem>>)
        %dma_wait3A_99 = arith.constant 128 : i32
        %dma_wait3A_100 = arith.constant 0 : i32
        %dma_wait3A_101 = tpu.memref_slice %arg9[%dma_wait3A_99, %dma_wait3A_100] : memref<256x64xf32, #tpu.memory_space<vmem>> -> memref<128x64xf32, #tpu.memory_space<vmem>>
        %dma_wait3A_102 = tpu.memref_slice %arg7[%add3A_70] : memref<5120xi32, #tpu.memory_space<vmem>> -> memref<128xi32, #tpu.memory_space<vmem>>
        %dma_wait3A_103 = arith.constant 0 : i32
        %dma_wait3A_104 = arith.constant 0 : i32
        %dma_wait3A_105 = tpu.memref_slice %arg3[%dma_wait3A_103, %dma_wait3A_104] : memref<49152x64xf32, #tpu.memory_space<hbm>> -> memref<49152x64xf32, #tpu.memory_space<hbm>>
        tpu.wait_indirect_dma semaphore(%arg13 : memref<!tpu.dma_semaphore, #tpu.memory_space<semaphore_mem>>) src(%dma_wait3A_105 : memref<49152x64xf32, #tpu.memory_space<hbm>>) dst(%dma_wait3A_101 : memref<128x64xf32, #tpu.memory_space<vmem>>)
        %dma_wait3A_106 = arith.constant 128 : i32
        %dma_wait3A_107 = arith.constant 0 : i32
        %dma_wait3A_108 = tpu.memref_slice %arg10[%dma_wait3A_106, %dma_wait3A_107] : memref<256x64xf32, #tpu.memory_space<vmem>> -> memref<128x64xf32, #tpu.memory_space<vmem>>
        %dma_wait3A_109 = tpu.memref_slice %arg8[%add3A_70] : memref<5120xi32, #tpu.memory_space<vmem>> -> memref<128xi32, #tpu.memory_space<vmem>>
        %dma_wait3A_110 = arith.constant 0 : i32
        %dma_wait3A_111 = arith.constant 0 : i32
        %dma_wait3A_112 = tpu.memref_slice %arg3[%dma_wait3A_110, %dma_wait3A_111] : memref<49152x64xf32, #tpu.memory_space<hbm>> -> memref<49152x64xf32, #tpu.memory_space<hbm>>
        tpu.wait_indirect_dma semaphore(%arg13 : memref<!tpu.dma_semaphore, #tpu.memory_space<semaphore_mem>>) src(%dma_wait3A_112 : memref<49152x64xf32, #tpu.memory_space<hbm>>) dst(%dma_wait3A_108 : memref<128x64xf32, #tpu.memory_space<vmem>>)
        %mul3A_113 = arith.constant 5120 : i32
        %mul3A_114 = arith.muli %add3A, %mul3A_113 : i32
        %add3A_115 = arith.constant 40962 : i32
        %add3A_116 = arith.addi %add3A_115, %mul3A_114 : i32
        %mul3A_117 = arith.constant 256 : i32
        %mul3A_118 = arith.muli %mul3A_45, %mul3A_117 : i32
        %add3A_119 = arith.addi %add3A_116, %mul3A_118 : i32
        %dma_start3A_120 = arith.constant 0 : i32
        %dma_start3A_121 = tpu.memref_slice %arg5[%add3A_119, %dma_start3A_120] : memref<163842x128xf32, #tpu.memory_space<hbm>> -> memref<256x64xf32, #tpu.memory_space<hbm>>
        %dma_start3A_122 = arith.constant 0 : i32
        %dma_start3A_123 = tpu.memref_slice %arg5[%add3A_119, %dma_start3A_122] : memref<163842x128xf32, #tpu.memory_space<hbm>> -> memref<256x64xf32, #tpu.memory_space<hbm>>
        tpu.enqueue_dma source(%arg9 : memref<256x64xf32, #tpu.memory_space<vmem>>) target(%dma_start3A_123 : memref<256x64xf32, #tpu.memory_space<hbm>>) target_semaphore(%arg15 : memref<!tpu.dma_semaphore, #tpu.memory_space<semaphore_mem>>)
        %dma_start3A_124 = arith.constant 64 : i32
        %dma_start3A_125 = tpu.memref_slice %arg5[%add3A_119, %dma_start3A_124] : memref<163842x128xf32, #tpu.memory_space<hbm>> -> memref<256x64xf32, #tpu.memory_space<hbm>>
        %dma_start3A_126 = arith.constant 64 : i32
        %dma_start3A_127 = tpu.memref_slice %arg5[%add3A_119, %dma_start3A_126] : memref<163842x128xf32, #tpu.memory_space<hbm>> -> memref<256x64xf32, #tpu.memory_space<hbm>>
        tpu.enqueue_dma source(%arg10 : memref<256x64xf32, #tpu.memory_space<vmem>>) target(%dma_start3A_127 : memref<256x64xf32, #tpu.memory_space<hbm>>) target_semaphore(%arg15 : memref<!tpu.dma_semaphore, #tpu.memory_space<semaphore_mem>>)
        %mul3A_128 = arith.constant 2 : i32
        %mul3A_129 = arith.muli %mul3A_128, %scan3A_43 : i32
        %add3A_130 = arith.constant 1 : i32
        %add3A_131 = arith.addi %mul3A_129, %add3A_130 : i32
        %gt3A_132 = arith.constant 0 : i32
        %gt3A_133 = arith.cmpi sgt, %scan3A_43, %gt3A_132 : i32
        %convert_element_type3A_134 = arith.extui %gt3A_133 : i1 to i32
        %cond3A_135 = arith.constant 0 : i32
        %cond3A_136 = arith.cmpi ne, %convert_element_type3A_134, %cond3A_135 : i32
        scf.if %cond3A_136 {
          %dma_wait3A_216 = arith.constant 0 : i32
          %dma_wait3A_217 = arith.constant 0 : i32
          %dma_wait3A_218 = tpu.memref_slice %arg3[%dma_wait3A_216, %dma_wait3A_217] : memref<49152x64xf32, #tpu.memory_space<hbm>> -> memref<256x64xf32, #tpu.memory_space<hbm>>
          %dma_wait3A_219 = arith.constant 0 : i32
          %dma_wait3A_220 = arith.constant 0 : i32
          %dma_wait3A_221 = tpu.memref_slice %arg3[%dma_wait3A_219, %dma_wait3A_220] : memref<49152x64xf32, #tpu.memory_space<hbm>> -> memref<256x64xf32, #tpu.memory_space<hbm>>
          tpu.wait_dma2 semaphore(%arg16 : memref<!tpu.dma_semaphore, #tpu.memory_space<semaphore_mem>>) src(%dma_wait3A_221 : memref<256x64xf32, #tpu.memory_space<hbm>>) dst(%arg11 : memref<256x64xf32, #tpu.memory_space<vmem>>)
          %dma_wait3A_222 = arith.constant 0 : i32
          %dma_wait3A_223 = arith.constant 0 : i32
          %dma_wait3A_224 = tpu.memref_slice %arg3[%dma_wait3A_222, %dma_wait3A_223] : memref<49152x64xf32, #tpu.memory_space<hbm>> -> memref<256x64xf32, #tpu.memory_space<hbm>>
          %dma_wait3A_225 = arith.constant 0 : i32
          %dma_wait3A_226 = arith.constant 0 : i32
          %dma_wait3A_227 = tpu.memref_slice %arg3[%dma_wait3A_225, %dma_wait3A_226] : memref<49152x64xf32, #tpu.memory_space<hbm>> -> memref<256x64xf32, #tpu.memory_space<hbm>>
          tpu.wait_dma2 semaphore(%arg16 : memref<!tpu.dma_semaphore, #tpu.memory_space<semaphore_mem>>) src(%dma_wait3A_227 : memref<256x64xf32, #tpu.memory_space<hbm>>) dst(%arg12 : memref<256x64xf32, #tpu.memory_space<vmem>>)
        } else {
        }
        %mul3A_137 = arith.constant 256 : i32
        %mul3A_138 = arith.muli %add3A_131, %mul3A_137 : i32
        %add3A_139 = arith.constant 0 : i32
        %add3A_140 = arith.addi %mul3A_138, %add3A_139 : i32
        %dma_start3A_141 = arith.constant 0 : i32
        %dma_start3A_142 = arith.constant 0 : i32
        %dma_start3A_143 = tpu.memref_slice %arg11[%dma_start3A_141, %dma_start3A_142] : memref<256x64xf32, #tpu.memory_space<vmem>> -> memref<128x64xf32, #tpu.memory_space<vmem>>
        %dma_start3A_144 = tpu.memref_slice %arg7[%add3A_140] : memref<5120xi32, #tpu.memory_space<vmem>> -> memref<128xi32, #tpu.memory_space<vmem>>
        %dma_start3A_145 = arith.constant 0 : i32
        %dma_start3A_146 = arith.constant 0 : i32
        %dma_start3A_147 = tpu.memref_slice %arg3[%dma_start3A_145, %dma_start3A_146] : memref<49152x64xf32, #tpu.memory_space<hbm>> -> memref<49152x64xf32, #tpu.memory_space<hbm>>
        tpu.enqueue_indirect_dma source(%dma_start3A_147 : memref<49152x64xf32, #tpu.memory_space<hbm>>) target(%dma_start3A_143 : memref<128x64xf32, #tpu.memory_space<vmem>>) offsets(%dma_start3A_144 : memref<128xi32, #tpu.memory_space<vmem>>) semaphore(%arg14 : memref<!tpu.dma_semaphore, #tpu.memory_space<semaphore_mem>>)
        %dma_start3A_148 = arith.constant 0 : i32
        %dma_start3A_149 = arith.constant 0 : i32
        %dma_start3A_150 = tpu.memref_slice %arg12[%dma_start3A_148, %dma_start3A_149] : memref<256x64xf32, #tpu.memory_space<vmem>> -> memref<128x64xf32, #tpu.memory_space<vmem>>
        %dma_start3A_151 = tpu.memref_slice %arg8[%add3A_140] : memref<5120xi32, #tpu.memory_space<vmem>> -> memref<128xi32, #tpu.memory_space<vmem>>
        %dma_start3A_152 = arith.constant 0 : i32
        %dma_start3A_153 = arith.constant 0 : i32
        %dma_start3A_154 = tpu.memref_slice %arg3[%dma_start3A_152, %dma_start3A_153] : memref<49152x64xf32, #tpu.memory_space<hbm>> -> memref<49152x64xf32, #tpu.memory_space<hbm>>
        tpu.enqueue_indirect_dma source(%dma_start3A_154 : memref<49152x64xf32, #tpu.memory_space<hbm>>) target(%dma_start3A_150 : memref<128x64xf32, #tpu.memory_space<vmem>>) offsets(%dma_start3A_151 : memref<128xi32, #tpu.memory_space<vmem>>) semaphore(%arg14 : memref<!tpu.dma_semaphore, #tpu.memory_space<semaphore_mem>>)
        %mul3A_155 = arith.constant 256 : i32
        %mul3A_156 = arith.muli %add3A_131, %mul3A_155 : i32
        %add3A_157 = arith.constant 128 : i32
        %add3A_158 = arith.addi %mul3A_156, %add3A_157 : i32
        %dma_start3A_159 = arith.constant 128 : i32
        %dma_start3A_160 = arith.constant 0 : i32
        %dma_start3A_161 = tpu.memref_slice %arg11[%dma_start3A_159, %dma_start3A_160] : memref<256x64xf32, #tpu.memory_space<vmem>> -> memref<128x64xf32, #tpu.memory_space<vmem>>
        %dma_start3A_162 = tpu.memref_slice %arg7[%add3A_158] : memref<5120xi32, #tpu.memory_space<vmem>> -> memref<128xi32, #tpu.memory_space<vmem>>
        %dma_start3A_163 = arith.constant 0 : i32
        %dma_start3A_164 = arith.constant 0 : i32
        %dma_start3A_165 = tpu.memref_slice %arg3[%dma_start3A_163, %dma_start3A_164] : memref<49152x64xf32, #tpu.memory_space<hbm>> -> memref<49152x64xf32, #tpu.memory_space<hbm>>
        tpu.enqueue_indirect_dma source(%dma_start3A_165 : memref<49152x64xf32, #tpu.memory_space<hbm>>) target(%dma_start3A_161 : memref<128x64xf32, #tpu.memory_space<vmem>>) offsets(%dma_start3A_162 : memref<128xi32, #tpu.memory_space<vmem>>) semaphore(%arg14 : memref<!tpu.dma_semaphore, #tpu.memory_space<semaphore_mem>>)
        %dma_start3A_166 = arith.constant 128 : i32
        %dma_start3A_167 = arith.constant 0 : i32
        %dma_start3A_168 = tpu.memref_slice %arg12[%dma_start3A_166, %dma_start3A_167] : memref<256x64xf32, #tpu.memory_space<vmem>> -> memref<128x64xf32, #tpu.memory_space<vmem>>
        %dma_start3A_169 = tpu.memref_slice %arg8[%add3A_158] : memref<5120xi32, #tpu.memory_space<vmem>> -> memref<128xi32, #tpu.memory_space<vmem>>
        %dma_start3A_170 = arith.constant 0 : i32
        %dma_start3A_171 = arith.constant 0 : i32
        %dma_start3A_172 = tpu.memref_slice %arg3[%dma_start3A_170, %dma_start3A_171] : memref<49152x64xf32, #tpu.memory_space<hbm>> -> memref<49152x64xf32, #tpu.memory_space<hbm>>
        tpu.enqueue_indirect_dma source(%dma_start3A_172 : memref<49152x64xf32, #tpu.memory_space<hbm>>) target(%dma_start3A_168 : memref<128x64xf32, #tpu.memory_space<vmem>>) offsets(%dma_start3A_169 : memref<128xi32, #tpu.memory_space<vmem>>) semaphore(%arg14 : memref<!tpu.dma_semaphore, #tpu.memory_space<semaphore_mem>>)
        %dma_wait3A_173 = arith.constant 0 : i32
        %dma_wait3A_174 = arith.constant 0 : i32
        %dma_wait3A_175 = tpu.memref_slice %arg11[%dma_wait3A_173, %dma_wait3A_174] : memref<256x64xf32, #tpu.memory_space<vmem>> -> memref<128x64xf32, #tpu.memory_space<vmem>>
        %dma_wait3A_176 = tpu.memref_slice %arg7[%add3A_140] : memref<5120xi32, #tpu.memory_space<vmem>> -> memref<128xi32, #tpu.memory_space<vmem>>
        %dma_wait3A_177 = arith.constant 0 : i32
        %dma_wait3A_178 = arith.constant 0 : i32
        %dma_wait3A_179 = tpu.memref_slice %arg3[%dma_wait3A_177, %dma_wait3A_178] : memref<49152x64xf32, #tpu.memory_space<hbm>> -> memref<49152x64xf32, #tpu.memory_space<hbm>>
        tpu.wait_indirect_dma semaphore(%arg14 : memref<!tpu.dma_semaphore, #tpu.memory_space<semaphore_mem>>) src(%dma_wait3A_179 : memref<49152x64xf32, #tpu.memory_space<hbm>>) dst(%dma_wait3A_175 : memref<128x64xf32, #tpu.memory_space<vmem>>)
        %dma_wait3A_180 = arith.constant 0 : i32
        %dma_wait3A_181 = arith.constant 0 : i32
        %dma_wait3A_182 = tpu.memref_slice %arg12[%dma_wait3A_180, %dma_wait3A_181] : memref<256x64xf32, #tpu.memory_space<vmem>> -> memref<128x64xf32, #tpu.memory_space<vmem>>
        %dma_wait3A_183 = tpu.memref_slice %arg8[%add3A_140] : memref<5120xi32, #tpu.memory_space<vmem>> -> memref<128xi32, #tpu.memory_space<vmem>>
        %dma_wait3A_184 = arith.constant 0 : i32
        %dma_wait3A_185 = arith.constant 0 : i32
        %dma_wait3A_186 = tpu.memref_slice %arg3[%dma_wait3A_184, %dma_wait3A_185] : memref<49152x64xf32, #tpu.memory_space<hbm>> -> memref<49152x64xf32, #tpu.memory_space<hbm>>
        tpu.wait_indirect_dma semaphore(%arg14 : memref<!tpu.dma_semaphore, #tpu.memory_space<semaphore_mem>>) src(%dma_wait3A_186 : memref<49152x64xf32, #tpu.memory_space<hbm>>) dst(%dma_wait3A_182 : memref<128x64xf32, #tpu.memory_space<vmem>>)
        %dma_wait3A_187 = arith.constant 128 : i32
        %dma_wait3A_188 = arith.constant 0 : i32
        %dma_wait3A_189 = tpu.memref_slice %arg11[%dma_wait3A_187, %dma_wait3A_188] : memref<256x64xf32, #tpu.memory_space<vmem>> -> memref<128x64xf32, #tpu.memory_space<vmem>>
        %dma_wait3A_190 = tpu.memref_slice %arg7[%add3A_158] : memref<5120xi32, #tpu.memory_space<vmem>> -> memref<128xi32, #tpu.memory_space<vmem>>
        %dma_wait3A_191 = arith.constant 0 : i32
        %dma_wait3A_192 = arith.constant 0 : i32
        %dma_wait3A_193 = tpu.memref_slice %arg3[%dma_wait3A_191, %dma_wait3A_192] : memref<49152x64xf32, #tpu.memory_space<hbm>> -> memref<49152x64xf32, #tpu.memory_space<hbm>>
        tpu.wait_indirect_dma semaphore(%arg14 : memref<!tpu.dma_semaphore, #tpu.memory_space<semaphore_mem>>) src(%dma_wait3A_193 : memref<49152x64xf32, #tpu.memory_space<hbm>>) dst(%dma_wait3A_189 : memref<128x64xf32, #tpu.memory_space<vmem>>)
        %dma_wait3A_194 = arith.constant 128 : i32
        %dma_wait3A_195 = arith.constant 0 : i32
        %dma_wait3A_196 = tpu.memref_slice %arg12[%dma_wait3A_194, %dma_wait3A_195] : memref<256x64xf32, #tpu.memory_space<vmem>> -> memref<128x64xf32, #tpu.memory_space<vmem>>
        %dma_wait3A_197 = tpu.memref_slice %arg8[%add3A_158] : memref<5120xi32, #tpu.memory_space<vmem>> -> memref<128xi32, #tpu.memory_space<vmem>>
        %dma_wait3A_198 = arith.constant 0 : i32
        %dma_wait3A_199 = arith.constant 0 : i32
        %dma_wait3A_200 = tpu.memref_slice %arg3[%dma_wait3A_198, %dma_wait3A_199] : memref<49152x64xf32, #tpu.memory_space<hbm>> -> memref<49152x64xf32, #tpu.memory_space<hbm>>
        tpu.wait_indirect_dma semaphore(%arg14 : memref<!tpu.dma_semaphore, #tpu.memory_space<semaphore_mem>>) src(%dma_wait3A_200 : memref<49152x64xf32, #tpu.memory_space<hbm>>) dst(%dma_wait3A_196 : memref<128x64xf32, #tpu.memory_space<vmem>>)
        %mul3A_201 = arith.constant 5120 : i32
        %mul3A_202 = arith.muli %add3A, %mul3A_201 : i32
        %add3A_203 = arith.constant 40962 : i32
        %add3A_204 = arith.addi %add3A_203, %mul3A_202 : i32
        %mul3A_205 = arith.constant 256 : i32
        %mul3A_206 = arith.muli %add3A_131, %mul3A_205 : i32
        %add3A_207 = arith.addi %add3A_204, %mul3A_206 : i32
        %dma_start3A_208 = arith.constant 0 : i32
        %dma_start3A_209 = tpu.memref_slice %arg5[%add3A_207, %dma_start3A_208] : memref<163842x128xf32, #tpu.memory_space<hbm>> -> memref<256x64xf32, #tpu.memory_space<hbm>>
        %dma_start3A_210 = arith.constant 0 : i32
        %dma_start3A_211 = tpu.memref_slice %arg5[%add3A_207, %dma_start3A_210] : memref<163842x128xf32, #tpu.memory_space<hbm>> -> memref<256x64xf32, #tpu.memory_space<hbm>>
        tpu.enqueue_dma source(%arg11 : memref<256x64xf32, #tpu.memory_space<vmem>>) target(%dma_start3A_211 : memref<256x64xf32, #tpu.memory_space<hbm>>) target_semaphore(%arg16 : memref<!tpu.dma_semaphore, #tpu.memory_space<semaphore_mem>>)
        %dma_start3A_212 = arith.constant 64 : i32
        %dma_start3A_213 = tpu.memref_slice %arg5[%add3A_207, %dma_start3A_212] : memref<163842x128xf32, #tpu.memory_space<hbm>> -> memref<256x64xf32, #tpu.memory_space<hbm>>
        %dma_start3A_214 = arith.constant 64 : i32
        %dma_start3A_215 = tpu.memref_slice %arg5[%add3A_207, %dma_start3A_214] : memref<163842x128xf32, #tpu.memory_space<hbm>> -> memref<256x64xf32, #tpu.memory_space<hbm>>
        tpu.enqueue_dma source(%arg12 : memref<256x64xf32, #tpu.memory_space<vmem>>) target(%dma_start3A_215 : memref<256x64xf32, #tpu.memory_space<hbm>>) target_semaphore(%arg16 : memref<!tpu.dma_semaphore, #tpu.memory_space<semaphore_mem>>)
      }
      %scan3A_19 = arith.constant 10 : i32
      %dma_wait3A = arith.constant 0 : i32
      %dma_wait3A_20 = arith.constant 0 : i32
      %dma_wait3A_21 = tpu.memref_slice %arg3[%dma_wait3A, %dma_wait3A_20] : memref<49152x64xf32, #tpu.memory_space<hbm>> -> memref<256x64xf32, #tpu.memory_space<hbm>>
      %dma_wait3A_22 = arith.constant 0 : i32
      %dma_wait3A_23 = arith.constant 0 : i32
      %dma_wait3A_24 = tpu.memref_slice %arg3[%dma_wait3A_22, %dma_wait3A_23] : memref<49152x64xf32, #tpu.memory_space<hbm>> -> memref<256x64xf32, #tpu.memory_space<hbm>>
      tpu.wait_dma2 semaphore(%arg15 : memref<!tpu.dma_semaphore, #tpu.memory_space<semaphore_mem>>) src(%dma_wait3A_24 : memref<256x64xf32, #tpu.memory_space<hbm>>) dst(%arg9 : memref<256x64xf32, #tpu.memory_space<vmem>>)
      %dma_wait3A_25 = arith.constant 0 : i32
      %dma_wait3A_26 = arith.constant 0 : i32
      %dma_wait3A_27 = tpu.memref_slice %arg3[%dma_wait3A_25, %dma_wait3A_26] : memref<49152x64xf32, #tpu.memory_space<hbm>> -> memref<256x64xf32, #tpu.memory_space<hbm>>
      %dma_wait3A_28 = arith.constant 0 : i32
      %dma_wait3A_29 = arith.constant 0 : i32
      %dma_wait3A_30 = tpu.memref_slice %arg3[%dma_wait3A_28, %dma_wait3A_29] : memref<49152x64xf32, #tpu.memory_space<hbm>> -> memref<256x64xf32, #tpu.memory_space<hbm>>
      tpu.wait_dma2 semaphore(%arg15 : memref<!tpu.dma_semaphore, #tpu.memory_space<semaphore_mem>>) src(%dma_wait3A_30 : memref<256x64xf32, #tpu.memory_space<hbm>>) dst(%arg10 : memref<256x64xf32, #tpu.memory_space<vmem>>)
      %dma_wait3A_31 = arith.constant 0 : i32
      %dma_wait3A_32 = arith.constant 0 : i32
      %dma_wait3A_33 = tpu.memref_slice %arg3[%dma_wait3A_31, %dma_wait3A_32] : memref<49152x64xf32, #tpu.memory_space<hbm>> -> memref<256x64xf32, #tpu.memory_space<hbm>>
      %dma_wait3A_34 = arith.constant 0 : i32
      %dma_wait3A_35 = arith.constant 0 : i32
      %dma_wait3A_36 = tpu.memref_slice %arg3[%dma_wait3A_34, %dma_wait3A_35] : memref<49152x64xf32, #tpu.memory_space<hbm>> -> memref<256x64xf32, #tpu.memory_space<hbm>>
      tpu.wait_dma2 semaphore(%arg16 : memref<!tpu.dma_semaphore, #tpu.memory_space<semaphore_mem>>) src(%dma_wait3A_36 : memref<256x64xf32, #tpu.memory_space<hbm>>) dst(%arg11 : memref<256x64xf32, #tpu.memory_space<vmem>>)
      %dma_wait3A_37 = arith.constant 0 : i32
      %dma_wait3A_38 = arith.constant 0 : i32
      %dma_wait3A_39 = tpu.memref_slice %arg3[%dma_wait3A_37, %dma_wait3A_38] : memref<49152x64xf32, #tpu.memory_space<hbm>> -> memref<256x64xf32, #tpu.memory_space<hbm>>
      %dma_wait3A_40 = arith.constant 0 : i32
      %dma_wait3A_41 = arith.constant 0 : i32
      %dma_wait3A_42 = tpu.memref_slice %arg3[%dma_wait3A_40, %dma_wait3A_41] : memref<49152x64xf32, #tpu.memory_space<hbm>> -> memref<256x64xf32, #tpu.memory_space<hbm>>
      tpu.wait_dma2 semaphore(%arg16 : memref<!tpu.dma_semaphore, #tpu.memory_space<semaphore_mem>>) src(%dma_wait3A_42 : memref<256x64xf32, #tpu.memory_space<hbm>>) dst(%arg12 : memref<256x64xf32, #tpu.memory_space<vmem>>)
    } else {
    }
    %ge3A = arith.constant 24 : i32
    %ge3A_3 = arith.cmpi sge, %add3A, %ge3A : i32
    %convert_element_type3A_4 = arith.extui %ge3A_3 : i1 to i32
    %cond3A_5 = arith.constant 0 : i32
    %cond3A_6 = arith.cmpi ne, %convert_element_type3A_4, %cond3A_5 : i32
    scf.if %cond3A_6 {
      %sub3A = arith.constant 24 : i32
      %sub3A_7 = arith.subi %add3A, %sub3A : i32
      %mul3A_8 = arith.constant 5120 : i32
      %mul3A_9 = arith.muli %sub3A_7, %mul3A_8 : i32
      %add3A_10 = arith.constant 0 : i32
      %add3A_11 = arith.addi %mul3A_9, %add3A_10 : i32
      %dma_start3A = arith.constant 0 : i32
      %dma_start3A_12 = tpu.memref_slice %arg2[%add3A_11, %dma_start3A] : memref<40962x128xf32, #tpu.memory_space<hbm>> -> memref<256x64xf32, #tpu.memory_space<hbm>>
      %dma_start3A_13 = arith.constant 0 : i32
      %dma_start3A_14 = tpu.memref_slice %arg2[%add3A_11, %dma_start3A_13] : memref<40962x128xf32, #tpu.memory_space<hbm>> -> memref<256x64xf32, #tpu.memory_space<hbm>>
      tpu.enqueue_dma source(%dma_start3A_14 : memref<256x64xf32, #tpu.memory_space<hbm>>) target(%arg9 : memref<256x64xf32, #tpu.memory_space<vmem>>) target_semaphore(%arg13 : memref<!tpu.dma_semaphore, #tpu.memory_space<semaphore_mem>>)
      %dma_start3A_15 = arith.constant 64 : i32
      %dma_start3A_16 = tpu.memref_slice %arg2[%add3A_11, %dma_start3A_15] : memref<40962x128xf32, #tpu.memory_space<hbm>> -> memref<256x64xf32, #tpu.memory_space<hbm>>
      %dma_start3A_17 = arith.constant 64 : i32
      %dma_start3A_18 = tpu.memref_slice %arg2[%add3A_11, %dma_start3A_17] : memref<40962x128xf32, #tpu.memory_space<hbm>> -> memref<256x64xf32, #tpu.memory_space<hbm>>
      tpu.enqueue_dma source(%dma_start3A_18 : memref<256x64xf32, #tpu.memory_space<hbm>>) target(%arg10 : memref<256x64xf32, #tpu.memory_space<vmem>>) target_semaphore(%arg13 : memref<!tpu.dma_semaphore, #tpu.memory_space<semaphore_mem>>)
      %dma_wait3A = arith.constant 0 : i32
      %dma_wait3A_19 = tpu.memref_slice %arg2[%add3A_11, %dma_wait3A] : memref<40962x128xf32, #tpu.memory_space<hbm>> -> memref<256x64xf32, #tpu.memory_space<hbm>>
      %dma_wait3A_20 = arith.constant 0 : i32
      %dma_wait3A_21 = tpu.memref_slice %arg2[%add3A_11, %dma_wait3A_20] : memref<40962x128xf32, #tpu.memory_space<hbm>> -> memref<256x64xf32, #tpu.memory_space<hbm>>
      tpu.wait_dma2 semaphore(%arg13 : memref<!tpu.dma_semaphore, #tpu.memory_space<semaphore_mem>>) src(%dma_wait3A_21 : memref<256x64xf32, #tpu.memory_space<hbm>>) dst(%arg9 : memref<256x64xf32, #tpu.memory_space<vmem>>)
      %dma_wait3A_22 = arith.constant 64 : i32
      %dma_wait3A_23 = tpu.memref_slice %arg2[%add3A_11, %dma_wait3A_22] : memref<40962x128xf32, #tpu.memory_space<hbm>> -> memref<256x64xf32, #tpu.memory_space<hbm>>
      %dma_wait3A_24 = arith.constant 64 : i32
      %dma_wait3A_25 = tpu.memref_slice %arg2[%add3A_11, %dma_wait3A_24] : memref<40962x128xf32, #tpu.memory_space<hbm>> -> memref<256x64xf32, #tpu.memory_space<hbm>>
      tpu.wait_dma2 semaphore(%arg13 : memref<!tpu.dma_semaphore, #tpu.memory_space<semaphore_mem>>) src(%dma_wait3A_25 : memref<256x64xf32, #tpu.memory_space<hbm>>) dst(%arg10 : memref<256x64xf32, #tpu.memory_space<vmem>>)
      %dma_start3A_26 = arith.constant 0 : i32
      %dma_start3A_27 = tpu.memref_slice %arg5[%add3A_11, %dma_start3A_26] : memref<163842x128xf32, #tpu.memory_space<hbm>> -> memref<256x64xf32, #tpu.memory_space<hbm>>
      %dma_start3A_28 = arith.constant 0 : i32
      %dma_start3A_29 = tpu.memref_slice %arg5[%add3A_11, %dma_start3A_28] : memref<163842x128xf32, #tpu.memory_space<hbm>> -> memref<256x64xf32, #tpu.memory_space<hbm>>
      tpu.enqueue_dma source(%arg9 : memref<256x64xf32, #tpu.memory_space<vmem>>) target(%dma_start3A_29 : memref<256x64xf32, #tpu.memory_space<hbm>>) target_semaphore(%arg15 : memref<!tpu.dma_semaphore, #tpu.memory_space<semaphore_mem>>)
      %dma_start3A_30 = arith.constant 64 : i32
      %dma_start3A_31 = tpu.memref_slice %arg5[%add3A_11, %dma_start3A_30] : memref<163842x128xf32, #tpu.memory_space<hbm>> -> memref<256x64xf32, #tpu.memory_space<hbm>>
      %dma_start3A_32 = arith.constant 64 : i32
      %dma_start3A_33 = tpu.memref_slice %arg5[%add3A_11, %dma_start3A_32] : memref<163842x128xf32, #tpu.memory_space<hbm>> -> memref<256x64xf32, #tpu.memory_space<hbm>>
      tpu.enqueue_dma source(%arg10 : memref<256x64xf32, #tpu.memory_space<vmem>>) target(%dma_start3A_33 : memref<256x64xf32, #tpu.memory_space<hbm>>) target_semaphore(%arg15 : memref<!tpu.dma_semaphore, #tpu.memory_space<semaphore_mem>>)
      %mul3A_34 = arith.constant 5120 : i32
      %mul3A_35 = arith.muli %sub3A_7, %mul3A_34 : i32
      %add3A_36 = arith.constant 256 : i32
      %add3A_37 = arith.addi %mul3A_35, %add3A_36 : i32
      %dma_start3A_38 = arith.constant 0 : i32
      %dma_start3A_39 = tpu.memref_slice %arg2[%add3A_37, %dma_start3A_38] : memref<40962x128xf32, #tpu.memory_space<hbm>> -> memref<256x64xf32, #tpu.memory_space<hbm>>
      %dma_start3A_40 = arith.constant 0 : i32
      %dma_start3A_41 = tpu.memref_slice %arg2[%add3A_37, %dma_start3A_40] : memref<40962x128xf32, #tpu.memory_space<hbm>> -> memref<256x64xf32, #tpu.memory_space<hbm>>
      tpu.enqueue_dma source(%dma_start3A_41 : memref<256x64xf32, #tpu.memory_space<hbm>>) target(%arg11 : memref<256x64xf32, #tpu.memory_space<vmem>>) target_semaphore(%arg14 : memref<!tpu.dma_semaphore, #tpu.memory_space<semaphore_mem>>)
      %dma_start3A_42 = arith.constant 64 : i32
      %dma_start3A_43 = tpu.memref_slice %arg2[%add3A_37, %dma_start3A_42] : memref<40962x128xf32, #tpu.memory_space<hbm>> -> memref<256x64xf32, #tpu.memory_space<hbm>>
      %dma_start3A_44 = arith.constant 64 : i32
      %dma_start3A_45 = tpu.memref_slice %arg2[%add3A_37, %dma_start3A_44] : memref<40962x128xf32, #tpu.memory_space<hbm>> -> memref<256x64xf32, #tpu.memory_space<hbm>>
      tpu.enqueue_dma source(%dma_start3A_45 : memref<256x64xf32, #tpu.memory_space<hbm>>) target(%arg12 : memref<256x64xf32, #tpu.memory_space<vmem>>) target_semaphore(%arg14 : memref<!tpu.dma_semaphore, #tpu.memory_space<semaphore_mem>>)
      %dma_wait3A_46 = arith.constant 0 : i32
      %dma_wait3A_47 = tpu.memref_slice %arg2[%add3A_37, %dma_wait3A_46] : memref<40962x128xf32, #tpu.memory_space<hbm>> -> memref<256x64xf32, #tpu.memory_space<hbm>>
      %dma_wait3A_48 = arith.constant 0 : i32
      %dma_wait3A_49 = tpu.memref_slice %arg2[%add3A_37, %dma_wait3A_48] : memref<40962x128xf32, #tpu.memory_space<hbm>> -> memref<256x64xf32, #tpu.memory_space<hbm>>
      tpu.wait_dma2 semaphore(%arg14 : memref<!tpu.dma_semaphore, #tpu.memory_space<semaphore_mem>>) src(%dma_wait3A_49 : memref<256x64xf32, #tpu.memory_space<hbm>>) dst(%arg11 : memref<256x64xf32, #tpu.memory_space<vmem>>)
      %dma_wait3A_50 = arith.constant 64 : i32
      %dma_wait3A_51 = tpu.memref_slice %arg2[%add3A_37, %dma_wait3A_50] : memref<40962x128xf32, #tpu.memory_space<hbm>> -> memref<256x64xf32, #tpu.memory_space<hbm>>
      %dma_wait3A_52 = arith.constant 64 : i32
      %dma_wait3A_53 = tpu.memref_slice %arg2[%add3A_37, %dma_wait3A_52] : memref<40962x128xf32, #tpu.memory_space<hbm>> -> memref<256x64xf32, #tpu.memory_space<hbm>>
      tpu.wait_dma2 semaphore(%arg14 : memref<!tpu.dma_semaphore, #tpu.memory_space<semaphore_mem>>) src(%dma_wait3A_53 : memref<256x64xf32, #tpu.memory_space<hbm>>) dst(%arg12 : memref<256x64xf32, #tpu.memory_space<vmem>>)
      %dma_start3A_54 = arith.constant 0 : i32
      %dma_start3A_55 = tpu.memref_slice %arg5[%add3A_37, %dma_start3A_54] : memref<163842x128xf32, #tpu.memory_space<hbm>> -> memref<256x64xf32, #tpu.memory_space<hbm>>
      %dma_start3A_56 = arith.constant 0 : i32
      %dma_start3A_57 = tpu.memref_slice %arg5[%add3A_37, %dma_start3A_56] : memref<163842x128xf32, #tpu.memory_space<hbm>> -> memref<256x64xf32, #tpu.memory_space<hbm>>
      tpu.enqueue_dma source(%arg11 : memref<256x64xf32, #tpu.memory_space<vmem>>) target(%dma_start3A_57 : memref<256x64xf32, #tpu.memory_space<hbm>>) target_semaphore(%arg16 : memref<!tpu.dma_semaphore, #tpu.memory_space<semaphore_mem>>)
      %dma_start3A_58 = arith.constant 64 : i32
      %dma_start3A_59 = tpu.memref_slice %arg5[%add3A_37, %dma_start3A_58] : memref<163842x128xf32, #tpu.memory_space<hbm>> -> memref<256x64xf32, #tpu.memory_space<hbm>>
      %dma_start3A_60 = arith.constant 64 : i32
      %dma_start3A_61 = tpu.memref_slice %arg5[%add3A_37, %dma_start3A_60] : memref<163842x128xf32, #tpu.memory_space<hbm>> -> memref<256x64xf32, #tpu.memory_space<hbm>>
      tpu.enqueue_dma source(%arg12 : memref<256x64xf32, #tpu.memory_space<vmem>>) target(%dma_start3A_61 : memref<256x64xf32, #tpu.memory_space<hbm>>) target_semaphore(%arg16 : memref<!tpu.dma_semaphore, #tpu.memory_space<semaphore_mem>>)
      %mul3A_62 = arith.constant 5120 : i32
      %mul3A_63 = arith.muli %sub3A_7, %mul3A_62 : i32
      %add3A_64 = arith.constant 512 : i32
      %add3A_65 = arith.addi %mul3A_63, %add3A_64 : i32
      %dma_wait3A_66 = arith.constant 0 : i32
      %dma_wait3A_67 = arith.constant 0 : i32
      %dma_wait3A_68 = tpu.memref_slice %arg3[%dma_wait3A_66, %dma_wait3A_67] : memref<49152x64xf32, #tpu.memory_space<hbm>> -> memref<256x64xf32, #tpu.memory_space<hbm>>
      %dma_wait3A_69 = arith.constant 0 : i32
      %dma_wait3A_70 = arith.constant 0 : i32
      %dma_wait3A_71 = tpu.memref_slice %arg3[%dma_wait3A_69, %dma_wait3A_70] : memref<49152x64xf32, #tpu.memory_space<hbm>> -> memref<256x64xf32, #tpu.memory_space<hbm>>
      tpu.wait_dma2 semaphore(%arg15 : memref<!tpu.dma_semaphore, #tpu.memory_space<semaphore_mem>>) src(%dma_wait3A_71 : memref<256x64xf32, #tpu.memory_space<hbm>>) dst(%arg9 : memref<256x64xf32, #tpu.memory_space<vmem>>)
      %dma_wait3A_72 = arith.constant 0 : i32
      %dma_wait3A_73 = arith.constant 0 : i32
      %dma_wait3A_74 = tpu.memref_slice %arg3[%dma_wait3A_72, %dma_wait3A_73] : memref<49152x64xf32, #tpu.memory_space<hbm>> -> memref<256x64xf32, #tpu.memory_space<hbm>>
      %dma_wait3A_75 = arith.constant 0 : i32
      %dma_wait3A_76 = arith.constant 0 : i32
      %dma_wait3A_77 = tpu.memref_slice %arg3[%dma_wait3A_75, %dma_wait3A_76] : memref<49152x64xf32, #tpu.memory_space<hbm>> -> memref<256x64xf32, #tpu.memory_space<hbm>>
      tpu.wait_dma2 semaphore(%arg15 : memref<!tpu.dma_semaphore, #tpu.memory_space<semaphore_mem>>) src(%dma_wait3A_77 : memref<256x64xf32, #tpu.memory_space<hbm>>) dst(%arg10 : memref<256x64xf32, #tpu.memory_space<vmem>>)
      %dma_start3A_78 = arith.constant 0 : i32
      %dma_start3A_79 = tpu.memref_slice %arg2[%add3A_65, %dma_start3A_78] : memref<40962x128xf32, #tpu.memory_space<hbm>> -> memref<256x64xf32, #tpu.memory_space<hbm>>
      %dma_start3A_80 = arith.constant 0 : i32
      %dma_start3A_81 = tpu.memref_slice %arg2[%add3A_65, %dma_start3A_80] : memref<40962x128xf32, #tpu.memory_space<hbm>> -> memref<256x64xf32, #tpu.memory_space<hbm>>
      tpu.enqueue_dma source(%dma_start3A_81 : memref<256x64xf32, #tpu.memory_space<hbm>>) target(%arg9 : memref<256x64xf32, #tpu.memory_space<vmem>>) target_semaphore(%arg13 : memref<!tpu.dma_semaphore, #tpu.memory_space<semaphore_mem>>)
      %dma_start3A_82 = arith.constant 64 : i32
      %dma_start3A_83 = tpu.memref_slice %arg2[%add3A_65, %dma_start3A_82] : memref<40962x128xf32, #tpu.memory_space<hbm>> -> memref<256x64xf32, #tpu.memory_space<hbm>>
      %dma_start3A_84 = arith.constant 64 : i32
      %dma_start3A_85 = tpu.memref_slice %arg2[%add3A_65, %dma_start3A_84] : memref<40962x128xf32, #tpu.memory_space<hbm>> -> memref<256x64xf32, #tpu.memory_space<hbm>>
      tpu.enqueue_dma source(%dma_start3A_85 : memref<256x64xf32, #tpu.memory_space<hbm>>) target(%arg10 : memref<256x64xf32, #tpu.memory_space<vmem>>) target_semaphore(%arg13 : memref<!tpu.dma_semaphore, #tpu.memory_space<semaphore_mem>>)
      %dma_wait3A_86 = arith.constant 0 : i32
      %dma_wait3A_87 = tpu.memref_slice %arg2[%add3A_65, %dma_wait3A_86] : memref<40962x128xf32, #tpu.memory_space<hbm>> -> memref<256x64xf32, #tpu.memory_space<hbm>>
      %dma_wait3A_88 = arith.constant 0 : i32
      %dma_wait3A_89 = tpu.memref_slice %arg2[%add3A_65, %dma_wait3A_88] : memref<40962x128xf32, #tpu.memory_space<hbm>> -> memref<256x64xf32, #tpu.memory_space<hbm>>
      tpu.wait_dma2 semaphore(%arg13 : memref<!tpu.dma_semaphore, #tpu.memory_space<semaphore_mem>>) src(%dma_wait3A_89 : memref<256x64xf32, #tpu.memory_space<hbm>>) dst(%arg9 : memref<256x64xf32, #tpu.memory_space<vmem>>)
      %dma_wait3A_90 = arith.constant 64 : i32
      %dma_wait3A_91 = tpu.memref_slice %arg2[%add3A_65, %dma_wait3A_90] : memref<40962x128xf32, #tpu.memory_space<hbm>> -> memref<256x64xf32, #tpu.memory_space<hbm>>
      %dma_wait3A_92 = arith.constant 64 : i32
      %dma_wait3A_93 = tpu.memref_slice %arg2[%add3A_65, %dma_wait3A_92] : memref<40962x128xf32, #tpu.memory_space<hbm>> -> memref<256x64xf32, #tpu.memory_space<hbm>>
      tpu.wait_dma2 semaphore(%arg13 : memref<!tpu.dma_semaphore, #tpu.memory_space<semaphore_mem>>) src(%dma_wait3A_93 : memref<256x64xf32, #tpu.memory_space<hbm>>) dst(%arg10 : memref<256x64xf32, #tpu.memory_space<vmem>>)
      %dma_start3A_94 = arith.constant 0 : i32
      %dma_start3A_95 = tpu.memref_slice %arg5[%add3A_65, %dma_start3A_94] : memref<163842x128xf32, #tpu.memory_space<hbm>> -> memref<256x64xf32, #tpu.memory_space<hbm>>
      %dma_start3A_96 = arith.constant 0 : i32
      %dma_start3A_97 = tpu.memref_slice %arg5[%add3A_65, %dma_start3A_96] : memref<163842x128xf32, #tpu.memory_space<hbm>> -> memref<256x64xf32, #tpu.memory_space<hbm>>
      tpu.enqueue_dma source(%arg9 : memref<256x64xf32, #tpu.memory_space<vmem>>) target(%dma_start3A_97 : memref<256x64xf32, #tpu.memory_space<hbm>>) target_semaphore(%arg15 : memref<!tpu.dma_semaphore, #tpu.memory_space<semaphore_mem>>)
      %dma_start3A_98 = arith.constant 64 : i32
      %dma_start3A_99 = tpu.memref_slice %arg5[%add3A_65, %dma_start3A_98] : memref<163842x128xf32, #tpu.memory_space<hbm>> -> memref<256x64xf32, #tpu.memory_space<hbm>>
      %dma_start3A_100 = arith.constant 64 : i32
      %dma_start3A_101 = tpu.memref_slice %arg5[%add3A_65, %dma_start3A_100] : memref<163842x128xf32, #tpu.memory_space<hbm>> -> memref<256x64xf32, #tpu.memory_space<hbm>>
      tpu.enqueue_dma source(%arg10 : memref<256x64xf32, #tpu.memory_space<vmem>>) target(%dma_start3A_101 : memref<256x64xf32, #tpu.memory_space<hbm>>) target_semaphore(%arg15 : memref<!tpu.dma_semaphore, #tpu.memory_space<semaphore_mem>>)
      %mul3A_102 = arith.constant 5120 : i32
      %mul3A_103 = arith.muli %sub3A_7, %mul3A_102 : i32
      %add3A_104 = arith.constant 768 : i32
      %add3A_105 = arith.addi %mul3A_103, %add3A_104 : i32
      %dma_wait3A_106 = arith.constant 0 : i32
      %dma_wait3A_107 = arith.constant 0 : i32
      %dma_wait3A_108 = tpu.memref_slice %arg3[%dma_wait3A_106, %dma_wait3A_107] : memref<49152x64xf32, #tpu.memory_space<hbm>> -> memref<256x64xf32, #tpu.memory_space<hbm>>
      %dma_wait3A_109 = arith.constant 0 : i32
      %dma_wait3A_110 = arith.constant 0 : i32
      %dma_wait3A_111 = tpu.memref_slice %arg3[%dma_wait3A_109, %dma_wait3A_110] : memref<49152x64xf32, #tpu.memory_space<hbm>> -> memref<256x64xf32, #tpu.memory_space<hbm>>
      tpu.wait_dma2 semaphore(%arg16 : memref<!tpu.dma_semaphore, #tpu.memory_space<semaphore_mem>>) src(%dma_wait3A_111 : memref<256x64xf32, #tpu.memory_space<hbm>>) dst(%arg11 : memref<256x64xf32, #tpu.memory_space<vmem>>)
      %dma_wait3A_112 = arith.constant 0 : i32
      %dma_wait3A_113 = arith.constant 0 : i32
      %dma_wait3A_114 = tpu.memref_slice %arg3[%dma_wait3A_112, %dma_wait3A_113] : memref<49152x64xf32, #tpu.memory_space<hbm>> -> memref<256x64xf32, #tpu.memory_space<hbm>>
      %dma_wait3A_115 = arith.constant 0 : i32
      %dma_wait3A_116 = arith.constant 0 : i32
      %dma_wait3A_117 = tpu.memref_slice %arg3[%dma_wait3A_115, %dma_wait3A_116] : memref<49152x64xf32, #tpu.memory_space<hbm>> -> memref<256x64xf32, #tpu.memory_space<hbm>>
      tpu.wait_dma2 semaphore(%arg16 : memref<!tpu.dma_semaphore, #tpu.memory_space<semaphore_mem>>) src(%dma_wait3A_117 : memref<256x64xf32, #tpu.memory_space<hbm>>) dst(%arg12 : memref<256x64xf32, #tpu.memory_space<vmem>>)
      %dma_start3A_118 = arith.constant 0 : i32
      %dma_start3A_119 = tpu.memref_slice %arg2[%add3A_105, %dma_start3A_118] : memref<40962x128xf32, #tpu.memory_space<hbm>> -> memref<256x64xf32, #tpu.memory_space<hbm>>
      %dma_start3A_120 = arith.constant 0 : i32
      %dma_start3A_121 = tpu.memref_slice %arg2[%add3A_105, %dma_start3A_120] : memref<40962x128xf32, #tpu.memory_space<hbm>> -> memref<256x64xf32, #tpu.memory_space<hbm>>
      tpu.enqueue_dma source(%dma_start3A_121 : memref<256x64xf32, #tpu.memory_space<hbm>>) target(%arg11 : memref<256x64xf32, #tpu.memory_space<vmem>>) target_semaphore(%arg14 : memref<!tpu.dma_semaphore, #tpu.memory_space<semaphore_mem>>)
      %dma_start3A_122 = arith.constant 64 : i32
      %dma_start3A_123 = tpu.memref_slice %arg2[%add3A_105, %dma_start3A_122] : memref<40962x128xf32, #tpu.memory_space<hbm>> -> memref<256x64xf32, #tpu.memory_space<hbm>>
      %dma_start3A_124 = arith.constant 64 : i32
      %dma_start3A_125 = tpu.memref_slice %arg2[%add3A_105, %dma_start3A_124] : memref<40962x128xf32, #tpu.memory_space<hbm>> -> memref<256x64xf32, #tpu.memory_space<hbm>>
      tpu.enqueue_dma source(%dma_start3A_125 : memref<256x64xf32, #tpu.memory_space<hbm>>) target(%arg12 : memref<256x64xf32, #tpu.memory_space<vmem>>) target_semaphore(%arg14 : memref<!tpu.dma_semaphore, #tpu.memory_space<semaphore_mem>>)
      %dma_wait3A_126 = arith.constant 0 : i32
      %dma_wait3A_127 = tpu.memref_slice %arg2[%add3A_105, %dma_wait3A_126] : memref<40962x128xf32, #tpu.memory_space<hbm>> -> memref<256x64xf32, #tpu.memory_space<hbm>>
      %dma_wait3A_128 = arith.constant 0 : i32
      %dma_wait3A_129 = tpu.memref_slice %arg2[%add3A_105, %dma_wait3A_128] : memref<40962x128xf32, #tpu.memory_space<hbm>> -> memref<256x64xf32, #tpu.memory_space<hbm>>
      tpu.wait_dma2 semaphore(%arg14 : memref<!tpu.dma_semaphore, #tpu.memory_space<semaphore_mem>>) src(%dma_wait3A_129 : memref<256x64xf32, #tpu.memory_space<hbm>>) dst(%arg11 : memref<256x64xf32, #tpu.memory_space<vmem>>)
      %dma_wait3A_130 = arith.constant 64 : i32
      %dma_wait3A_131 = tpu.memref_slice %arg2[%add3A_105, %dma_wait3A_130] : memref<40962x128xf32, #tpu.memory_space<hbm>> -> memref<256x64xf32, #tpu.memory_space<hbm>>
      %dma_wait3A_132 = arith.constant 64 : i32
      %dma_wait3A_133 = tpu.memref_slice %arg2[%add3A_105, %dma_wait3A_132] : memref<40962x128xf32, #tpu.memory_space<hbm>> -> memref<256x64xf32, #tpu.memory_space<hbm>>
      tpu.wait_dma2 semaphore(%arg14 : memref<!tpu.dma_semaphore, #tpu.memory_space<semaphore_mem>>) src(%dma_wait3A_133 : memref<256x64xf32, #tpu.memory_space<hbm>>) dst(%arg12 : memref<256x64xf32, #tpu.memory_space<vmem>>)
      %dma_start3A_134 = arith.constant 0 : i32
      %dma_start3A_135 = tpu.memref_slice %arg5[%add3A_105, %dma_start3A_134] : memref<163842x128xf32, #tpu.memory_space<hbm>> -> memref<256x64xf32, #tpu.memory_space<hbm>>
      %dma_start3A_136 = arith.constant 0 : i32
      %dma_start3A_137 = tpu.memref_slice %arg5[%add3A_105, %dma_start3A_136] : memref<163842x128xf32, #tpu.memory_space<hbm>> -> memref<256x64xf32, #tpu.memory_space<hbm>>
      tpu.enqueue_dma source(%arg11 : memref<256x64xf32, #tpu.memory_space<vmem>>) target(%dma_start3A_137 : memref<256x64xf32, #tpu.memory_space<hbm>>) target_semaphore(%arg16 : memref<!tpu.dma_semaphore, #tpu.memory_space<semaphore_mem>>)
      %dma_start3A_138 = arith.constant 64 : i32
      %dma_start3A_139 = tpu.memref_slice %arg5[%add3A_105, %dma_start3A_138] : memref<163842x128xf32, #tpu.memory_space<hbm>> -> memref<256x64xf32, #tpu.memory_space<hbm>>
      %dma_start3A_140 = arith.constant 64 : i32
      %dma_start3A_141 = tpu.memref_slice %arg5[%add3A_105, %dma_start3A_140] : memref<163842x128xf32, #tpu.memory_space<hbm>> -> memref<256x64xf32, #tpu.memory_space<hbm>>
      tpu.enqueue_dma source(%arg12 : memref<256x64xf32, #tpu.memory_space<vmem>>) target(%dma_start3A_141 : memref<256x64xf32, #tpu.memory_space<hbm>>) target_semaphore(%arg16 : memref<!tpu.dma_semaphore, #tpu.memory_space<semaphore_mem>>)
      %mul3A_142 = arith.constant 5120 : i32
      %mul3A_143 = arith.muli %sub3A_7, %mul3A_142 : i32
      %add3A_144 = arith.constant 1024 : i32
      %add3A_145 = arith.addi %mul3A_143, %add3A_144 : i32
      %dma_wait3A_146 = arith.constant 0 : i32
      %dma_wait3A_147 = arith.constant 0 : i32
      %dma_wait3A_148 = tpu.memref_slice %arg3[%dma_wait3A_146, %dma_wait3A_147] : memref<49152x64xf32, #tpu.memory_space<hbm>> -> memref<256x64xf32, #tpu.memory_space<hbm>>
      %dma_wait3A_149 = arith.constant 0 : i32
      %dma_wait3A_150 = arith.constant 0 : i32
      %dma_wait3A_151 = tpu.memref_slice %arg3[%dma_wait3A_149, %dma_wait3A_150] : memref<49152x64xf32, #tpu.memory_space<hbm>> -> memref<256x64xf32, #tpu.memory_space<hbm>>
      tpu.wait_dma2 semaphore(%arg15 : memref<!tpu.dma_semaphore, #tpu.memory_space<semaphore_mem>>) src(%dma_wait3A_151 : memref<256x64xf32, #tpu.memory_space<hbm>>) dst(%arg9 : memref<256x64xf32, #tpu.memory_space<vmem>>)
      %dma_wait3A_152 = arith.constant 0 : i32
      %dma_wait3A_153 = arith.constant 0 : i32
      %dma_wait3A_154 = tpu.memref_slice %arg3[%dma_wait3A_152, %dma_wait3A_153] : memref<49152x64xf32, #tpu.memory_space<hbm>> -> memref<256x64xf32, #tpu.memory_space<hbm>>
      %dma_wait3A_155 = arith.constant 0 : i32
      %dma_wait3A_156 = arith.constant 0 : i32
      %dma_wait3A_157 = tpu.memref_slice %arg3[%dma_wait3A_155, %dma_wait3A_156] : memref<49152x64xf32, #tpu.memory_space<hbm>> -> memref<256x64xf32, #tpu.memory_space<hbm>>
      tpu.wait_dma2 semaphore(%arg15 : memref<!tpu.dma_semaphore, #tpu.memory_space<semaphore_mem>>) src(%dma_wait3A_157 : memref<256x64xf32, #tpu.memory_space<hbm>>) dst(%arg10 : memref<256x64xf32, #tpu.memory_space<vmem>>)
      %dma_start3A_158 = arith.constant 0 : i32
      %dma_start3A_159 = tpu.memref_slice %arg2[%add3A_145, %dma_start3A_158] : memref<40962x128xf32, #tpu.memory_space<hbm>> -> memref<256x64xf32, #tpu.memory_space<hbm>>
      %dma_start3A_160 = arith.constant 0 : i32
      %dma_start3A_161 = tpu.memref_slice %arg2[%add3A_145, %dma_start3A_160] : memref<40962x128xf32, #tpu.memory_space<hbm>> -> memref<256x64xf32, #tpu.memory_space<hbm>>
      tpu.enqueue_dma source(%dma_start3A_161 : memref<256x64xf32, #tpu.memory_space<hbm>>) target(%arg9 : memref<256x64xf32, #tpu.memory_space<vmem>>) target_semaphore(%arg13 : memref<!tpu.dma_semaphore, #tpu.memory_space<semaphore_mem>>)
      %dma_start3A_162 = arith.constant 64 : i32
      %dma_start3A_163 = tpu.memref_slice %arg2[%add3A_145, %dma_start3A_162] : memref<40962x128xf32, #tpu.memory_space<hbm>> -> memref<256x64xf32, #tpu.memory_space<hbm>>
      %dma_start3A_164 = arith.constant 64 : i32
      %dma_start3A_165 = tpu.memref_slice %arg2[%add3A_145, %dma_start3A_164] : memref<40962x128xf32, #tpu.memory_space<hbm>> -> memref<256x64xf32, #tpu.memory_space<hbm>>
      tpu.enqueue_dma source(%dma_start3A_165 : memref<256x64xf32, #tpu.memory_space<hbm>>) target(%arg10 : memref<256x64xf32, #tpu.memory_space<vmem>>) target_semaphore(%arg13 : memref<!tpu.dma_semaphore, #tpu.memory_space<semaphore_mem>>)
      %dma_wait3A_166 = arith.constant 0 : i32
      %dma_wait3A_167 = tpu.memref_slice %arg2[%add3A_145, %dma_wait3A_166] : memref<40962x128xf32, #tpu.memory_space<hbm>> -> memref<256x64xf32, #tpu.memory_space<hbm>>
      %dma_wait3A_168 = arith.constant 0 : i32
      %dma_wait3A_169 = tpu.memref_slice %arg2[%add3A_145, %dma_wait3A_168] : memref<40962x128xf32, #tpu.memory_space<hbm>> -> memref<256x64xf32, #tpu.memory_space<hbm>>
      tpu.wait_dma2 semaphore(%arg13 : memref<!tpu.dma_semaphore, #tpu.memory_space<semaphore_mem>>) src(%dma_wait3A_169 : memref<256x64xf32, #tpu.memory_space<hbm>>) dst(%arg9 : memref<256x64xf32, #tpu.memory_space<vmem>>)
      %dma_wait3A_170 = arith.constant 64 : i32
      %dma_wait3A_171 = tpu.memref_slice %arg2[%add3A_145, %dma_wait3A_170] : memref<40962x128xf32, #tpu.memory_space<hbm>> -> memref<256x64xf32, #tpu.memory_space<hbm>>
      %dma_wait3A_172 = arith.constant 64 : i32
      %dma_wait3A_173 = tpu.memref_slice %arg2[%add3A_145, %dma_wait3A_172] : memref<40962x128xf32, #tpu.memory_space<hbm>> -> memref<256x64xf32, #tpu.memory_space<hbm>>
      tpu.wait_dma2 semaphore(%arg13 : memref<!tpu.dma_semaphore, #tpu.memory_space<semaphore_mem>>) src(%dma_wait3A_173 : memref<256x64xf32, #tpu.memory_space<hbm>>) dst(%arg10 : memref<256x64xf32, #tpu.memory_space<vmem>>)
      %dma_start3A_174 = arith.constant 0 : i32
      %dma_start3A_175 = tpu.memref_slice %arg5[%add3A_145, %dma_start3A_174] : memref<163842x128xf32, #tpu.memory_space<hbm>> -> memref<256x64xf32, #tpu.memory_space<hbm>>
      %dma_start3A_176 = arith.constant 0 : i32
      %dma_start3A_177 = tpu.memref_slice %arg5[%add3A_145, %dma_start3A_176] : memref<163842x128xf32, #tpu.memory_space<hbm>> -> memref<256x64xf32, #tpu.memory_space<hbm>>
      tpu.enqueue_dma source(%arg9 : memref<256x64xf32, #tpu.memory_space<vmem>>) target(%dma_start3A_177 : memref<256x64xf32, #tpu.memory_space<hbm>>) target_semaphore(%arg15 : memref<!tpu.dma_semaphore, #tpu.memory_space<semaphore_mem>>)
      %dma_start3A_178 = arith.constant 64 : i32
      %dma_start3A_179 = tpu.memref_slice %arg5[%add3A_145, %dma_start3A_178] : memref<163842x128xf32, #tpu.memory_space<hbm>> -> memref<256x64xf32, #tpu.memory_space<hbm>>
      %dma_start3A_180 = arith.constant 64 : i32
      %dma_start3A_181 = tpu.memref_slice %arg5[%add3A_145, %dma_start3A_180] : memref<163842x128xf32, #tpu.memory_space<hbm>> -> memref<256x64xf32, #tpu.memory_space<hbm>>
      tpu.enqueue_dma source(%arg10 : memref<256x64xf32, #tpu.memory_space<vmem>>) target(%dma_start3A_181 : memref<256x64xf32, #tpu.memory_space<hbm>>) target_semaphore(%arg15 : memref<!tpu.dma_semaphore, #tpu.memory_space<semaphore_mem>>)
      %mul3A_182 = arith.constant 5120 : i32
      %mul3A_183 = arith.muli %sub3A_7, %mul3A_182 : i32
      %add3A_184 = arith.constant 1280 : i32
      %add3A_185 = arith.addi %mul3A_183, %add3A_184 : i32
      %dma_wait3A_186 = arith.constant 0 : i32
      %dma_wait3A_187 = arith.constant 0 : i32
      %dma_wait3A_188 = tpu.memref_slice %arg3[%dma_wait3A_186, %dma_wait3A_187] : memref<49152x64xf32, #tpu.memory_space<hbm>> -> memref<256x64xf32, #tpu.memory_space<hbm>>
      %dma_wait3A_189 = arith.constant 0 : i32
      %dma_wait3A_190 = arith.constant 0 : i32
      %dma_wait3A_191 = tpu.memref_slice %arg3[%dma_wait3A_189, %dma_wait3A_190] : memref<49152x64xf32, #tpu.memory_space<hbm>> -> memref<256x64xf32, #tpu.memory_space<hbm>>
      tpu.wait_dma2 semaphore(%arg16 : memref<!tpu.dma_semaphore, #tpu.memory_space<semaphore_mem>>) src(%dma_wait3A_191 : memref<256x64xf32, #tpu.memory_space<hbm>>) dst(%arg11 : memref<256x64xf32, #tpu.memory_space<vmem>>)
      %dma_wait3A_192 = arith.constant 0 : i32
      %dma_wait3A_193 = arith.constant 0 : i32
      %dma_wait3A_194 = tpu.memref_slice %arg3[%dma_wait3A_192, %dma_wait3A_193] : memref<49152x64xf32, #tpu.memory_space<hbm>> -> memref<256x64xf32, #tpu.memory_space<hbm>>
      %dma_wait3A_195 = arith.constant 0 : i32
      %dma_wait3A_196 = arith.constant 0 : i32
      %dma_wait3A_197 = tpu.memref_slice %arg3[%dma_wait3A_195, %dma_wait3A_196] : memref<49152x64xf32, #tpu.memory_space<hbm>> -> memref<256x64xf32, #tpu.memory_space<hbm>>
      tpu.wait_dma2 semaphore(%arg16 : memref<!tpu.dma_semaphore, #tpu.memory_space<semaphore_mem>>) src(%dma_wait3A_197 : memref<256x64xf32, #tpu.memory_space<hbm>>) dst(%arg12 : memref<256x64xf32, #tpu.memory_space<vmem>>)
      %dma_start3A_198 = arith.constant 0 : i32
      %dma_start3A_199 = tpu.memref_slice %arg2[%add3A_185, %dma_start3A_198] : memref<40962x128xf32, #tpu.memory_space<hbm>> -> memref<256x64xf32, #tpu.memory_space<hbm>>
      %dma_start3A_200 = arith.constant 0 : i32
      %dma_start3A_201 = tpu.memref_slice %arg2[%add3A_185, %dma_start3A_200] : memref<40962x128xf32, #tpu.memory_space<hbm>> -> memref<256x64xf32, #tpu.memory_space<hbm>>
      tpu.enqueue_dma source(%dma_start3A_201 : memref<256x64xf32, #tpu.memory_space<hbm>>) target(%arg11 : memref<256x64xf32, #tpu.memory_space<vmem>>) target_semaphore(%arg14 : memref<!tpu.dma_semaphore, #tpu.memory_space<semaphore_mem>>)
      %dma_start3A_202 = arith.constant 64 : i32
      %dma_start3A_203 = tpu.memref_slice %arg2[%add3A_185, %dma_start3A_202] : memref<40962x128xf32, #tpu.memory_space<hbm>> -> memref<256x64xf32, #tpu.memory_space<hbm>>
      %dma_start3A_204 = arith.constant 64 : i32
      %dma_start3A_205 = tpu.memref_slice %arg2[%add3A_185, %dma_start3A_204] : memref<40962x128xf32, #tpu.memory_space<hbm>> -> memref<256x64xf32, #tpu.memory_space<hbm>>
      tpu.enqueue_dma source(%dma_start3A_205 : memref<256x64xf32, #tpu.memory_space<hbm>>) target(%arg12 : memref<256x64xf32, #tpu.memory_space<vmem>>) target_semaphore(%arg14 : memref<!tpu.dma_semaphore, #tpu.memory_space<semaphore_mem>>)
      %dma_wait3A_206 = arith.constant 0 : i32
      %dma_wait3A_207 = tpu.memref_slice %arg2[%add3A_185, %dma_wait3A_206] : memref<40962x128xf32, #tpu.memory_space<hbm>> -> memref<256x64xf32, #tpu.memory_space<hbm>>
      %dma_wait3A_208 = arith.constant 0 : i32
      %dma_wait3A_209 = tpu.memref_slice %arg2[%add3A_185, %dma_wait3A_208] : memref<40962x128xf32, #tpu.memory_space<hbm>> -> memref<256x64xf32, #tpu.memory_space<hbm>>
      tpu.wait_dma2 semaphore(%arg14 : memref<!tpu.dma_semaphore, #tpu.memory_space<semaphore_mem>>) src(%dma_wait3A_209 : memref<256x64xf32, #tpu.memory_space<hbm>>) dst(%arg11 : memref<256x64xf32, #tpu.memory_space<vmem>>)
      %dma_wait3A_210 = arith.constant 64 : i32
      %dma_wait3A_211 = tpu.memref_slice %arg2[%add3A_185, %dma_wait3A_210] : memref<40962x128xf32, #tpu.memory_space<hbm>> -> memref<256x64xf32, #tpu.memory_space<hbm>>
      %dma_wait3A_212 = arith.constant 64 : i32
      %dma_wait3A_213 = tpu.memref_slice %arg2[%add3A_185, %dma_wait3A_212] : memref<40962x128xf32, #tpu.memory_space<hbm>> -> memref<256x64xf32, #tpu.memory_space<hbm>>
      tpu.wait_dma2 semaphore(%arg14 : memref<!tpu.dma_semaphore, #tpu.memory_space<semaphore_mem>>) src(%dma_wait3A_213 : memref<256x64xf32, #tpu.memory_space<hbm>>) dst(%arg12 : memref<256x64xf32, #tpu.memory_space<vmem>>)
      %dma_start3A_214 = arith.constant 0 : i32
      %dma_start3A_215 = tpu.memref_slice %arg5[%add3A_185, %dma_start3A_214] : memref<163842x128xf32, #tpu.memory_space<hbm>> -> memref<256x64xf32, #tpu.memory_space<hbm>>
      %dma_start3A_216 = arith.constant 0 : i32
      %dma_start3A_217 = tpu.memref_slice %arg5[%add3A_185, %dma_start3A_216] : memref<163842x128xf32, #tpu.memory_space<hbm>> -> memref<256x64xf32, #tpu.memory_space<hbm>>
      tpu.enqueue_dma source(%arg11 : memref<256x64xf32, #tpu.memory_space<vmem>>) target(%dma_start3A_217 : memref<256x64xf32, #tpu.memory_space<hbm>>) target_semaphore(%arg16 : memref<!tpu.dma_semaphore, #tpu.memory_space<semaphore_mem>>)
      %dma_start3A_218 = arith.constant 64 : i32
      %dma_start3A_219 = tpu.memref_slice %arg5[%add3A_185, %dma_start3A_218] : memref<163842x128xf32, #tpu.memory_space<hbm>> -> memref<256x64xf32, #tpu.memory_space<hbm>>
      %dma_start3A_220 = arith.constant 64 : i32
      %dma_start3A_221 = tpu.memref_slice %arg5[%add3A_185, %dma_start3A_220] : memref<163842x128xf32, #tpu.memory_space<hbm>> -> memref<256x64xf32, #tpu.memory_space<hbm>>
      tpu.enqueue_dma source(%arg12 : memref<256x64xf32, #tpu.memory_space<vmem>>) target(%dma_start3A_221 : memref<256x64xf32, #tpu.memory_space<hbm>>) target_semaphore(%arg16 : memref<!tpu.dma_semaphore, #tpu.memory_space<semaphore_mem>>)
      %mul3A_222 = arith.constant 5120 : i32
      %mul3A_223 = arith.muli %sub3A_7, %mul3A_222 : i32
      %add3A_224 = arith.constant 1536 : i32
      %add3A_225 = arith.addi %mul3A_223, %add3A_224 : i32
      %dma_wait3A_226 = arith.constant 0 : i32
      %dma_wait3A_227 = arith.constant 0 : i32
      %dma_wait3A_228 = tpu.memref_slice %arg3[%dma_wait3A_226, %dma_wait3A_227] : memref<49152x64xf32, #tpu.memory_space<hbm>> -> memref<256x64xf32, #tpu.memory_space<hbm>>
      %dma_wait3A_229 = arith.constant 0 : i32
      %dma_wait3A_230 = arith.constant 0 : i32
      %dma_wait3A_231 = tpu.memref_slice %arg3[%dma_wait3A_229, %dma_wait3A_230] : memref<49152x64xf32, #tpu.memory_space<hbm>> -> memref<256x64xf32, #tpu.memory_space<hbm>>
      tpu.wait_dma2 semaphore(%arg15 : memref<!tpu.dma_semaphore, #tpu.memory_space<semaphore_mem>>) src(%dma_wait3A_231 : memref<256x64xf32, #tpu.memory_space<hbm>>) dst(%arg9 : memref<256x64xf32, #tpu.memory_space<vmem>>)
      %dma_wait3A_232 = arith.constant 0 : i32
      %dma_wait3A_233 = arith.constant 0 : i32
      %dma_wait3A_234 = tpu.memref_slice %arg3[%dma_wait3A_232, %dma_wait3A_233] : memref<49152x64xf32, #tpu.memory_space<hbm>> -> memref<256x64xf32, #tpu.memory_space<hbm>>
      %dma_wait3A_235 = arith.constant 0 : i32
      %dma_wait3A_236 = arith.constant 0 : i32
      %dma_wait3A_237 = tpu.memref_slice %arg3[%dma_wait3A_235, %dma_wait3A_236] : memref<49152x64xf32, #tpu.memory_space<hbm>> -> memref<256x64xf32, #tpu.memory_space<hbm>>
      tpu.wait_dma2 semaphore(%arg15 : memref<!tpu.dma_semaphore, #tpu.memory_space<semaphore_mem>>) src(%dma_wait3A_237 : memref<256x64xf32, #tpu.memory_space<hbm>>) dst(%arg10 : memref<256x64xf32, #tpu.memory_space<vmem>>)
      %dma_start3A_238 = arith.constant 0 : i32
      %dma_start3A_239 = tpu.memref_slice %arg2[%add3A_225, %dma_start3A_238] : memref<40962x128xf32, #tpu.memory_space<hbm>> -> memref<256x64xf32, #tpu.memory_space<hbm>>
      %dma_start3A_240 = arith.constant 0 : i32
      %dma_start3A_241 = tpu.memref_slice %arg2[%add3A_225, %dma_start3A_240] : memref<40962x128xf32, #tpu.memory_space<hbm>> -> memref<256x64xf32, #tpu.memory_space<hbm>>
      tpu.enqueue_dma source(%dma_start3A_241 : memref<256x64xf32, #tpu.memory_space<hbm>>) target(%arg9 : memref<256x64xf32, #tpu.memory_space<vmem>>) target_semaphore(%arg13 : memref<!tpu.dma_semaphore, #tpu.memory_space<semaphore_mem>>)
      %dma_start3A_242 = arith.constant 64 : i32
      %dma_start3A_243 = tpu.memref_slice %arg2[%add3A_225, %dma_start3A_242] : memref<40962x128xf32, #tpu.memory_space<hbm>> -> memref<256x64xf32, #tpu.memory_space<hbm>>
      %dma_start3A_244 = arith.constant 64 : i32
      %dma_start3A_245 = tpu.memref_slice %arg2[%add3A_225, %dma_start3A_244] : memref<40962x128xf32, #tpu.memory_space<hbm>> -> memref<256x64xf32, #tpu.memory_space<hbm>>
      tpu.enqueue_dma source(%dma_start3A_245 : memref<256x64xf32, #tpu.memory_space<hbm>>) target(%arg10 : memref<256x64xf32, #tpu.memory_space<vmem>>) target_semaphore(%arg13 : memref<!tpu.dma_semaphore, #tpu.memory_space<semaphore_mem>>)
      %dma_wait3A_246 = arith.constant 0 : i32
      %dma_wait3A_247 = tpu.memref_slice %arg2[%add3A_225, %dma_wait3A_246] : memref<40962x128xf32, #tpu.memory_space<hbm>> -> memref<256x64xf32, #tpu.memory_space<hbm>>
      %dma_wait3A_248 = arith.constant 0 : i32
      %dma_wait3A_249 = tpu.memref_slice %arg2[%add3A_225, %dma_wait3A_248] : memref<40962x128xf32, #tpu.memory_space<hbm>> -> memref<256x64xf32, #tpu.memory_space<hbm>>
      tpu.wait_dma2 semaphore(%arg13 : memref<!tpu.dma_semaphore, #tpu.memory_space<semaphore_mem>>) src(%dma_wait3A_249 : memref<256x64xf32, #tpu.memory_space<hbm>>) dst(%arg9 : memref<256x64xf32, #tpu.memory_space<vmem>>)
      %dma_wait3A_250 = arith.constant 64 : i32
      %dma_wait3A_251 = tpu.memref_slice %arg2[%add3A_225, %dma_wait3A_250] : memref<40962x128xf32, #tpu.memory_space<hbm>> -> memref<256x64xf32, #tpu.memory_space<hbm>>
      %dma_wait3A_252 = arith.constant 64 : i32
      %dma_wait3A_253 = tpu.memref_slice %arg2[%add3A_225, %dma_wait3A_252] : memref<40962x128xf32, #tpu.memory_space<hbm>> -> memref<256x64xf32, #tpu.memory_space<hbm>>
      tpu.wait_dma2 semaphore(%arg13 : memref<!tpu.dma_semaphore, #tpu.memory_space<semaphore_mem>>) src(%dma_wait3A_253 : memref<256x64xf32, #tpu.memory_space<hbm>>) dst(%arg10 : memref<256x64xf32, #tpu.memory_space<vmem>>)
      %dma_start3A_254 = arith.constant 0 : i32
      %dma_start3A_255 = tpu.memref_slice %arg5[%add3A_225, %dma_start3A_254] : memref<163842x128xf32, #tpu.memory_space<hbm>> -> memref<256x64xf32, #tpu.memory_space<hbm>>
      %dma_start3A_256 = arith.constant 0 : i32
      %dma_start3A_257 = tpu.memref_slice %arg5[%add3A_225, %dma_start3A_256] : memref<163842x128xf32, #tpu.memory_space<hbm>> -> memref<256x64xf32, #tpu.memory_space<hbm>>
      tpu.enqueue_dma source(%arg9 : memref<256x64xf32, #tpu.memory_space<vmem>>) target(%dma_start3A_257 : memref<256x64xf32, #tpu.memory_space<hbm>>) target_semaphore(%arg15 : memref<!tpu.dma_semaphore, #tpu.memory_space<semaphore_mem>>)
      %dma_start3A_258 = arith.constant 64 : i32
      %dma_start3A_259 = tpu.memref_slice %arg5[%add3A_225, %dma_start3A_258] : memref<163842x128xf32, #tpu.memory_space<hbm>> -> memref<256x64xf32, #tpu.memory_space<hbm>>
      %dma_start3A_260 = arith.constant 64 : i32
      %dma_start3A_261 = tpu.memref_slice %arg5[%add3A_225, %dma_start3A_260] : memref<163842x128xf32, #tpu.memory_space<hbm>> -> memref<256x64xf32, #tpu.memory_space<hbm>>
      tpu.enqueue_dma source(%arg10 : memref<256x64xf32, #tpu.memory_space<vmem>>) target(%dma_start3A_261 : memref<256x64xf32, #tpu.memory_space<hbm>>) target_semaphore(%arg15 : memref<!tpu.dma_semaphore, #tpu.memory_space<semaphore_mem>>)
      %mul3A_262 = arith.constant 5120 : i32
      %mul3A_263 = arith.muli %sub3A_7, %mul3A_262 : i32
      %add3A_264 = arith.constant 1792 : i32
      %add3A_265 = arith.addi %mul3A_263, %add3A_264 : i32
      %dma_wait3A_266 = arith.constant 0 : i32
      %dma_wait3A_267 = arith.constant 0 : i32
      %dma_wait3A_268 = tpu.memref_slice %arg3[%dma_wait3A_266, %dma_wait3A_267] : memref<49152x64xf32, #tpu.memory_space<hbm>> -> memref<256x64xf32, #tpu.memory_space<hbm>>
      %dma_wait3A_269 = arith.constant 0 : i32
      %dma_wait3A_270 = arith.constant 0 : i32
      %dma_wait3A_271 = tpu.memref_slice %arg3[%dma_wait3A_269, %dma_wait3A_270] : memref<49152x64xf32, #tpu.memory_space<hbm>> -> memref<256x64xf32, #tpu.memory_space<hbm>>
      tpu.wait_dma2 semaphore(%arg16 : memref<!tpu.dma_semaphore, #tpu.memory_space<semaphore_mem>>) src(%dma_wait3A_271 : memref<256x64xf32, #tpu.memory_space<hbm>>) dst(%arg11 : memref<256x64xf32, #tpu.memory_space<vmem>>)
      %dma_wait3A_272 = arith.constant 0 : i32
      %dma_wait3A_273 = arith.constant 0 : i32
      %dma_wait3A_274 = tpu.memref_slice %arg3[%dma_wait3A_272, %dma_wait3A_273] : memref<49152x64xf32, #tpu.memory_space<hbm>> -> memref<256x64xf32, #tpu.memory_space<hbm>>
      %dma_wait3A_275 = arith.constant 0 : i32
      %dma_wait3A_276 = arith.constant 0 : i32
      %dma_wait3A_277 = tpu.memref_slice %arg3[%dma_wait3A_275, %dma_wait3A_276] : memref<49152x64xf32, #tpu.memory_space<hbm>> -> memref<256x64xf32, #tpu.memory_space<hbm>>
      tpu.wait_dma2 semaphore(%arg16 : memref<!tpu.dma_semaphore, #tpu.memory_space<semaphore_mem>>) src(%dma_wait3A_277 : memref<256x64xf32, #tpu.memory_space<hbm>>) dst(%arg12 : memref<256x64xf32, #tpu.memory_space<vmem>>)
      %dma_start3A_278 = arith.constant 0 : i32
      %dma_start3A_279 = tpu.memref_slice %arg2[%add3A_265, %dma_start3A_278] : memref<40962x128xf32, #tpu.memory_space<hbm>> -> memref<256x64xf32, #tpu.memory_space<hbm>>
      %dma_start3A_280 = arith.constant 0 : i32
      %dma_start3A_281 = tpu.memref_slice %arg2[%add3A_265, %dma_start3A_280] : memref<40962x128xf32, #tpu.memory_space<hbm>> -> memref<256x64xf32, #tpu.memory_space<hbm>>
      tpu.enqueue_dma source(%dma_start3A_281 : memref<256x64xf32, #tpu.memory_space<hbm>>) target(%arg11 : memref<256x64xf32, #tpu.memory_space<vmem>>) target_semaphore(%arg14 : memref<!tpu.dma_semaphore, #tpu.memory_space<semaphore_mem>>)
      %dma_start3A_282 = arith.constant 64 : i32
      %dma_start3A_283 = tpu.memref_slice %arg2[%add3A_265, %dma_start3A_282] : memref<40962x128xf32, #tpu.memory_space<hbm>> -> memref<256x64xf32, #tpu.memory_space<hbm>>
      %dma_start3A_284 = arith.constant 64 : i32
      %dma_start3A_285 = tpu.memref_slice %arg2[%add3A_265, %dma_start3A_284] : memref<40962x128xf32, #tpu.memory_space<hbm>> -> memref<256x64xf32, #tpu.memory_space<hbm>>
      tpu.enqueue_dma source(%dma_start3A_285 : memref<256x64xf32, #tpu.memory_space<hbm>>) target(%arg12 : memref<256x64xf32, #tpu.memory_space<vmem>>) target_semaphore(%arg14 : memref<!tpu.dma_semaphore, #tpu.memory_space<semaphore_mem>>)
      %dma_wait3A_286 = arith.constant 0 : i32
      %dma_wait3A_287 = tpu.memref_slice %arg2[%add3A_265, %dma_wait3A_286] : memref<40962x128xf32, #tpu.memory_space<hbm>> -> memref<256x64xf32, #tpu.memory_space<hbm>>
      %dma_wait3A_288 = arith.constant 0 : i32
      %dma_wait3A_289 = tpu.memref_slice %arg2[%add3A_265, %dma_wait3A_288] : memref<40962x128xf32, #tpu.memory_space<hbm>> -> memref<256x64xf32, #tpu.memory_space<hbm>>
      tpu.wait_dma2 semaphore(%arg14 : memref<!tpu.dma_semaphore, #tpu.memory_space<semaphore_mem>>) src(%dma_wait3A_289 : memref<256x64xf32, #tpu.memory_space<hbm>>) dst(%arg11 : memref<256x64xf32, #tpu.memory_space<vmem>>)
      %dma_wait3A_290 = arith.constant 64 : i32
      %dma_wait3A_291 = tpu.memref_slice %arg2[%add3A_265, %dma_wait3A_290] : memref<40962x128xf32, #tpu.memory_space<hbm>> -> memref<256x64xf32, #tpu.memory_space<hbm>>
      %dma_wait3A_292 = arith.constant 64 : i32
      %dma_wait3A_293 = tpu.memref_slice %arg2[%add3A_265, %dma_wait3A_292] : memref<40962x128xf32, #tpu.memory_space<hbm>> -> memref<256x64xf32, #tpu.memory_space<hbm>>
      tpu.wait_dma2 semaphore(%arg14 : memref<!tpu.dma_semaphore, #tpu.memory_space<semaphore_mem>>) src(%dma_wait3A_293 : memref<256x64xf32, #tpu.memory_space<hbm>>) dst(%arg12 : memref<256x64xf32, #tpu.memory_space<vmem>>)
      %dma_start3A_294 = arith.constant 0 : i32
      %dma_start3A_295 = tpu.memref_slice %arg5[%add3A_265, %dma_start3A_294] : memref<163842x128xf32, #tpu.memory_space<hbm>> -> memref<256x64xf32, #tpu.memory_space<hbm>>
      %dma_start3A_296 = arith.constant 0 : i32
      %dma_start3A_297 = tpu.memref_slice %arg5[%add3A_265, %dma_start3A_296] : memref<163842x128xf32, #tpu.memory_space<hbm>> -> memref<256x64xf32, #tpu.memory_space<hbm>>
      tpu.enqueue_dma source(%arg11 : memref<256x64xf32, #tpu.memory_space<vmem>>) target(%dma_start3A_297 : memref<256x64xf32, #tpu.memory_space<hbm>>) target_semaphore(%arg16 : memref<!tpu.dma_semaphore, #tpu.memory_space<semaphore_mem>>)
      %dma_start3A_298 = arith.constant 64 : i32
      %dma_start3A_299 = tpu.memref_slice %arg5[%add3A_265, %dma_start3A_298] : memref<163842x128xf32, #tpu.memory_space<hbm>> -> memref<256x64xf32, #tpu.memory_space<hbm>>
      %dma_start3A_300 = arith.constant 64 : i32
      %dma_start3A_301 = tpu.memref_slice %arg5[%add3A_265, %dma_start3A_300] : memref<163842x128xf32, #tpu.memory_space<hbm>> -> memref<256x64xf32, #tpu.memory_space<hbm>>
      tpu.enqueue_dma source(%arg12 : memref<256x64xf32, #tpu.memory_space<vmem>>) target(%dma_start3A_301 : memref<256x64xf32, #tpu.memory_space<hbm>>) target_semaphore(%arg16 : memref<!tpu.dma_semaphore, #tpu.memory_space<semaphore_mem>>)
      %mul3A_302 = arith.constant 5120 : i32
      %mul3A_303 = arith.muli %sub3A_7, %mul3A_302 : i32
      %add3A_304 = arith.constant 2048 : i32
      %add3A_305 = arith.addi %mul3A_303, %add3A_304 : i32
      %dma_wait3A_306 = arith.constant 0 : i32
      %dma_wait3A_307 = arith.constant 0 : i32
      %dma_wait3A_308 = tpu.memref_slice %arg3[%dma_wait3A_306, %dma_wait3A_307] : memref<49152x64xf32, #tpu.memory_space<hbm>> -> memref<256x64xf32, #tpu.memory_space<hbm>>
      %dma_wait3A_309 = arith.constant 0 : i32
      %dma_wait3A_310 = arith.constant 0 : i32
      %dma_wait3A_311 = tpu.memref_slice %arg3[%dma_wait3A_309, %dma_wait3A_310] : memref<49152x64xf32, #tpu.memory_space<hbm>> -> memref<256x64xf32, #tpu.memory_space<hbm>>
      tpu.wait_dma2 semaphore(%arg15 : memref<!tpu.dma_semaphore, #tpu.memory_space<semaphore_mem>>) src(%dma_wait3A_311 : memref<256x64xf32, #tpu.memory_space<hbm>>) dst(%arg9 : memref<256x64xf32, #tpu.memory_space<vmem>>)
      %dma_wait3A_312 = arith.constant 0 : i32
      %dma_wait3A_313 = arith.constant 0 : i32
      %dma_wait3A_314 = tpu.memref_slice %arg3[%dma_wait3A_312, %dma_wait3A_313] : memref<49152x64xf32, #tpu.memory_space<hbm>> -> memref<256x64xf32, #tpu.memory_space<hbm>>
      %dma_wait3A_315 = arith.constant 0 : i32
      %dma_wait3A_316 = arith.constant 0 : i32
      %dma_wait3A_317 = tpu.memref_slice %arg3[%dma_wait3A_315, %dma_wait3A_316] : memref<49152x64xf32, #tpu.memory_space<hbm>> -> memref<256x64xf32, #tpu.memory_space<hbm>>
      tpu.wait_dma2 semaphore(%arg15 : memref<!tpu.dma_semaphore, #tpu.memory_space<semaphore_mem>>) src(%dma_wait3A_317 : memref<256x64xf32, #tpu.memory_space<hbm>>) dst(%arg10 : memref<256x64xf32, #tpu.memory_space<vmem>>)
      %dma_start3A_318 = arith.constant 0 : i32
      %dma_start3A_319 = tpu.memref_slice %arg2[%add3A_305, %dma_start3A_318] : memref<40962x128xf32, #tpu.memory_space<hbm>> -> memref<256x64xf32, #tpu.memory_space<hbm>>
      %dma_start3A_320 = arith.constant 0 : i32
      %dma_start3A_321 = tpu.memref_slice %arg2[%add3A_305, %dma_start3A_320] : memref<40962x128xf32, #tpu.memory_space<hbm>> -> memref<256x64xf32, #tpu.memory_space<hbm>>
      tpu.enqueue_dma source(%dma_start3A_321 : memref<256x64xf32, #tpu.memory_space<hbm>>) target(%arg9 : memref<256x64xf32, #tpu.memory_space<vmem>>) target_semaphore(%arg13 : memref<!tpu.dma_semaphore, #tpu.memory_space<semaphore_mem>>)
      %dma_start3A_322 = arith.constant 64 : i32
      %dma_start3A_323 = tpu.memref_slice %arg2[%add3A_305, %dma_start3A_322] : memref<40962x128xf32, #tpu.memory_space<hbm>> -> memref<256x64xf32, #tpu.memory_space<hbm>>
      %dma_start3A_324 = arith.constant 64 : i32
      %dma_start3A_325 = tpu.memref_slice %arg2[%add3A_305, %dma_start3A_324] : memref<40962x128xf32, #tpu.memory_space<hbm>> -> memref<256x64xf32, #tpu.memory_space<hbm>>
      tpu.enqueue_dma source(%dma_start3A_325 : memref<256x64xf32, #tpu.memory_space<hbm>>) target(%arg10 : memref<256x64xf32, #tpu.memory_space<vmem>>) target_semaphore(%arg13 : memref<!tpu.dma_semaphore, #tpu.memory_space<semaphore_mem>>)
      %dma_wait3A_326 = arith.constant 0 : i32
      %dma_wait3A_327 = tpu.memref_slice %arg2[%add3A_305, %dma_wait3A_326] : memref<40962x128xf32, #tpu.memory_space<hbm>> -> memref<256x64xf32, #tpu.memory_space<hbm>>
      %dma_wait3A_328 = arith.constant 0 : i32
      %dma_wait3A_329 = tpu.memref_slice %arg2[%add3A_305, %dma_wait3A_328] : memref<40962x128xf32, #tpu.memory_space<hbm>> -> memref<256x64xf32, #tpu.memory_space<hbm>>
      tpu.wait_dma2 semaphore(%arg13 : memref<!tpu.dma_semaphore, #tpu.memory_space<semaphore_mem>>) src(%dma_wait3A_329 : memref<256x64xf32, #tpu.memory_space<hbm>>) dst(%arg9 : memref<256x64xf32, #tpu.memory_space<vmem>>)
      %dma_wait3A_330 = arith.constant 64 : i32
      %dma_wait3A_331 = tpu.memref_slice %arg2[%add3A_305, %dma_wait3A_330] : memref<40962x128xf32, #tpu.memory_space<hbm>> -> memref<256x64xf32, #tpu.memory_space<hbm>>
      %dma_wait3A_332 = arith.constant 64 : i32
      %dma_wait3A_333 = tpu.memref_slice %arg2[%add3A_305, %dma_wait3A_332] : memref<40962x128xf32, #tpu.memory_space<hbm>> -> memref<256x64xf32, #tpu.memory_space<hbm>>
      tpu.wait_dma2 semaphore(%arg13 : memref<!tpu.dma_semaphore, #tpu.memory_space<semaphore_mem>>) src(%dma_wait3A_333 : memref<256x64xf32, #tpu.memory_space<hbm>>) dst(%arg10 : memref<256x64xf32, #tpu.memory_space<vmem>>)
      %dma_start3A_334 = arith.constant 0 : i32
      %dma_start3A_335 = tpu.memref_slice %arg5[%add3A_305, %dma_start3A_334] : memref<163842x128xf32, #tpu.memory_space<hbm>> -> memref<256x64xf32, #tpu.memory_space<hbm>>
      %dma_start3A_336 = arith.constant 0 : i32
      %dma_start3A_337 = tpu.memref_slice %arg5[%add3A_305, %dma_start3A_336] : memref<163842x128xf32, #tpu.memory_space<hbm>> -> memref<256x64xf32, #tpu.memory_space<hbm>>
      tpu.enqueue_dma source(%arg9 : memref<256x64xf32, #tpu.memory_space<vmem>>) target(%dma_start3A_337 : memref<256x64xf32, #tpu.memory_space<hbm>>) target_semaphore(%arg15 : memref<!tpu.dma_semaphore, #tpu.memory_space<semaphore_mem>>)
      %dma_start3A_338 = arith.constant 64 : i32
      %dma_start3A_339 = tpu.memref_slice %arg5[%add3A_305, %dma_start3A_338] : memref<163842x128xf32, #tpu.memory_space<hbm>> -> memref<256x64xf32, #tpu.memory_space<hbm>>
      %dma_start3A_340 = arith.constant 64 : i32
      %dma_start3A_341 = tpu.memref_slice %arg5[%add3A_305, %dma_start3A_340] : memref<163842x128xf32, #tpu.memory_space<hbm>> -> memref<256x64xf32, #tpu.memory_space<hbm>>
      tpu.enqueue_dma source(%arg10 : memref<256x64xf32, #tpu.memory_space<vmem>>) target(%dma_start3A_341 : memref<256x64xf32, #tpu.memory_space<hbm>>) target_semaphore(%arg15 : memref<!tpu.dma_semaphore, #tpu.memory_space<semaphore_mem>>)
      %mul3A_342 = arith.constant 5120 : i32
      %mul3A_343 = arith.muli %sub3A_7, %mul3A_342 : i32
      %add3A_344 = arith.constant 2304 : i32
      %add3A_345 = arith.addi %mul3A_343, %add3A_344 : i32
      %dma_wait3A_346 = arith.constant 0 : i32
      %dma_wait3A_347 = arith.constant 0 : i32
      %dma_wait3A_348 = tpu.memref_slice %arg3[%dma_wait3A_346, %dma_wait3A_347] : memref<49152x64xf32, #tpu.memory_space<hbm>> -> memref<256x64xf32, #tpu.memory_space<hbm>>
      %dma_wait3A_349 = arith.constant 0 : i32
      %dma_wait3A_350 = arith.constant 0 : i32
      %dma_wait3A_351 = tpu.memref_slice %arg3[%dma_wait3A_349, %dma_wait3A_350] : memref<49152x64xf32, #tpu.memory_space<hbm>> -> memref<256x64xf32, #tpu.memory_space<hbm>>
      tpu.wait_dma2 semaphore(%arg16 : memref<!tpu.dma_semaphore, #tpu.memory_space<semaphore_mem>>) src(%dma_wait3A_351 : memref<256x64xf32, #tpu.memory_space<hbm>>) dst(%arg11 : memref<256x64xf32, #tpu.memory_space<vmem>>)
      %dma_wait3A_352 = arith.constant 0 : i32
      %dma_wait3A_353 = arith.constant 0 : i32
      %dma_wait3A_354 = tpu.memref_slice %arg3[%dma_wait3A_352, %dma_wait3A_353] : memref<49152x64xf32, #tpu.memory_space<hbm>> -> memref<256x64xf32, #tpu.memory_space<hbm>>
      %dma_wait3A_355 = arith.constant 0 : i32
      %dma_wait3A_356 = arith.constant 0 : i32
      %dma_wait3A_357 = tpu.memref_slice %arg3[%dma_wait3A_355, %dma_wait3A_356] : memref<49152x64xf32, #tpu.memory_space<hbm>> -> memref<256x64xf32, #tpu.memory_space<hbm>>
      tpu.wait_dma2 semaphore(%arg16 : memref<!tpu.dma_semaphore, #tpu.memory_space<semaphore_mem>>) src(%dma_wait3A_357 : memref<256x64xf32, #tpu.memory_space<hbm>>) dst(%arg12 : memref<256x64xf32, #tpu.memory_space<vmem>>)
      %dma_start3A_358 = arith.constant 0 : i32
      %dma_start3A_359 = tpu.memref_slice %arg2[%add3A_345, %dma_start3A_358] : memref<40962x128xf32, #tpu.memory_space<hbm>> -> memref<256x64xf32, #tpu.memory_space<hbm>>
      %dma_start3A_360 = arith.constant 0 : i32
      %dma_start3A_361 = tpu.memref_slice %arg2[%add3A_345, %dma_start3A_360] : memref<40962x128xf32, #tpu.memory_space<hbm>> -> memref<256x64xf32, #tpu.memory_space<hbm>>
      tpu.enqueue_dma source(%dma_start3A_361 : memref<256x64xf32, #tpu.memory_space<hbm>>) target(%arg11 : memref<256x64xf32, #tpu.memory_space<vmem>>) target_semaphore(%arg14 : memref<!tpu.dma_semaphore, #tpu.memory_space<semaphore_mem>>)
      %dma_start3A_362 = arith.constant 64 : i32
      %dma_start3A_363 = tpu.memref_slice %arg2[%add3A_345, %dma_start3A_362] : memref<40962x128xf32, #tpu.memory_space<hbm>> -> memref<256x64xf32, #tpu.memory_space<hbm>>
      %dma_start3A_364 = arith.constant 64 : i32
      %dma_start3A_365 = tpu.memref_slice %arg2[%add3A_345, %dma_start3A_364] : memref<40962x128xf32, #tpu.memory_space<hbm>> -> memref<256x64xf32, #tpu.memory_space<hbm>>
      tpu.enqueue_dma source(%dma_start3A_365 : memref<256x64xf32, #tpu.memory_space<hbm>>) target(%arg12 : memref<256x64xf32, #tpu.memory_space<vmem>>) target_semaphore(%arg14 : memref<!tpu.dma_semaphore, #tpu.memory_space<semaphore_mem>>)
      %dma_wait3A_366 = arith.constant 0 : i32
      %dma_wait3A_367 = tpu.memref_slice %arg2[%add3A_345, %dma_wait3A_366] : memref<40962x128xf32, #tpu.memory_space<hbm>> -> memref<256x64xf32, #tpu.memory_space<hbm>>
      %dma_wait3A_368 = arith.constant 0 : i32
      %dma_wait3A_369 = tpu.memref_slice %arg2[%add3A_345, %dma_wait3A_368] : memref<40962x128xf32, #tpu.memory_space<hbm>> -> memref<256x64xf32, #tpu.memory_space<hbm>>
      tpu.wait_dma2 semaphore(%arg14 : memref<!tpu.dma_semaphore, #tpu.memory_space<semaphore_mem>>) src(%dma_wait3A_369 : memref<256x64xf32, #tpu.memory_space<hbm>>) dst(%arg11 : memref<256x64xf32, #tpu.memory_space<vmem>>)
      %dma_wait3A_370 = arith.constant 64 : i32
      %dma_wait3A_371 = tpu.memref_slice %arg2[%add3A_345, %dma_wait3A_370] : memref<40962x128xf32, #tpu.memory_space<hbm>> -> memref<256x64xf32, #tpu.memory_space<hbm>>
      %dma_wait3A_372 = arith.constant 64 : i32
      %dma_wait3A_373 = tpu.memref_slice %arg2[%add3A_345, %dma_wait3A_372] : memref<40962x128xf32, #tpu.memory_space<hbm>> -> memref<256x64xf32, #tpu.memory_space<hbm>>
      tpu.wait_dma2 semaphore(%arg14 : memref<!tpu.dma_semaphore, #tpu.memory_space<semaphore_mem>>) src(%dma_wait3A_373 : memref<256x64xf32, #tpu.memory_space<hbm>>) dst(%arg12 : memref<256x64xf32, #tpu.memory_space<vmem>>)
      %dma_start3A_374 = arith.constant 0 : i32
      %dma_start3A_375 = tpu.memref_slice %arg5[%add3A_345, %dma_start3A_374] : memref<163842x128xf32, #tpu.memory_space<hbm>> -> memref<256x64xf32, #tpu.memory_space<hbm>>
      %dma_start3A_376 = arith.constant 0 : i32
      %dma_start3A_377 = tpu.memref_slice %arg5[%add3A_345, %dma_start3A_376] : memref<163842x128xf32, #tpu.memory_space<hbm>> -> memref<256x64xf32, #tpu.memory_space<hbm>>
      tpu.enqueue_dma source(%arg11 : memref<256x64xf32, #tpu.memory_space<vmem>>) target(%dma_start3A_377 : memref<256x64xf32, #tpu.memory_space<hbm>>) target_semaphore(%arg16 : memref<!tpu.dma_semaphore, #tpu.memory_space<semaphore_mem>>)
      %dma_start3A_378 = arith.constant 64 : i32
      %dma_start3A_379 = tpu.memref_slice %arg5[%add3A_345, %dma_start3A_378] : memref<163842x128xf32, #tpu.memory_space<hbm>> -> memref<256x64xf32, #tpu.memory_space<hbm>>
      %dma_start3A_380 = arith.constant 64 : i32
      %dma_start3A_381 = tpu.memref_slice %arg5[%add3A_345, %dma_start3A_380] : memref<163842x128xf32, #tpu.memory_space<hbm>> -> memref<256x64xf32, #tpu.memory_space<hbm>>
      tpu.enqueue_dma source(%arg12 : memref<256x64xf32, #tpu.memory_space<vmem>>) target(%dma_start3A_381 : memref<256x64xf32, #tpu.memory_space<hbm>>) target_semaphore(%arg16 : memref<!tpu.dma_semaphore, #tpu.memory_space<semaphore_mem>>)
      %mul3A_382 = arith.constant 5120 : i32
      %mul3A_383 = arith.muli %sub3A_7, %mul3A_382 : i32
      %add3A_384 = arith.constant 2560 : i32
      %add3A_385 = arith.addi %mul3A_383, %add3A_384 : i32
      %dma_wait3A_386 = arith.constant 0 : i32
      %dma_wait3A_387 = arith.constant 0 : i32
      %dma_wait3A_388 = tpu.memref_slice %arg3[%dma_wait3A_386, %dma_wait3A_387] : memref<49152x64xf32, #tpu.memory_space<hbm>> -> memref<256x64xf32, #tpu.memory_space<hbm>>
      %dma_wait3A_389 = arith.constant 0 : i32
      %dma_wait3A_390 = arith.constant 0 : i32
      %dma_wait3A_391 = tpu.memref_slice %arg3[%dma_wait3A_389, %dma_wait3A_390] : memref<49152x64xf32, #tpu.memory_space<hbm>> -> memref<256x64xf32, #tpu.memory_space<hbm>>
      tpu.wait_dma2 semaphore(%arg15 : memref<!tpu.dma_semaphore, #tpu.memory_space<semaphore_mem>>) src(%dma_wait3A_391 : memref<256x64xf32, #tpu.memory_space<hbm>>) dst(%arg9 : memref<256x64xf32, #tpu.memory_space<vmem>>)
      %dma_wait3A_392 = arith.constant 0 : i32
      %dma_wait3A_393 = arith.constant 0 : i32
      %dma_wait3A_394 = tpu.memref_slice %arg3[%dma_wait3A_392, %dma_wait3A_393] : memref<49152x64xf32, #tpu.memory_space<hbm>> -> memref<256x64xf32, #tpu.memory_space<hbm>>
      %dma_wait3A_395 = arith.constant 0 : i32
      %dma_wait3A_396 = arith.constant 0 : i32
      %dma_wait3A_397 = tpu.memref_slice %arg3[%dma_wait3A_395, %dma_wait3A_396] : memref<49152x64xf32, #tpu.memory_space<hbm>> -> memref<256x64xf32, #tpu.memory_space<hbm>>
      tpu.wait_dma2 semaphore(%arg15 : memref<!tpu.dma_semaphore, #tpu.memory_space<semaphore_mem>>) src(%dma_wait3A_397 : memref<256x64xf32, #tpu.memory_space<hbm>>) dst(%arg10 : memref<256x64xf32, #tpu.memory_space<vmem>>)
      %dma_start3A_398 = arith.constant 0 : i32
      %dma_start3A_399 = tpu.memref_slice %arg2[%add3A_385, %dma_start3A_398] : memref<40962x128xf32, #tpu.memory_space<hbm>> -> memref<256x64xf32, #tpu.memory_space<hbm>>
      %dma_start3A_400 = arith.constant 0 : i32
      %dma_start3A_401 = tpu.memref_slice %arg2[%add3A_385, %dma_start3A_400] : memref<40962x128xf32, #tpu.memory_space<hbm>> -> memref<256x64xf32, #tpu.memory_space<hbm>>
      tpu.enqueue_dma source(%dma_start3A_401 : memref<256x64xf32, #tpu.memory_space<hbm>>) target(%arg9 : memref<256x64xf32, #tpu.memory_space<vmem>>) target_semaphore(%arg13 : memref<!tpu.dma_semaphore, #tpu.memory_space<semaphore_mem>>)
      %dma_start3A_402 = arith.constant 64 : i32
      %dma_start3A_403 = tpu.memref_slice %arg2[%add3A_385, %dma_start3A_402] : memref<40962x128xf32, #tpu.memory_space<hbm>> -> memref<256x64xf32, #tpu.memory_space<hbm>>
      %dma_start3A_404 = arith.constant 64 : i32
      %dma_start3A_405 = tpu.memref_slice %arg2[%add3A_385, %dma_start3A_404] : memref<40962x128xf32, #tpu.memory_space<hbm>> -> memref<256x64xf32, #tpu.memory_space<hbm>>
      tpu.enqueue_dma source(%dma_start3A_405 : memref<256x64xf32, #tpu.memory_space<hbm>>) target(%arg10 : memref<256x64xf32, #tpu.memory_space<vmem>>) target_semaphore(%arg13 : memref<!tpu.dma_semaphore, #tpu.memory_space<semaphore_mem>>)
      %dma_wait3A_406 = arith.constant 0 : i32
      %dma_wait3A_407 = tpu.memref_slice %arg2[%add3A_385, %dma_wait3A_406] : memref<40962x128xf32, #tpu.memory_space<hbm>> -> memref<256x64xf32, #tpu.memory_space<hbm>>
      %dma_wait3A_408 = arith.constant 0 : i32
      %dma_wait3A_409 = tpu.memref_slice %arg2[%add3A_385, %dma_wait3A_408] : memref<40962x128xf32, #tpu.memory_space<hbm>> -> memref<256x64xf32, #tpu.memory_space<hbm>>
      tpu.wait_dma2 semaphore(%arg13 : memref<!tpu.dma_semaphore, #tpu.memory_space<semaphore_mem>>) src(%dma_wait3A_409 : memref<256x64xf32, #tpu.memory_space<hbm>>) dst(%arg9 : memref<256x64xf32, #tpu.memory_space<vmem>>)
      %dma_wait3A_410 = arith.constant 64 : i32
      %dma_wait3A_411 = tpu.memref_slice %arg2[%add3A_385, %dma_wait3A_410] : memref<40962x128xf32, #tpu.memory_space<hbm>> -> memref<256x64xf32, #tpu.memory_space<hbm>>
      %dma_wait3A_412 = arith.constant 64 : i32
      %dma_wait3A_413 = tpu.memref_slice %arg2[%add3A_385, %dma_wait3A_412] : memref<40962x128xf32, #tpu.memory_space<hbm>> -> memref<256x64xf32, #tpu.memory_space<hbm>>
      tpu.wait_dma2 semaphore(%arg13 : memref<!tpu.dma_semaphore, #tpu.memory_space<semaphore_mem>>) src(%dma_wait3A_413 : memref<256x64xf32, #tpu.memory_space<hbm>>) dst(%arg10 : memref<256x64xf32, #tpu.memory_space<vmem>>)
      %dma_start3A_414 = arith.constant 0 : i32
      %dma_start3A_415 = tpu.memref_slice %arg5[%add3A_385, %dma_start3A_414] : memref<163842x128xf32, #tpu.memory_space<hbm>> -> memref<256x64xf32, #tpu.memory_space<hbm>>
      %dma_start3A_416 = arith.constant 0 : i32
      %dma_start3A_417 = tpu.memref_slice %arg5[%add3A_385, %dma_start3A_416] : memref<163842x128xf32, #tpu.memory_space<hbm>> -> memref<256x64xf32, #tpu.memory_space<hbm>>
      tpu.enqueue_dma source(%arg9 : memref<256x64xf32, #tpu.memory_space<vmem>>) target(%dma_start3A_417 : memref<256x64xf32, #tpu.memory_space<hbm>>) target_semaphore(%arg15 : memref<!tpu.dma_semaphore, #tpu.memory_space<semaphore_mem>>)
      %dma_start3A_418 = arith.constant 64 : i32
      %dma_start3A_419 = tpu.memref_slice %arg5[%add3A_385, %dma_start3A_418] : memref<163842x128xf32, #tpu.memory_space<hbm>> -> memref<256x64xf32, #tpu.memory_space<hbm>>
      %dma_start3A_420 = arith.constant 64 : i32
      %dma_start3A_421 = tpu.memref_slice %arg5[%add3A_385, %dma_start3A_420] : memref<163842x128xf32, #tpu.memory_space<hbm>> -> memref<256x64xf32, #tpu.memory_space<hbm>>
      tpu.enqueue_dma source(%arg10 : memref<256x64xf32, #tpu.memory_space<vmem>>) target(%dma_start3A_421 : memref<256x64xf32, #tpu.memory_space<hbm>>) target_semaphore(%arg15 : memref<!tpu.dma_semaphore, #tpu.memory_space<semaphore_mem>>)
      %mul3A_422 = arith.constant 5120 : i32
      %mul3A_423 = arith.muli %sub3A_7, %mul3A_422 : i32
      %add3A_424 = arith.constant 2816 : i32
      %add3A_425 = arith.addi %mul3A_423, %add3A_424 : i32
      %dma_wait3A_426 = arith.constant 0 : i32
      %dma_wait3A_427 = arith.constant 0 : i32
      %dma_wait3A_428 = tpu.memref_slice %arg3[%dma_wait3A_426, %dma_wait3A_427] : memref<49152x64xf32, #tpu.memory_space<hbm>> -> memref<256x64xf32, #tpu.memory_space<hbm>>
      %dma_wait3A_429 = arith.constant 0 : i32
      %dma_wait3A_430 = arith.constant 0 : i32
      %dma_wait3A_431 = tpu.memref_slice %arg3[%dma_wait3A_429, %dma_wait3A_430] : memref<49152x64xf32, #tpu.memory_space<hbm>> -> memref<256x64xf32, #tpu.memory_space<hbm>>
      tpu.wait_dma2 semaphore(%arg16 : memref<!tpu.dma_semaphore, #tpu.memory_space<semaphore_mem>>) src(%dma_wait3A_431 : memref<256x64xf32, #tpu.memory_space<hbm>>) dst(%arg11 : memref<256x64xf32, #tpu.memory_space<vmem>>)
      %dma_wait3A_432 = arith.constant 0 : i32
      %dma_wait3A_433 = arith.constant 0 : i32
      %dma_wait3A_434 = tpu.memref_slice %arg3[%dma_wait3A_432, %dma_wait3A_433] : memref<49152x64xf32, #tpu.memory_space<hbm>> -> memref<256x64xf32, #tpu.memory_space<hbm>>
      %dma_wait3A_435 = arith.constant 0 : i32
      %dma_wait3A_436 = arith.constant 0 : i32
      %dma_wait3A_437 = tpu.memref_slice %arg3[%dma_wait3A_435, %dma_wait3A_436] : memref<49152x64xf32, #tpu.memory_space<hbm>> -> memref<256x64xf32, #tpu.memory_space<hbm>>
      tpu.wait_dma2 semaphore(%arg16 : memref<!tpu.dma_semaphore, #tpu.memory_space<semaphore_mem>>) src(%dma_wait3A_437 : memref<256x64xf32, #tpu.memory_space<hbm>>) dst(%arg12 : memref<256x64xf32, #tpu.memory_space<vmem>>)
      %dma_start3A_438 = arith.constant 0 : i32
      %dma_start3A_439 = tpu.memref_slice %arg2[%add3A_425, %dma_start3A_438] : memref<40962x128xf32, #tpu.memory_space<hbm>> -> memref<256x64xf32, #tpu.memory_space<hbm>>
      %dma_start3A_440 = arith.constant 0 : i32
      %dma_start3A_441 = tpu.memref_slice %arg2[%add3A_425, %dma_start3A_440] : memref<40962x128xf32, #tpu.memory_space<hbm>> -> memref<256x64xf32, #tpu.memory_space<hbm>>
      tpu.enqueue_dma source(%dma_start3A_441 : memref<256x64xf32, #tpu.memory_space<hbm>>) target(%arg11 : memref<256x64xf32, #tpu.memory_space<vmem>>) target_semaphore(%arg14 : memref<!tpu.dma_semaphore, #tpu.memory_space<semaphore_mem>>)
      %dma_start3A_442 = arith.constant 64 : i32
      %dma_start3A_443 = tpu.memref_slice %arg2[%add3A_425, %dma_start3A_442] : memref<40962x128xf32, #tpu.memory_space<hbm>> -> memref<256x64xf32, #tpu.memory_space<hbm>>
      %dma_start3A_444 = arith.constant 64 : i32
      %dma_start3A_445 = tpu.memref_slice %arg2[%add3A_425, %dma_start3A_444] : memref<40962x128xf32, #tpu.memory_space<hbm>> -> memref<256x64xf32, #tpu.memory_space<hbm>>
      tpu.enqueue_dma source(%dma_start3A_445 : memref<256x64xf32, #tpu.memory_space<hbm>>) target(%arg12 : memref<256x64xf32, #tpu.memory_space<vmem>>) target_semaphore(%arg14 : memref<!tpu.dma_semaphore, #tpu.memory_space<semaphore_mem>>)
      %dma_wait3A_446 = arith.constant 0 : i32
      %dma_wait3A_447 = tpu.memref_slice %arg2[%add3A_425, %dma_wait3A_446] : memref<40962x128xf32, #tpu.memory_space<hbm>> -> memref<256x64xf32, #tpu.memory_space<hbm>>
      %dma_wait3A_448 = arith.constant 0 : i32
      %dma_wait3A_449 = tpu.memref_slice %arg2[%add3A_425, %dma_wait3A_448] : memref<40962x128xf32, #tpu.memory_space<hbm>> -> memref<256x64xf32, #tpu.memory_space<hbm>>
      tpu.wait_dma2 semaphore(%arg14 : memref<!tpu.dma_semaphore, #tpu.memory_space<semaphore_mem>>) src(%dma_wait3A_449 : memref<256x64xf32, #tpu.memory_space<hbm>>) dst(%arg11 : memref<256x64xf32, #tpu.memory_space<vmem>>)
      %dma_wait3A_450 = arith.constant 64 : i32
      %dma_wait3A_451 = tpu.memref_slice %arg2[%add3A_425, %dma_wait3A_450] : memref<40962x128xf32, #tpu.memory_space<hbm>> -> memref<256x64xf32, #tpu.memory_space<hbm>>
      %dma_wait3A_452 = arith.constant 64 : i32
      %dma_wait3A_453 = tpu.memref_slice %arg2[%add3A_425, %dma_wait3A_452] : memref<40962x128xf32, #tpu.memory_space<hbm>> -> memref<256x64xf32, #tpu.memory_space<hbm>>
      tpu.wait_dma2 semaphore(%arg14 : memref<!tpu.dma_semaphore, #tpu.memory_space<semaphore_mem>>) src(%dma_wait3A_453 : memref<256x64xf32, #tpu.memory_space<hbm>>) dst(%arg12 : memref<256x64xf32, #tpu.memory_space<vmem>>)
      %dma_start3A_454 = arith.constant 0 : i32
      %dma_start3A_455 = tpu.memref_slice %arg5[%add3A_425, %dma_start3A_454] : memref<163842x128xf32, #tpu.memory_space<hbm>> -> memref<256x64xf32, #tpu.memory_space<hbm>>
      %dma_start3A_456 = arith.constant 0 : i32
      %dma_start3A_457 = tpu.memref_slice %arg5[%add3A_425, %dma_start3A_456] : memref<163842x128xf32, #tpu.memory_space<hbm>> -> memref<256x64xf32, #tpu.memory_space<hbm>>
      tpu.enqueue_dma source(%arg11 : memref<256x64xf32, #tpu.memory_space<vmem>>) target(%dma_start3A_457 : memref<256x64xf32, #tpu.memory_space<hbm>>) target_semaphore(%arg16 : memref<!tpu.dma_semaphore, #tpu.memory_space<semaphore_mem>>)
      %dma_start3A_458 = arith.constant 64 : i32
      %dma_start3A_459 = tpu.memref_slice %arg5[%add3A_425, %dma_start3A_458] : memref<163842x128xf32, #tpu.memory_space<hbm>> -> memref<256x64xf32, #tpu.memory_space<hbm>>
      %dma_start3A_460 = arith.constant 64 : i32
      %dma_start3A_461 = tpu.memref_slice %arg5[%add3A_425, %dma_start3A_460] : memref<163842x128xf32, #tpu.memory_space<hbm>> -> memref<256x64xf32, #tpu.memory_space<hbm>>
      tpu.enqueue_dma source(%arg12 : memref<256x64xf32, #tpu.memory_space<vmem>>) target(%dma_start3A_461 : memref<256x64xf32, #tpu.memory_space<hbm>>) target_semaphore(%arg16 : memref<!tpu.dma_semaphore, #tpu.memory_space<semaphore_mem>>)
      %mul3A_462 = arith.constant 5120 : i32
      %mul3A_463 = arith.muli %sub3A_7, %mul3A_462 : i32
      %add3A_464 = arith.constant 3072 : i32
      %add3A_465 = arith.addi %mul3A_463, %add3A_464 : i32
      %dma_wait3A_466 = arith.constant 0 : i32
      %dma_wait3A_467 = arith.constant 0 : i32
      %dma_wait3A_468 = tpu.memref_slice %arg3[%dma_wait3A_466, %dma_wait3A_467] : memref<49152x64xf32, #tpu.memory_space<hbm>> -> memref<256x64xf32, #tpu.memory_space<hbm>>
      %dma_wait3A_469 = arith.constant 0 : i32
      %dma_wait3A_470 = arith.constant 0 : i32
      %dma_wait3A_471 = tpu.memref_slice %arg3[%dma_wait3A_469, %dma_wait3A_470] : memref<49152x64xf32, #tpu.memory_space<hbm>> -> memref<256x64xf32, #tpu.memory_space<hbm>>
      tpu.wait_dma2 semaphore(%arg15 : memref<!tpu.dma_semaphore, #tpu.memory_space<semaphore_mem>>) src(%dma_wait3A_471 : memref<256x64xf32, #tpu.memory_space<hbm>>) dst(%arg9 : memref<256x64xf32, #tpu.memory_space<vmem>>)
      %dma_wait3A_472 = arith.constant 0 : i32
      %dma_wait3A_473 = arith.constant 0 : i32
      %dma_wait3A_474 = tpu.memref_slice %arg3[%dma_wait3A_472, %dma_wait3A_473] : memref<49152x64xf32, #tpu.memory_space<hbm>> -> memref<256x64xf32, #tpu.memory_space<hbm>>
      %dma_wait3A_475 = arith.constant 0 : i32
      %dma_wait3A_476 = arith.constant 0 : i32
      %dma_wait3A_477 = tpu.memref_slice %arg3[%dma_wait3A_475, %dma_wait3A_476] : memref<49152x64xf32, #tpu.memory_space<hbm>> -> memref<256x64xf32, #tpu.memory_space<hbm>>
      tpu.wait_dma2 semaphore(%arg15 : memref<!tpu.dma_semaphore, #tpu.memory_space<semaphore_mem>>) src(%dma_wait3A_477 : memref<256x64xf32, #tpu.memory_space<hbm>>) dst(%arg10 : memref<256x64xf32, #tpu.memory_space<vmem>>)
      %dma_start3A_478 = arith.constant 0 : i32
      %dma_start3A_479 = tpu.memref_slice %arg2[%add3A_465, %dma_start3A_478] : memref<40962x128xf32, #tpu.memory_space<hbm>> -> memref<256x64xf32, #tpu.memory_space<hbm>>
      %dma_start3A_480 = arith.constant 0 : i32
      %dma_start3A_481 = tpu.memref_slice %arg2[%add3A_465, %dma_start3A_480] : memref<40962x128xf32, #tpu.memory_space<hbm>> -> memref<256x64xf32, #tpu.memory_space<hbm>>
      tpu.enqueue_dma source(%dma_start3A_481 : memref<256x64xf32, #tpu.memory_space<hbm>>) target(%arg9 : memref<256x64xf32, #tpu.memory_space<vmem>>) target_semaphore(%arg13 : memref<!tpu.dma_semaphore, #tpu.memory_space<semaphore_mem>>)
      %dma_start3A_482 = arith.constant 64 : i32
      %dma_start3A_483 = tpu.memref_slice %arg2[%add3A_465, %dma_start3A_482] : memref<40962x128xf32, #tpu.memory_space<hbm>> -> memref<256x64xf32, #tpu.memory_space<hbm>>
      %dma_start3A_484 = arith.constant 64 : i32
      %dma_start3A_485 = tpu.memref_slice %arg2[%add3A_465, %dma_start3A_484] : memref<40962x128xf32, #tpu.memory_space<hbm>> -> memref<256x64xf32, #tpu.memory_space<hbm>>
      tpu.enqueue_dma source(%dma_start3A_485 : memref<256x64xf32, #tpu.memory_space<hbm>>) target(%arg10 : memref<256x64xf32, #tpu.memory_space<vmem>>) target_semaphore(%arg13 : memref<!tpu.dma_semaphore, #tpu.memory_space<semaphore_mem>>)
      %dma_wait3A_486 = arith.constant 0 : i32
      %dma_wait3A_487 = tpu.memref_slice %arg2[%add3A_465, %dma_wait3A_486] : memref<40962x128xf32, #tpu.memory_space<hbm>> -> memref<256x64xf32, #tpu.memory_space<hbm>>
      %dma_wait3A_488 = arith.constant 0 : i32
      %dma_wait3A_489 = tpu.memref_slice %arg2[%add3A_465, %dma_wait3A_488] : memref<40962x128xf32, #tpu.memory_space<hbm>> -> memref<256x64xf32, #tpu.memory_space<hbm>>
      tpu.wait_dma2 semaphore(%arg13 : memref<!tpu.dma_semaphore, #tpu.memory_space<semaphore_mem>>) src(%dma_wait3A_489 : memref<256x64xf32, #tpu.memory_space<hbm>>) dst(%arg9 : memref<256x64xf32, #tpu.memory_space<vmem>>)
      %dma_wait3A_490 = arith.constant 64 : i32
      %dma_wait3A_491 = tpu.memref_slice %arg2[%add3A_465, %dma_wait3A_490] : memref<40962x128xf32, #tpu.memory_space<hbm>> -> memref<256x64xf32, #tpu.memory_space<hbm>>
      %dma_wait3A_492 = arith.constant 64 : i32
      %dma_wait3A_493 = tpu.memref_slice %arg2[%add3A_465, %dma_wait3A_492] : memref<40962x128xf32, #tpu.memory_space<hbm>> -> memref<256x64xf32, #tpu.memory_space<hbm>>
      tpu.wait_dma2 semaphore(%arg13 : memref<!tpu.dma_semaphore, #tpu.memory_space<semaphore_mem>>) src(%dma_wait3A_493 : memref<256x64xf32, #tpu.memory_space<hbm>>) dst(%arg10 : memref<256x64xf32, #tpu.memory_space<vmem>>)
      %dma_start3A_494 = arith.constant 0 : i32
      %dma_start3A_495 = tpu.memref_slice %arg5[%add3A_465, %dma_start3A_494] : memref<163842x128xf32, #tpu.memory_space<hbm>> -> memref<256x64xf32, #tpu.memory_space<hbm>>
      %dma_start3A_496 = arith.constant 0 : i32
      %dma_start3A_497 = tpu.memref_slice %arg5[%add3A_465, %dma_start3A_496] : memref<163842x128xf32, #tpu.memory_space<hbm>> -> memref<256x64xf32, #tpu.memory_space<hbm>>
      tpu.enqueue_dma source(%arg9 : memref<256x64xf32, #tpu.memory_space<vmem>>) target(%dma_start3A_497 : memref<256x64xf32, #tpu.memory_space<hbm>>) target_semaphore(%arg15 : memref<!tpu.dma_semaphore, #tpu.memory_space<semaphore_mem>>)
      %dma_start3A_498 = arith.constant 64 : i32
      %dma_start3A_499 = tpu.memref_slice %arg5[%add3A_465, %dma_start3A_498] : memref<163842x128xf32, #tpu.memory_space<hbm>> -> memref<256x64xf32, #tpu.memory_space<hbm>>
      %dma_start3A_500 = arith.constant 64 : i32
      %dma_start3A_501 = tpu.memref_slice %arg5[%add3A_465, %dma_start3A_500] : memref<163842x128xf32, #tpu.memory_space<hbm>> -> memref<256x64xf32, #tpu.memory_space<hbm>>
      tpu.enqueue_dma source(%arg10 : memref<256x64xf32, #tpu.memory_space<vmem>>) target(%dma_start3A_501 : memref<256x64xf32, #tpu.memory_space<hbm>>) target_semaphore(%arg15 : memref<!tpu.dma_semaphore, #tpu.memory_space<semaphore_mem>>)
      %mul3A_502 = arith.constant 5120 : i32
      %mul3A_503 = arith.muli %sub3A_7, %mul3A_502 : i32
      %add3A_504 = arith.constant 3328 : i32
      %add3A_505 = arith.addi %mul3A_503, %add3A_504 : i32
      %dma_wait3A_506 = arith.constant 0 : i32
      %dma_wait3A_507 = arith.constant 0 : i32
      %dma_wait3A_508 = tpu.memref_slice %arg3[%dma_wait3A_506, %dma_wait3A_507] : memref<49152x64xf32, #tpu.memory_space<hbm>> -> memref<256x64xf32, #tpu.memory_space<hbm>>
      %dma_wait3A_509 = arith.constant 0 : i32
      %dma_wait3A_510 = arith.constant 0 : i32
      %dma_wait3A_511 = tpu.memref_slice %arg3[%dma_wait3A_509, %dma_wait3A_510] : memref<49152x64xf32, #tpu.memory_space<hbm>> -> memref<256x64xf32, #tpu.memory_space<hbm>>
      tpu.wait_dma2 semaphore(%arg16 : memref<!tpu.dma_semaphore, #tpu.memory_space<semaphore_mem>>) src(%dma_wait3A_511 : memref<256x64xf32, #tpu.memory_space<hbm>>) dst(%arg11 : memref<256x64xf32, #tpu.memory_space<vmem>>)
      %dma_wait3A_512 = arith.constant 0 : i32
      %dma_wait3A_513 = arith.constant 0 : i32
      %dma_wait3A_514 = tpu.memref_slice %arg3[%dma_wait3A_512, %dma_wait3A_513] : memref<49152x64xf32, #tpu.memory_space<hbm>> -> memref<256x64xf32, #tpu.memory_space<hbm>>
      %dma_wait3A_515 = arith.constant 0 : i32
      %dma_wait3A_516 = arith.constant 0 : i32
      %dma_wait3A_517 = tpu.memref_slice %arg3[%dma_wait3A_515, %dma_wait3A_516] : memref<49152x64xf32, #tpu.memory_space<hbm>> -> memref<256x64xf32, #tpu.memory_space<hbm>>
      tpu.wait_dma2 semaphore(%arg16 : memref<!tpu.dma_semaphore, #tpu.memory_space<semaphore_mem>>) src(%dma_wait3A_517 : memref<256x64xf32, #tpu.memory_space<hbm>>) dst(%arg12 : memref<256x64xf32, #tpu.memory_space<vmem>>)
      %dma_start3A_518 = arith.constant 0 : i32
      %dma_start3A_519 = tpu.memref_slice %arg2[%add3A_505, %dma_start3A_518] : memref<40962x128xf32, #tpu.memory_space<hbm>> -> memref<256x64xf32, #tpu.memory_space<hbm>>
      %dma_start3A_520 = arith.constant 0 : i32
      %dma_start3A_521 = tpu.memref_slice %arg2[%add3A_505, %dma_start3A_520] : memref<40962x128xf32, #tpu.memory_space<hbm>> -> memref<256x64xf32, #tpu.memory_space<hbm>>
      tpu.enqueue_dma source(%dma_start3A_521 : memref<256x64xf32, #tpu.memory_space<hbm>>) target(%arg11 : memref<256x64xf32, #tpu.memory_space<vmem>>) target_semaphore(%arg14 : memref<!tpu.dma_semaphore, #tpu.memory_space<semaphore_mem>>)
      %dma_start3A_522 = arith.constant 64 : i32
      %dma_start3A_523 = tpu.memref_slice %arg2[%add3A_505, %dma_start3A_522] : memref<40962x128xf32, #tpu.memory_space<hbm>> -> memref<256x64xf32, #tpu.memory_space<hbm>>
      %dma_start3A_524 = arith.constant 64 : i32
      %dma_start3A_525 = tpu.memref_slice %arg2[%add3A_505, %dma_start3A_524] : memref<40962x128xf32, #tpu.memory_space<hbm>> -> memref<256x64xf32, #tpu.memory_space<hbm>>
      tpu.enqueue_dma source(%dma_start3A_525 : memref<256x64xf32, #tpu.memory_space<hbm>>) target(%arg12 : memref<256x64xf32, #tpu.memory_space<vmem>>) target_semaphore(%arg14 : memref<!tpu.dma_semaphore, #tpu.memory_space<semaphore_mem>>)
      %dma_wait3A_526 = arith.constant 0 : i32
      %dma_wait3A_527 = tpu.memref_slice %arg2[%add3A_505, %dma_wait3A_526] : memref<40962x128xf32, #tpu.memory_space<hbm>> -> memref<256x64xf32, #tpu.memory_space<hbm>>
      %dma_wait3A_528 = arith.constant 0 : i32
      %dma_wait3A_529 = tpu.memref_slice %arg2[%add3A_505, %dma_wait3A_528] : memref<40962x128xf32, #tpu.memory_space<hbm>> -> memref<256x64xf32, #tpu.memory_space<hbm>>
      tpu.wait_dma2 semaphore(%arg14 : memref<!tpu.dma_semaphore, #tpu.memory_space<semaphore_mem>>) src(%dma_wait3A_529 : memref<256x64xf32, #tpu.memory_space<hbm>>) dst(%arg11 : memref<256x64xf32, #tpu.memory_space<vmem>>)
      %dma_wait3A_530 = arith.constant 64 : i32
      %dma_wait3A_531 = tpu.memref_slice %arg2[%add3A_505, %dma_wait3A_530] : memref<40962x128xf32, #tpu.memory_space<hbm>> -> memref<256x64xf32, #tpu.memory_space<hbm>>
      %dma_wait3A_532 = arith.constant 64 : i32
      %dma_wait3A_533 = tpu.memref_slice %arg2[%add3A_505, %dma_wait3A_532] : memref<40962x128xf32, #tpu.memory_space<hbm>> -> memref<256x64xf32, #tpu.memory_space<hbm>>
      tpu.wait_dma2 semaphore(%arg14 : memref<!tpu.dma_semaphore, #tpu.memory_space<semaphore_mem>>) src(%dma_wait3A_533 : memref<256x64xf32, #tpu.memory_space<hbm>>) dst(%arg12 : memref<256x64xf32, #tpu.memory_space<vmem>>)
      %dma_start3A_534 = arith.constant 0 : i32
      %dma_start3A_535 = tpu.memref_slice %arg5[%add3A_505, %dma_start3A_534] : memref<163842x128xf32, #tpu.memory_space<hbm>> -> memref<256x64xf32, #tpu.memory_space<hbm>>
      %dma_start3A_536 = arith.constant 0 : i32
      %dma_start3A_537 = tpu.memref_slice %arg5[%add3A_505, %dma_start3A_536] : memref<163842x128xf32, #tpu.memory_space<hbm>> -> memref<256x64xf32, #tpu.memory_space<hbm>>
      tpu.enqueue_dma source(%arg11 : memref<256x64xf32, #tpu.memory_space<vmem>>) target(%dma_start3A_537 : memref<256x64xf32, #tpu.memory_space<hbm>>) target_semaphore(%arg16 : memref<!tpu.dma_semaphore, #tpu.memory_space<semaphore_mem>>)
      %dma_start3A_538 = arith.constant 64 : i32
      %dma_start3A_539 = tpu.memref_slice %arg5[%add3A_505, %dma_start3A_538] : memref<163842x128xf32, #tpu.memory_space<hbm>> -> memref<256x64xf32, #tpu.memory_space<hbm>>
      %dma_start3A_540 = arith.constant 64 : i32
      %dma_start3A_541 = tpu.memref_slice %arg5[%add3A_505, %dma_start3A_540] : memref<163842x128xf32, #tpu.memory_space<hbm>> -> memref<256x64xf32, #tpu.memory_space<hbm>>
      tpu.enqueue_dma source(%arg12 : memref<256x64xf32, #tpu.memory_space<vmem>>) target(%dma_start3A_541 : memref<256x64xf32, #tpu.memory_space<hbm>>) target_semaphore(%arg16 : memref<!tpu.dma_semaphore, #tpu.memory_space<semaphore_mem>>)
      %mul3A_542 = arith.constant 5120 : i32
      %mul3A_543 = arith.muli %sub3A_7, %mul3A_542 : i32
      %add3A_544 = arith.constant 3584 : i32
      %add3A_545 = arith.addi %mul3A_543, %add3A_544 : i32
      %dma_wait3A_546 = arith.constant 0 : i32
      %dma_wait3A_547 = arith.constant 0 : i32
      %dma_wait3A_548 = tpu.memref_slice %arg3[%dma_wait3A_546, %dma_wait3A_547] : memref<49152x64xf32, #tpu.memory_space<hbm>> -> memref<256x64xf32, #tpu.memory_space<hbm>>
      %dma_wait3A_549 = arith.constant 0 : i32
      %dma_wait3A_550 = arith.constant 0 : i32
      %dma_wait3A_551 = tpu.memref_slice %arg3[%dma_wait3A_549, %dma_wait3A_550] : memref<49152x64xf32, #tpu.memory_space<hbm>> -> memref<256x64xf32, #tpu.memory_space<hbm>>
      tpu.wait_dma2 semaphore(%arg15 : memref<!tpu.dma_semaphore, #tpu.memory_space<semaphore_mem>>) src(%dma_wait3A_551 : memref<256x64xf32, #tpu.memory_space<hbm>>) dst(%arg9 : memref<256x64xf32, #tpu.memory_space<vmem>>)
      %dma_wait3A_552 = arith.constant 0 : i32
      %dma_wait3A_553 = arith.constant 0 : i32
      %dma_wait3A_554 = tpu.memref_slice %arg3[%dma_wait3A_552, %dma_wait3A_553] : memref<49152x64xf32, #tpu.memory_space<hbm>> -> memref<256x64xf32, #tpu.memory_space<hbm>>
      %dma_wait3A_555 = arith.constant 0 : i32
      %dma_wait3A_556 = arith.constant 0 : i32
      %dma_wait3A_557 = tpu.memref_slice %arg3[%dma_wait3A_555, %dma_wait3A_556] : memref<49152x64xf32, #tpu.memory_space<hbm>> -> memref<256x64xf32, #tpu.memory_space<hbm>>
      tpu.wait_dma2 semaphore(%arg15 : memref<!tpu.dma_semaphore, #tpu.memory_space<semaphore_mem>>) src(%dma_wait3A_557 : memref<256x64xf32, #tpu.memory_space<hbm>>) dst(%arg10 : memref<256x64xf32, #tpu.memory_space<vmem>>)
      %dma_start3A_558 = arith.constant 0 : i32
      %dma_start3A_559 = tpu.memref_slice %arg2[%add3A_545, %dma_start3A_558] : memref<40962x128xf32, #tpu.memory_space<hbm>> -> memref<256x64xf32, #tpu.memory_space<hbm>>
      %dma_start3A_560 = arith.constant 0 : i32
      %dma_start3A_561 = tpu.memref_slice %arg2[%add3A_545, %dma_start3A_560] : memref<40962x128xf32, #tpu.memory_space<hbm>> -> memref<256x64xf32, #tpu.memory_space<hbm>>
      tpu.enqueue_dma source(%dma_start3A_561 : memref<256x64xf32, #tpu.memory_space<hbm>>) target(%arg9 : memref<256x64xf32, #tpu.memory_space<vmem>>) target_semaphore(%arg13 : memref<!tpu.dma_semaphore, #tpu.memory_space<semaphore_mem>>)
      %dma_start3A_562 = arith.constant 64 : i32
      %dma_start3A_563 = tpu.memref_slice %arg2[%add3A_545, %dma_start3A_562] : memref<40962x128xf32, #tpu.memory_space<hbm>> -> memref<256x64xf32, #tpu.memory_space<hbm>>
      %dma_start3A_564 = arith.constant 64 : i32
      %dma_start3A_565 = tpu.memref_slice %arg2[%add3A_545, %dma_start3A_564] : memref<40962x128xf32, #tpu.memory_space<hbm>> -> memref<256x64xf32, #tpu.memory_space<hbm>>
      tpu.enqueue_dma source(%dma_start3A_565 : memref<256x64xf32, #tpu.memory_space<hbm>>) target(%arg10 : memref<256x64xf32, #tpu.memory_space<vmem>>) target_semaphore(%arg13 : memref<!tpu.dma_semaphore, #tpu.memory_space<semaphore_mem>>)
      %dma_wait3A_566 = arith.constant 0 : i32
      %dma_wait3A_567 = tpu.memref_slice %arg2[%add3A_545, %dma_wait3A_566] : memref<40962x128xf32, #tpu.memory_space<hbm>> -> memref<256x64xf32, #tpu.memory_space<hbm>>
      %dma_wait3A_568 = arith.constant 0 : i32
      %dma_wait3A_569 = tpu.memref_slice %arg2[%add3A_545, %dma_wait3A_568] : memref<40962x128xf32, #tpu.memory_space<hbm>> -> memref<256x64xf32, #tpu.memory_space<hbm>>
      tpu.wait_dma2 semaphore(%arg13 : memref<!tpu.dma_semaphore, #tpu.memory_space<semaphore_mem>>) src(%dma_wait3A_569 : memref<256x64xf32, #tpu.memory_space<hbm>>) dst(%arg9 : memref<256x64xf32, #tpu.memory_space<vmem>>)
      %dma_wait3A_570 = arith.constant 64 : i32
      %dma_wait3A_571 = tpu.memref_slice %arg2[%add3A_545, %dma_wait3A_570] : memref<40962x128xf32, #tpu.memory_space<hbm>> -> memref<256x64xf32, #tpu.memory_space<hbm>>
      %dma_wait3A_572 = arith.constant 64 : i32
      %dma_wait3A_573 = tpu.memref_slice %arg2[%add3A_545, %dma_wait3A_572] : memref<40962x128xf32, #tpu.memory_space<hbm>> -> memref<256x64xf32, #tpu.memory_space<hbm>>
      tpu.wait_dma2 semaphore(%arg13 : memref<!tpu.dma_semaphore, #tpu.memory_space<semaphore_mem>>) src(%dma_wait3A_573 : memref<256x64xf32, #tpu.memory_space<hbm>>) dst(%arg10 : memref<256x64xf32, #tpu.memory_space<vmem>>)
      %dma_start3A_574 = arith.constant 0 : i32
      %dma_start3A_575 = tpu.memref_slice %arg5[%add3A_545, %dma_start3A_574] : memref<163842x128xf32, #tpu.memory_space<hbm>> -> memref<256x64xf32, #tpu.memory_space<hbm>>
      %dma_start3A_576 = arith.constant 0 : i32
      %dma_start3A_577 = tpu.memref_slice %arg5[%add3A_545, %dma_start3A_576] : memref<163842x128xf32, #tpu.memory_space<hbm>> -> memref<256x64xf32, #tpu.memory_space<hbm>>
      tpu.enqueue_dma source(%arg9 : memref<256x64xf32, #tpu.memory_space<vmem>>) target(%dma_start3A_577 : memref<256x64xf32, #tpu.memory_space<hbm>>) target_semaphore(%arg15 : memref<!tpu.dma_semaphore, #tpu.memory_space<semaphore_mem>>)
      %dma_start3A_578 = arith.constant 64 : i32
      %dma_start3A_579 = tpu.memref_slice %arg5[%add3A_545, %dma_start3A_578] : memref<163842x128xf32, #tpu.memory_space<hbm>> -> memref<256x64xf32, #tpu.memory_space<hbm>>
      %dma_start3A_580 = arith.constant 64 : i32
      %dma_start3A_581 = tpu.memref_slice %arg5[%add3A_545, %dma_start3A_580] : memref<163842x128xf32, #tpu.memory_space<hbm>> -> memref<256x64xf32, #tpu.memory_space<hbm>>
      tpu.enqueue_dma source(%arg10 : memref<256x64xf32, #tpu.memory_space<vmem>>) target(%dma_start3A_581 : memref<256x64xf32, #tpu.memory_space<hbm>>) target_semaphore(%arg15 : memref<!tpu.dma_semaphore, #tpu.memory_space<semaphore_mem>>)
      %mul3A_582 = arith.constant 5120 : i32
      %mul3A_583 = arith.muli %sub3A_7, %mul3A_582 : i32
      %add3A_584 = arith.constant 3840 : i32
      %add3A_585 = arith.addi %mul3A_583, %add3A_584 : i32
      %dma_wait3A_586 = arith.constant 0 : i32
      %dma_wait3A_587 = arith.constant 0 : i32
      %dma_wait3A_588 = tpu.memref_slice %arg3[%dma_wait3A_586, %dma_wait3A_587] : memref<49152x64xf32, #tpu.memory_space<hbm>> -> memref<256x64xf32, #tpu.memory_space<hbm>>
      %dma_wait3A_589 = arith.constant 0 : i32
      %dma_wait3A_590 = arith.constant 0 : i32
      %dma_wait3A_591 = tpu.memref_slice %arg3[%dma_wait3A_589, %dma_wait3A_590] : memref<49152x64xf32, #tpu.memory_space<hbm>> -> memref<256x64xf32, #tpu.memory_space<hbm>>
      tpu.wait_dma2 semaphore(%arg16 : memref<!tpu.dma_semaphore, #tpu.memory_space<semaphore_mem>>) src(%dma_wait3A_591 : memref<256x64xf32, #tpu.memory_space<hbm>>) dst(%arg11 : memref<256x64xf32, #tpu.memory_space<vmem>>)
      %dma_wait3A_592 = arith.constant 0 : i32
      %dma_wait3A_593 = arith.constant 0 : i32
      %dma_wait3A_594 = tpu.memref_slice %arg3[%dma_wait3A_592, %dma_wait3A_593] : memref<49152x64xf32, #tpu.memory_space<hbm>> -> memref<256x64xf32, #tpu.memory_space<hbm>>
      %dma_wait3A_595 = arith.constant 0 : i32
      %dma_wait3A_596 = arith.constant 0 : i32
      %dma_wait3A_597 = tpu.memref_slice %arg3[%dma_wait3A_595, %dma_wait3A_596] : memref<49152x64xf32, #tpu.memory_space<hbm>> -> memref<256x64xf32, #tpu.memory_space<hbm>>
      tpu.wait_dma2 semaphore(%arg16 : memref<!tpu.dma_semaphore, #tpu.memory_space<semaphore_mem>>) src(%dma_wait3A_597 : memref<256x64xf32, #tpu.memory_space<hbm>>) dst(%arg12 : memref<256x64xf32, #tpu.memory_space<vmem>>)
      %dma_start3A_598 = arith.constant 0 : i32
      %dma_start3A_599 = tpu.memref_slice %arg2[%add3A_585, %dma_start3A_598] : memref<40962x128xf32, #tpu.memory_space<hbm>> -> memref<256x64xf32, #tpu.memory_space<hbm>>
      %dma_start3A_600 = arith.constant 0 : i32
      %dma_start3A_601 = tpu.memref_slice %arg2[%add3A_585, %dma_start3A_600] : memref<40962x128xf32, #tpu.memory_space<hbm>> -> memref<256x64xf32, #tpu.memory_space<hbm>>
      tpu.enqueue_dma source(%dma_start3A_601 : memref<256x64xf32, #tpu.memory_space<hbm>>) target(%arg11 : memref<256x64xf32, #tpu.memory_space<vmem>>) target_semaphore(%arg14 : memref<!tpu.dma_semaphore, #tpu.memory_space<semaphore_mem>>)
      %dma_start3A_602 = arith.constant 64 : i32
      %dma_start3A_603 = tpu.memref_slice %arg2[%add3A_585, %dma_start3A_602] : memref<40962x128xf32, #tpu.memory_space<hbm>> -> memref<256x64xf32, #tpu.memory_space<hbm>>
      %dma_start3A_604 = arith.constant 64 : i32
      %dma_start3A_605 = tpu.memref_slice %arg2[%add3A_585, %dma_start3A_604] : memref<40962x128xf32, #tpu.memory_space<hbm>> -> memref<256x64xf32, #tpu.memory_space<hbm>>
      tpu.enqueue_dma source(%dma_start3A_605 : memref<256x64xf32, #tpu.memory_space<hbm>>) target(%arg12 : memref<256x64xf32, #tpu.memory_space<vmem>>) target_semaphore(%arg14 : memref<!tpu.dma_semaphore, #tpu.memory_space<semaphore_mem>>)
      %dma_wait3A_606 = arith.constant 0 : i32
      %dma_wait3A_607 = tpu.memref_slice %arg2[%add3A_585, %dma_wait3A_606] : memref<40962x128xf32, #tpu.memory_space<hbm>> -> memref<256x64xf32, #tpu.memory_space<hbm>>
      %dma_wait3A_608 = arith.constant 0 : i32
      %dma_wait3A_609 = tpu.memref_slice %arg2[%add3A_585, %dma_wait3A_608] : memref<40962x128xf32, #tpu.memory_space<hbm>> -> memref<256x64xf32, #tpu.memory_space<hbm>>
      tpu.wait_dma2 semaphore(%arg14 : memref<!tpu.dma_semaphore, #tpu.memory_space<semaphore_mem>>) src(%dma_wait3A_609 : memref<256x64xf32, #tpu.memory_space<hbm>>) dst(%arg11 : memref<256x64xf32, #tpu.memory_space<vmem>>)
      %dma_wait3A_610 = arith.constant 64 : i32
      %dma_wait3A_611 = tpu.memref_slice %arg2[%add3A_585, %dma_wait3A_610] : memref<40962x128xf32, #tpu.memory_space<hbm>> -> memref<256x64xf32, #tpu.memory_space<hbm>>
      %dma_wait3A_612 = arith.constant 64 : i32
      %dma_wait3A_613 = tpu.memref_slice %arg2[%add3A_585, %dma_wait3A_612] : memref<40962x128xf32, #tpu.memory_space<hbm>> -> memref<256x64xf32, #tpu.memory_space<hbm>>
      tpu.wait_dma2 semaphore(%arg14 : memref<!tpu.dma_semaphore, #tpu.memory_space<semaphore_mem>>) src(%dma_wait3A_613 : memref<256x64xf32, #tpu.memory_space<hbm>>) dst(%arg12 : memref<256x64xf32, #tpu.memory_space<vmem>>)
      %dma_start3A_614 = arith.constant 0 : i32
      %dma_start3A_615 = tpu.memref_slice %arg5[%add3A_585, %dma_start3A_614] : memref<163842x128xf32, #tpu.memory_space<hbm>> -> memref<256x64xf32, #tpu.memory_space<hbm>>
      %dma_start3A_616 = arith.constant 0 : i32
      %dma_start3A_617 = tpu.memref_slice %arg5[%add3A_585, %dma_start3A_616] : memref<163842x128xf32, #tpu.memory_space<hbm>> -> memref<256x64xf32, #tpu.memory_space<hbm>>
      tpu.enqueue_dma source(%arg11 : memref<256x64xf32, #tpu.memory_space<vmem>>) target(%dma_start3A_617 : memref<256x64xf32, #tpu.memory_space<hbm>>) target_semaphore(%arg16 : memref<!tpu.dma_semaphore, #tpu.memory_space<semaphore_mem>>)
      %dma_start3A_618 = arith.constant 64 : i32
      %dma_start3A_619 = tpu.memref_slice %arg5[%add3A_585, %dma_start3A_618] : memref<163842x128xf32, #tpu.memory_space<hbm>> -> memref<256x64xf32, #tpu.memory_space<hbm>>
      %dma_start3A_620 = arith.constant 64 : i32
      %dma_start3A_621 = tpu.memref_slice %arg5[%add3A_585, %dma_start3A_620] : memref<163842x128xf32, #tpu.memory_space<hbm>> -> memref<256x64xf32, #tpu.memory_space<hbm>>
      tpu.enqueue_dma source(%arg12 : memref<256x64xf32, #tpu.memory_space<vmem>>) target(%dma_start3A_621 : memref<256x64xf32, #tpu.memory_space<hbm>>) target_semaphore(%arg16 : memref<!tpu.dma_semaphore, #tpu.memory_space<semaphore_mem>>)
      %mul3A_622 = arith.constant 5120 : i32
      %mul3A_623 = arith.muli %sub3A_7, %mul3A_622 : i32
      %add3A_624 = arith.constant 4096 : i32
      %add3A_625 = arith.addi %mul3A_623, %add3A_624 : i32
      %dma_wait3A_626 = arith.constant 0 : i32
      %dma_wait3A_627 = arith.constant 0 : i32
      %dma_wait3A_628 = tpu.memref_slice %arg3[%dma_wait3A_626, %dma_wait3A_627] : memref<49152x64xf32, #tpu.memory_space<hbm>> -> memref<256x64xf32, #tpu.memory_space<hbm>>
      %dma_wait3A_629 = arith.constant 0 : i32
      %dma_wait3A_630 = arith.constant 0 : i32
      %dma_wait3A_631 = tpu.memref_slice %arg3[%dma_wait3A_629, %dma_wait3A_630] : memref<49152x64xf32, #tpu.memory_space<hbm>> -> memref<256x64xf32, #tpu.memory_space<hbm>>
      tpu.wait_dma2 semaphore(%arg15 : memref<!tpu.dma_semaphore, #tpu.memory_space<semaphore_mem>>) src(%dma_wait3A_631 : memref<256x64xf32, #tpu.memory_space<hbm>>) dst(%arg9 : memref<256x64xf32, #tpu.memory_space<vmem>>)
      %dma_wait3A_632 = arith.constant 0 : i32
      %dma_wait3A_633 = arith.constant 0 : i32
      %dma_wait3A_634 = tpu.memref_slice %arg3[%dma_wait3A_632, %dma_wait3A_633] : memref<49152x64xf32, #tpu.memory_space<hbm>> -> memref<256x64xf32, #tpu.memory_space<hbm>>
      %dma_wait3A_635 = arith.constant 0 : i32
      %dma_wait3A_636 = arith.constant 0 : i32
      %dma_wait3A_637 = tpu.memref_slice %arg3[%dma_wait3A_635, %dma_wait3A_636] : memref<49152x64xf32, #tpu.memory_space<hbm>> -> memref<256x64xf32, #tpu.memory_space<hbm>>
      tpu.wait_dma2 semaphore(%arg15 : memref<!tpu.dma_semaphore, #tpu.memory_space<semaphore_mem>>) src(%dma_wait3A_637 : memref<256x64xf32, #tpu.memory_space<hbm>>) dst(%arg10 : memref<256x64xf32, #tpu.memory_space<vmem>>)
      %dma_start3A_638 = arith.constant 0 : i32
      %dma_start3A_639 = tpu.memref_slice %arg2[%add3A_625, %dma_start3A_638] : memref<40962x128xf32, #tpu.memory_space<hbm>> -> memref<256x64xf32, #tpu.memory_space<hbm>>
      %dma_start3A_640 = arith.constant 0 : i32
      %dma_start3A_641 = tpu.memref_slice %arg2[%add3A_625, %dma_start3A_640] : memref<40962x128xf32, #tpu.memory_space<hbm>> -> memref<256x64xf32, #tpu.memory_space<hbm>>
      tpu.enqueue_dma source(%dma_start3A_641 : memref<256x64xf32, #tpu.memory_space<hbm>>) target(%arg9 : memref<256x64xf32, #tpu.memory_space<vmem>>) target_semaphore(%arg13 : memref<!tpu.dma_semaphore, #tpu.memory_space<semaphore_mem>>)
      %dma_start3A_642 = arith.constant 64 : i32
      %dma_start3A_643 = tpu.memref_slice %arg2[%add3A_625, %dma_start3A_642] : memref<40962x128xf32, #tpu.memory_space<hbm>> -> memref<256x64xf32, #tpu.memory_space<hbm>>
      %dma_start3A_644 = arith.constant 64 : i32
      %dma_start3A_645 = tpu.memref_slice %arg2[%add3A_625, %dma_start3A_644] : memref<40962x128xf32, #tpu.memory_space<hbm>> -> memref<256x64xf32, #tpu.memory_space<hbm>>
      tpu.enqueue_dma source(%dma_start3A_645 : memref<256x64xf32, #tpu.memory_space<hbm>>) target(%arg10 : memref<256x64xf32, #tpu.memory_space<vmem>>) target_semaphore(%arg13 : memref<!tpu.dma_semaphore, #tpu.memory_space<semaphore_mem>>)
      %dma_wait3A_646 = arith.constant 0 : i32
      %dma_wait3A_647 = tpu.memref_slice %arg2[%add3A_625, %dma_wait3A_646] : memref<40962x128xf32, #tpu.memory_space<hbm>> -> memref<256x64xf32, #tpu.memory_space<hbm>>
      %dma_wait3A_648 = arith.constant 0 : i32
      %dma_wait3A_649 = tpu.memref_slice %arg2[%add3A_625, %dma_wait3A_648] : memref<40962x128xf32, #tpu.memory_space<hbm>> -> memref<256x64xf32, #tpu.memory_space<hbm>>
      tpu.wait_dma2 semaphore(%arg13 : memref<!tpu.dma_semaphore, #tpu.memory_space<semaphore_mem>>) src(%dma_wait3A_649 : memref<256x64xf32, #tpu.memory_space<hbm>>) dst(%arg9 : memref<256x64xf32, #tpu.memory_space<vmem>>)
      %dma_wait3A_650 = arith.constant 64 : i32
      %dma_wait3A_651 = tpu.memref_slice %arg2[%add3A_625, %dma_wait3A_650] : memref<40962x128xf32, #tpu.memory_space<hbm>> -> memref<256x64xf32, #tpu.memory_space<hbm>>
      %dma_wait3A_652 = arith.constant 64 : i32
      %dma_wait3A_653 = tpu.memref_slice %arg2[%add3A_625, %dma_wait3A_652] : memref<40962x128xf32, #tpu.memory_space<hbm>> -> memref<256x64xf32, #tpu.memory_space<hbm>>
      tpu.wait_dma2 semaphore(%arg13 : memref<!tpu.dma_semaphore, #tpu.memory_space<semaphore_mem>>) src(%dma_wait3A_653 : memref<256x64xf32, #tpu.memory_space<hbm>>) dst(%arg10 : memref<256x64xf32, #tpu.memory_space<vmem>>)
      %dma_start3A_654 = arith.constant 0 : i32
      %dma_start3A_655 = tpu.memref_slice %arg5[%add3A_625, %dma_start3A_654] : memref<163842x128xf32, #tpu.memory_space<hbm>> -> memref<256x64xf32, #tpu.memory_space<hbm>>
      %dma_start3A_656 = arith.constant 0 : i32
      %dma_start3A_657 = tpu.memref_slice %arg5[%add3A_625, %dma_start3A_656] : memref<163842x128xf32, #tpu.memory_space<hbm>> -> memref<256x64xf32, #tpu.memory_space<hbm>>
      tpu.enqueue_dma source(%arg9 : memref<256x64xf32, #tpu.memory_space<vmem>>) target(%dma_start3A_657 : memref<256x64xf32, #tpu.memory_space<hbm>>) target_semaphore(%arg15 : memref<!tpu.dma_semaphore, #tpu.memory_space<semaphore_mem>>)
      %dma_start3A_658 = arith.constant 64 : i32
      %dma_start3A_659 = tpu.memref_slice %arg5[%add3A_625, %dma_start3A_658] : memref<163842x128xf32, #tpu.memory_space<hbm>> -> memref<256x64xf32, #tpu.memory_space<hbm>>
      %dma_start3A_660 = arith.constant 64 : i32
      %dma_start3A_661 = tpu.memref_slice %arg5[%add3A_625, %dma_start3A_660] : memref<163842x128xf32, #tpu.memory_space<hbm>> -> memref<256x64xf32, #tpu.memory_space<hbm>>
      tpu.enqueue_dma source(%arg10 : memref<256x64xf32, #tpu.memory_space<vmem>>) target(%dma_start3A_661 : memref<256x64xf32, #tpu.memory_space<hbm>>) target_semaphore(%arg15 : memref<!tpu.dma_semaphore, #tpu.memory_space<semaphore_mem>>)
      %mul3A_662 = arith.constant 5120 : i32
      %mul3A_663 = arith.muli %sub3A_7, %mul3A_662 : i32
      %add3A_664 = arith.constant 4352 : i32
      %add3A_665 = arith.addi %mul3A_663, %add3A_664 : i32
      %dma_wait3A_666 = arith.constant 0 : i32
      %dma_wait3A_667 = arith.constant 0 : i32
      %dma_wait3A_668 = tpu.memref_slice %arg3[%dma_wait3A_666, %dma_wait3A_667] : memref<49152x64xf32, #tpu.memory_space<hbm>> -> memref<256x64xf32, #tpu.memory_space<hbm>>
      %dma_wait3A_669 = arith.constant 0 : i32
      %dma_wait3A_670 = arith.constant 0 : i32
      %dma_wait3A_671 = tpu.memref_slice %arg3[%dma_wait3A_669, %dma_wait3A_670] : memref<49152x64xf32, #tpu.memory_space<hbm>> -> memref<256x64xf32, #tpu.memory_space<hbm>>
      tpu.wait_dma2 semaphore(%arg16 : memref<!tpu.dma_semaphore, #tpu.memory_space<semaphore_mem>>) src(%dma_wait3A_671 : memref<256x64xf32, #tpu.memory_space<hbm>>) dst(%arg11 : memref<256x64xf32, #tpu.memory_space<vmem>>)
      %dma_wait3A_672 = arith.constant 0 : i32
      %dma_wait3A_673 = arith.constant 0 : i32
      %dma_wait3A_674 = tpu.memref_slice %arg3[%dma_wait3A_672, %dma_wait3A_673] : memref<49152x64xf32, #tpu.memory_space<hbm>> -> memref<256x64xf32, #tpu.memory_space<hbm>>
      %dma_wait3A_675 = arith.constant 0 : i32
      %dma_wait3A_676 = arith.constant 0 : i32
      %dma_wait3A_677 = tpu.memref_slice %arg3[%dma_wait3A_675, %dma_wait3A_676] : memref<49152x64xf32, #tpu.memory_space<hbm>> -> memref<256x64xf32, #tpu.memory_space<hbm>>
      tpu.wait_dma2 semaphore(%arg16 : memref<!tpu.dma_semaphore, #tpu.memory_space<semaphore_mem>>) src(%dma_wait3A_677 : memref<256x64xf32, #tpu.memory_space<hbm>>) dst(%arg12 : memref<256x64xf32, #tpu.memory_space<vmem>>)
      %dma_start3A_678 = arith.constant 0 : i32
      %dma_start3A_679 = tpu.memref_slice %arg2[%add3A_665, %dma_start3A_678] : memref<40962x128xf32, #tpu.memory_space<hbm>> -> memref<256x64xf32, #tpu.memory_space<hbm>>
      %dma_start3A_680 = arith.constant 0 : i32
      %dma_start3A_681 = tpu.memref_slice %arg2[%add3A_665, %dma_start3A_680] : memref<40962x128xf32, #tpu.memory_space<hbm>> -> memref<256x64xf32, #tpu.memory_space<hbm>>
      tpu.enqueue_dma source(%dma_start3A_681 : memref<256x64xf32, #tpu.memory_space<hbm>>) target(%arg11 : memref<256x64xf32, #tpu.memory_space<vmem>>) target_semaphore(%arg14 : memref<!tpu.dma_semaphore, #tpu.memory_space<semaphore_mem>>)
      %dma_start3A_682 = arith.constant 64 : i32
      %dma_start3A_683 = tpu.memref_slice %arg2[%add3A_665, %dma_start3A_682] : memref<40962x128xf32, #tpu.memory_space<hbm>> -> memref<256x64xf32, #tpu.memory_space<hbm>>
      %dma_start3A_684 = arith.constant 64 : i32
      %dma_start3A_685 = tpu.memref_slice %arg2[%add3A_665, %dma_start3A_684] : memref<40962x128xf32, #tpu.memory_space<hbm>> -> memref<256x64xf32, #tpu.memory_space<hbm>>
      tpu.enqueue_dma source(%dma_start3A_685 : memref<256x64xf32, #tpu.memory_space<hbm>>) target(%arg12 : memref<256x64xf32, #tpu.memory_space<vmem>>) target_semaphore(%arg14 : memref<!tpu.dma_semaphore, #tpu.memory_space<semaphore_mem>>)
      %dma_wait3A_686 = arith.constant 0 : i32
      %dma_wait3A_687 = tpu.memref_slice %arg2[%add3A_665, %dma_wait3A_686] : memref<40962x128xf32, #tpu.memory_space<hbm>> -> memref<256x64xf32, #tpu.memory_space<hbm>>
      %dma_wait3A_688 = arith.constant 0 : i32
      %dma_wait3A_689 = tpu.memref_slice %arg2[%add3A_665, %dma_wait3A_688] : memref<40962x128xf32, #tpu.memory_space<hbm>> -> memref<256x64xf32, #tpu.memory_space<hbm>>
      tpu.wait_dma2 semaphore(%arg14 : memref<!tpu.dma_semaphore, #tpu.memory_space<semaphore_mem>>) src(%dma_wait3A_689 : memref<256x64xf32, #tpu.memory_space<hbm>>) dst(%arg11 : memref<256x64xf32, #tpu.memory_space<vmem>>)
      %dma_wait3A_690 = arith.constant 64 : i32
      %dma_wait3A_691 = tpu.memref_slice %arg2[%add3A_665, %dma_wait3A_690] : memref<40962x128xf32, #tpu.memory_space<hbm>> -> memref<256x64xf32, #tpu.memory_space<hbm>>
      %dma_wait3A_692 = arith.constant 64 : i32
      %dma_wait3A_693 = tpu.memref_slice %arg2[%add3A_665, %dma_wait3A_692] : memref<40962x128xf32, #tpu.memory_space<hbm>> -> memref<256x64xf32, #tpu.memory_space<hbm>>
      tpu.wait_dma2 semaphore(%arg14 : memref<!tpu.dma_semaphore, #tpu.memory_space<semaphore_mem>>) src(%dma_wait3A_693 : memref<256x64xf32, #tpu.memory_space<hbm>>) dst(%arg12 : memref<256x64xf32, #tpu.memory_space<vmem>>)
      %dma_start3A_694 = arith.constant 0 : i32
      %dma_start3A_695 = tpu.memref_slice %arg5[%add3A_665, %dma_start3A_694] : memref<163842x128xf32, #tpu.memory_space<hbm>> -> memref<256x64xf32, #tpu.memory_space<hbm>>
      %dma_start3A_696 = arith.constant 0 : i32
      %dma_start3A_697 = tpu.memref_slice %arg5[%add3A_665, %dma_start3A_696] : memref<163842x128xf32, #tpu.memory_space<hbm>> -> memref<256x64xf32, #tpu.memory_space<hbm>>
      tpu.enqueue_dma source(%arg11 : memref<256x64xf32, #tpu.memory_space<vmem>>) target(%dma_start3A_697 : memref<256x64xf32, #tpu.memory_space<hbm>>) target_semaphore(%arg16 : memref<!tpu.dma_semaphore, #tpu.memory_space<semaphore_mem>>)
      %dma_start3A_698 = arith.constant 64 : i32
      %dma_start3A_699 = tpu.memref_slice %arg5[%add3A_665, %dma_start3A_698] : memref<163842x128xf32, #tpu.memory_space<hbm>> -> memref<256x64xf32, #tpu.memory_space<hbm>>
      %dma_start3A_700 = arith.constant 64 : i32
      %dma_start3A_701 = tpu.memref_slice %arg5[%add3A_665, %dma_start3A_700] : memref<163842x128xf32, #tpu.memory_space<hbm>> -> memref<256x64xf32, #tpu.memory_space<hbm>>
      tpu.enqueue_dma source(%arg12 : memref<256x64xf32, #tpu.memory_space<vmem>>) target(%dma_start3A_701 : memref<256x64xf32, #tpu.memory_space<hbm>>) target_semaphore(%arg16 : memref<!tpu.dma_semaphore, #tpu.memory_space<semaphore_mem>>)
      %mul3A_702 = arith.constant 5120 : i32
      %mul3A_703 = arith.muli %sub3A_7, %mul3A_702 : i32
      %add3A_704 = arith.constant 4608 : i32
      %add3A_705 = arith.addi %mul3A_703, %add3A_704 : i32
      %dma_wait3A_706 = arith.constant 0 : i32
      %dma_wait3A_707 = arith.constant 0 : i32
      %dma_wait3A_708 = tpu.memref_slice %arg3[%dma_wait3A_706, %dma_wait3A_707] : memref<49152x64xf32, #tpu.memory_space<hbm>> -> memref<256x64xf32, #tpu.memory_space<hbm>>
      %dma_wait3A_709 = arith.constant 0 : i32
      %dma_wait3A_710 = arith.constant 0 : i32
      %dma_wait3A_711 = tpu.memref_slice %arg3[%dma_wait3A_709, %dma_wait3A_710] : memref<49152x64xf32, #tpu.memory_space<hbm>> -> memref<256x64xf32, #tpu.memory_space<hbm>>
      tpu.wait_dma2 semaphore(%arg15 : memref<!tpu.dma_semaphore, #tpu.memory_space<semaphore_mem>>) src(%dma_wait3A_711 : memref<256x64xf32, #tpu.memory_space<hbm>>) dst(%arg9 : memref<256x64xf32, #tpu.memory_space<vmem>>)
      %dma_wait3A_712 = arith.constant 0 : i32
      %dma_wait3A_713 = arith.constant 0 : i32
      %dma_wait3A_714 = tpu.memref_slice %arg3[%dma_wait3A_712, %dma_wait3A_713] : memref<49152x64xf32, #tpu.memory_space<hbm>> -> memref<256x64xf32, #tpu.memory_space<hbm>>
      %dma_wait3A_715 = arith.constant 0 : i32
      %dma_wait3A_716 = arith.constant 0 : i32
      %dma_wait3A_717 = tpu.memref_slice %arg3[%dma_wait3A_715, %dma_wait3A_716] : memref<49152x64xf32, #tpu.memory_space<hbm>> -> memref<256x64xf32, #tpu.memory_space<hbm>>
      tpu.wait_dma2 semaphore(%arg15 : memref<!tpu.dma_semaphore, #tpu.memory_space<semaphore_mem>>) src(%dma_wait3A_717 : memref<256x64xf32, #tpu.memory_space<hbm>>) dst(%arg10 : memref<256x64xf32, #tpu.memory_space<vmem>>)
      %dma_start3A_718 = arith.constant 0 : i32
      %dma_start3A_719 = tpu.memref_slice %arg2[%add3A_705, %dma_start3A_718] : memref<40962x128xf32, #tpu.memory_space<hbm>> -> memref<256x64xf32, #tpu.memory_space<hbm>>
      %dma_start3A_720 = arith.constant 0 : i32
      %dma_start3A_721 = tpu.memref_slice %arg2[%add3A_705, %dma_start3A_720] : memref<40962x128xf32, #tpu.memory_space<hbm>> -> memref<256x64xf32, #tpu.memory_space<hbm>>
      tpu.enqueue_dma source(%dma_start3A_721 : memref<256x64xf32, #tpu.memory_space<hbm>>) target(%arg9 : memref<256x64xf32, #tpu.memory_space<vmem>>) target_semaphore(%arg13 : memref<!tpu.dma_semaphore, #tpu.memory_space<semaphore_mem>>)
      %dma_start3A_722 = arith.constant 64 : i32
      %dma_start3A_723 = tpu.memref_slice %arg2[%add3A_705, %dma_start3A_722] : memref<40962x128xf32, #tpu.memory_space<hbm>> -> memref<256x64xf32, #tpu.memory_space<hbm>>
      %dma_start3A_724 = arith.constant 64 : i32
      %dma_start3A_725 = tpu.memref_slice %arg2[%add3A_705, %dma_start3A_724] : memref<40962x128xf32, #tpu.memory_space<hbm>> -> memref<256x64xf32, #tpu.memory_space<hbm>>
      tpu.enqueue_dma source(%dma_start3A_725 : memref<256x64xf32, #tpu.memory_space<hbm>>) target(%arg10 : memref<256x64xf32, #tpu.memory_space<vmem>>) target_semaphore(%arg13 : memref<!tpu.dma_semaphore, #tpu.memory_space<semaphore_mem>>)
      %dma_wait3A_726 = arith.constant 0 : i32
      %dma_wait3A_727 = tpu.memref_slice %arg2[%add3A_705, %dma_wait3A_726] : memref<40962x128xf32, #tpu.memory_space<hbm>> -> memref<256x64xf32, #tpu.memory_space<hbm>>
      %dma_wait3A_728 = arith.constant 0 : i32
      %dma_wait3A_729 = tpu.memref_slice %arg2[%add3A_705, %dma_wait3A_728] : memref<40962x128xf32, #tpu.memory_space<hbm>> -> memref<256x64xf32, #tpu.memory_space<hbm>>
      tpu.wait_dma2 semaphore(%arg13 : memref<!tpu.dma_semaphore, #tpu.memory_space<semaphore_mem>>) src(%dma_wait3A_729 : memref<256x64xf32, #tpu.memory_space<hbm>>) dst(%arg9 : memref<256x64xf32, #tpu.memory_space<vmem>>)
      %dma_wait3A_730 = arith.constant 64 : i32
      %dma_wait3A_731 = tpu.memref_slice %arg2[%add3A_705, %dma_wait3A_730] : memref<40962x128xf32, #tpu.memory_space<hbm>> -> memref<256x64xf32, #tpu.memory_space<hbm>>
      %dma_wait3A_732 = arith.constant 64 : i32
      %dma_wait3A_733 = tpu.memref_slice %arg2[%add3A_705, %dma_wait3A_732] : memref<40962x128xf32, #tpu.memory_space<hbm>> -> memref<256x64xf32, #tpu.memory_space<hbm>>
      tpu.wait_dma2 semaphore(%arg13 : memref<!tpu.dma_semaphore, #tpu.memory_space<semaphore_mem>>) src(%dma_wait3A_733 : memref<256x64xf32, #tpu.memory_space<hbm>>) dst(%arg10 : memref<256x64xf32, #tpu.memory_space<vmem>>)
      %dma_start3A_734 = arith.constant 0 : i32
      %dma_start3A_735 = tpu.memref_slice %arg5[%add3A_705, %dma_start3A_734] : memref<163842x128xf32, #tpu.memory_space<hbm>> -> memref<256x64xf32, #tpu.memory_space<hbm>>
      %dma_start3A_736 = arith.constant 0 : i32
      %dma_start3A_737 = tpu.memref_slice %arg5[%add3A_705, %dma_start3A_736] : memref<163842x128xf32, #tpu.memory_space<hbm>> -> memref<256x64xf32, #tpu.memory_space<hbm>>
      tpu.enqueue_dma source(%arg9 : memref<256x64xf32, #tpu.memory_space<vmem>>) target(%dma_start3A_737 : memref<256x64xf32, #tpu.memory_space<hbm>>) target_semaphore(%arg15 : memref<!tpu.dma_semaphore, #tpu.memory_space<semaphore_mem>>)
      %dma_start3A_738 = arith.constant 64 : i32
      %dma_start3A_739 = tpu.memref_slice %arg5[%add3A_705, %dma_start3A_738] : memref<163842x128xf32, #tpu.memory_space<hbm>> -> memref<256x64xf32, #tpu.memory_space<hbm>>
      %dma_start3A_740 = arith.constant 64 : i32
      %dma_start3A_741 = tpu.memref_slice %arg5[%add3A_705, %dma_start3A_740] : memref<163842x128xf32, #tpu.memory_space<hbm>> -> memref<256x64xf32, #tpu.memory_space<hbm>>
      tpu.enqueue_dma source(%arg10 : memref<256x64xf32, #tpu.memory_space<vmem>>) target(%dma_start3A_741 : memref<256x64xf32, #tpu.memory_space<hbm>>) target_semaphore(%arg15 : memref<!tpu.dma_semaphore, #tpu.memory_space<semaphore_mem>>)
      %mul3A_742 = arith.constant 5120 : i32
      %mul3A_743 = arith.muli %sub3A_7, %mul3A_742 : i32
      %add3A_744 = arith.constant 4864 : i32
      %add3A_745 = arith.addi %mul3A_743, %add3A_744 : i32
      %dma_wait3A_746 = arith.constant 0 : i32
      %dma_wait3A_747 = arith.constant 0 : i32
      %dma_wait3A_748 = tpu.memref_slice %arg3[%dma_wait3A_746, %dma_wait3A_747] : memref<49152x64xf32, #tpu.memory_space<hbm>> -> memref<256x64xf32, #tpu.memory_space<hbm>>
      %dma_wait3A_749 = arith.constant 0 : i32
      %dma_wait3A_750 = arith.constant 0 : i32
      %dma_wait3A_751 = tpu.memref_slice %arg3[%dma_wait3A_749, %dma_wait3A_750] : memref<49152x64xf32, #tpu.memory_space<hbm>> -> memref<256x64xf32, #tpu.memory_space<hbm>>
      tpu.wait_dma2 semaphore(%arg16 : memref<!tpu.dma_semaphore, #tpu.memory_space<semaphore_mem>>) src(%dma_wait3A_751 : memref<256x64xf32, #tpu.memory_space<hbm>>) dst(%arg11 : memref<256x64xf32, #tpu.memory_space<vmem>>)
      %dma_wait3A_752 = arith.constant 0 : i32
      %dma_wait3A_753 = arith.constant 0 : i32
      %dma_wait3A_754 = tpu.memref_slice %arg3[%dma_wait3A_752, %dma_wait3A_753] : memref<49152x64xf32, #tpu.memory_space<hbm>> -> memref<256x64xf32, #tpu.memory_space<hbm>>
      %dma_wait3A_755 = arith.constant 0 : i32
      %dma_wait3A_756 = arith.constant 0 : i32
      %dma_wait3A_757 = tpu.memref_slice %arg3[%dma_wait3A_755, %dma_wait3A_756] : memref<49152x64xf32, #tpu.memory_space<hbm>> -> memref<256x64xf32, #tpu.memory_space<hbm>>
      tpu.wait_dma2 semaphore(%arg16 : memref<!tpu.dma_semaphore, #tpu.memory_space<semaphore_mem>>) src(%dma_wait3A_757 : memref<256x64xf32, #tpu.memory_space<hbm>>) dst(%arg12 : memref<256x64xf32, #tpu.memory_space<vmem>>)
      %dma_start3A_758 = arith.constant 0 : i32
      %dma_start3A_759 = tpu.memref_slice %arg2[%add3A_745, %dma_start3A_758] : memref<40962x128xf32, #tpu.memory_space<hbm>> -> memref<256x64xf32, #tpu.memory_space<hbm>>
      %dma_start3A_760 = arith.constant 0 : i32
      %dma_start3A_761 = tpu.memref_slice %arg2[%add3A_745, %dma_start3A_760] : memref<40962x128xf32, #tpu.memory_space<hbm>> -> memref<256x64xf32, #tpu.memory_space<hbm>>
      tpu.enqueue_dma source(%dma_start3A_761 : memref<256x64xf32, #tpu.memory_space<hbm>>) target(%arg11 : memref<256x64xf32, #tpu.memory_space<vmem>>) target_semaphore(%arg14 : memref<!tpu.dma_semaphore, #tpu.memory_space<semaphore_mem>>)
      %dma_start3A_762 = arith.constant 64 : i32
      %dma_start3A_763 = tpu.memref_slice %arg2[%add3A_745, %dma_start3A_762] : memref<40962x128xf32, #tpu.memory_space<hbm>> -> memref<256x64xf32, #tpu.memory_space<hbm>>
      %dma_start3A_764 = arith.constant 64 : i32
      %dma_start3A_765 = tpu.memref_slice %arg2[%add3A_745, %dma_start3A_764] : memref<40962x128xf32, #tpu.memory_space<hbm>> -> memref<256x64xf32, #tpu.memory_space<hbm>>
      tpu.enqueue_dma source(%dma_start3A_765 : memref<256x64xf32, #tpu.memory_space<hbm>>) target(%arg12 : memref<256x64xf32, #tpu.memory_space<vmem>>) target_semaphore(%arg14 : memref<!tpu.dma_semaphore, #tpu.memory_space<semaphore_mem>>)
      %dma_wait3A_766 = arith.constant 0 : i32
      %dma_wait3A_767 = tpu.memref_slice %arg2[%add3A_745, %dma_wait3A_766] : memref<40962x128xf32, #tpu.memory_space<hbm>> -> memref<256x64xf32, #tpu.memory_space<hbm>>
      %dma_wait3A_768 = arith.constant 0 : i32
      %dma_wait3A_769 = tpu.memref_slice %arg2[%add3A_745, %dma_wait3A_768] : memref<40962x128xf32, #tpu.memory_space<hbm>> -> memref<256x64xf32, #tpu.memory_space<hbm>>
      tpu.wait_dma2 semaphore(%arg14 : memref<!tpu.dma_semaphore, #tpu.memory_space<semaphore_mem>>) src(%dma_wait3A_769 : memref<256x64xf32, #tpu.memory_space<hbm>>) dst(%arg11 : memref<256x64xf32, #tpu.memory_space<vmem>>)
      %dma_wait3A_770 = arith.constant 64 : i32
      %dma_wait3A_771 = tpu.memref_slice %arg2[%add3A_745, %dma_wait3A_770] : memref<40962x128xf32, #tpu.memory_space<hbm>> -> memref<256x64xf32, #tpu.memory_space<hbm>>
      %dma_wait3A_772 = arith.constant 64 : i32
      %dma_wait3A_773 = tpu.memref_slice %arg2[%add3A_745, %dma_wait3A_772] : memref<40962x128xf32, #tpu.memory_space<hbm>> -> memref<256x64xf32, #tpu.memory_space<hbm>>
      tpu.wait_dma2 semaphore(%arg14 : memref<!tpu.dma_semaphore, #tpu.memory_space<semaphore_mem>>) src(%dma_wait3A_773 : memref<256x64xf32, #tpu.memory_space<hbm>>) dst(%arg12 : memref<256x64xf32, #tpu.memory_space<vmem>>)
      %dma_start3A_774 = arith.constant 0 : i32
      %dma_start3A_775 = tpu.memref_slice %arg5[%add3A_745, %dma_start3A_774] : memref<163842x128xf32, #tpu.memory_space<hbm>> -> memref<256x64xf32, #tpu.memory_space<hbm>>
      %dma_start3A_776 = arith.constant 0 : i32
      %dma_start3A_777 = tpu.memref_slice %arg5[%add3A_745, %dma_start3A_776] : memref<163842x128xf32, #tpu.memory_space<hbm>> -> memref<256x64xf32, #tpu.memory_space<hbm>>
      tpu.enqueue_dma source(%arg11 : memref<256x64xf32, #tpu.memory_space<vmem>>) target(%dma_start3A_777 : memref<256x64xf32, #tpu.memory_space<hbm>>) target_semaphore(%arg16 : memref<!tpu.dma_semaphore, #tpu.memory_space<semaphore_mem>>)
      %dma_start3A_778 = arith.constant 64 : i32
      %dma_start3A_779 = tpu.memref_slice %arg5[%add3A_745, %dma_start3A_778] : memref<163842x128xf32, #tpu.memory_space<hbm>> -> memref<256x64xf32, #tpu.memory_space<hbm>>
      %dma_start3A_780 = arith.constant 64 : i32
      %dma_start3A_781 = tpu.memref_slice %arg5[%add3A_745, %dma_start3A_780] : memref<163842x128xf32, #tpu.memory_space<hbm>> -> memref<256x64xf32, #tpu.memory_space<hbm>>
      tpu.enqueue_dma source(%arg12 : memref<256x64xf32, #tpu.memory_space<vmem>>) target(%dma_start3A_781 : memref<256x64xf32, #tpu.memory_space<hbm>>) target_semaphore(%arg16 : memref<!tpu.dma_semaphore, #tpu.memory_space<semaphore_mem>>)
      %dma_wait3A_782 = arith.constant 0 : i32
      %dma_wait3A_783 = arith.constant 0 : i32
      %dma_wait3A_784 = tpu.memref_slice %arg3[%dma_wait3A_782, %dma_wait3A_783] : memref<49152x64xf32, #tpu.memory_space<hbm>> -> memref<256x64xf32, #tpu.memory_space<hbm>>
      %dma_wait3A_785 = arith.constant 0 : i32
      %dma_wait3A_786 = arith.constant 0 : i32
      %dma_wait3A_787 = tpu.memref_slice %arg3[%dma_wait3A_785, %dma_wait3A_786] : memref<49152x64xf32, #tpu.memory_space<hbm>> -> memref<256x64xf32, #tpu.memory_space<hbm>>
      tpu.wait_dma2 semaphore(%arg15 : memref<!tpu.dma_semaphore, #tpu.memory_space<semaphore_mem>>) src(%dma_wait3A_787 : memref<256x64xf32, #tpu.memory_space<hbm>>) dst(%arg9 : memref<256x64xf32, #tpu.memory_space<vmem>>)
      %dma_wait3A_788 = arith.constant 0 : i32
      %dma_wait3A_789 = arith.constant 0 : i32
      %dma_wait3A_790 = tpu.memref_slice %arg3[%dma_wait3A_788, %dma_wait3A_789] : memref<49152x64xf32, #tpu.memory_space<hbm>> -> memref<256x64xf32, #tpu.memory_space<hbm>>
      %dma_wait3A_791 = arith.constant 0 : i32
      %dma_wait3A_792 = arith.constant 0 : i32
      %dma_wait3A_793 = tpu.memref_slice %arg3[%dma_wait3A_791, %dma_wait3A_792] : memref<49152x64xf32, #tpu.memory_space<hbm>> -> memref<256x64xf32, #tpu.memory_space<hbm>>
      tpu.wait_dma2 semaphore(%arg15 : memref<!tpu.dma_semaphore, #tpu.memory_space<semaphore_mem>>) src(%dma_wait3A_793 : memref<256x64xf32, #tpu.memory_space<hbm>>) dst(%arg10 : memref<256x64xf32, #tpu.memory_space<vmem>>)
      %dma_wait3A_794 = arith.constant 0 : i32
      %dma_wait3A_795 = arith.constant 0 : i32
      %dma_wait3A_796 = tpu.memref_slice %arg3[%dma_wait3A_794, %dma_wait3A_795] : memref<49152x64xf32, #tpu.memory_space<hbm>> -> memref<256x64xf32, #tpu.memory_space<hbm>>
      %dma_wait3A_797 = arith.constant 0 : i32
      %dma_wait3A_798 = arith.constant 0 : i32
      %dma_wait3A_799 = tpu.memref_slice %arg3[%dma_wait3A_797, %dma_wait3A_798] : memref<49152x64xf32, #tpu.memory_space<hbm>> -> memref<256x64xf32, #tpu.memory_space<hbm>>
      tpu.wait_dma2 semaphore(%arg16 : memref<!tpu.dma_semaphore, #tpu.memory_space<semaphore_mem>>) src(%dma_wait3A_799 : memref<256x64xf32, #tpu.memory_space<hbm>>) dst(%arg11 : memref<256x64xf32, #tpu.memory_space<vmem>>)
      %dma_wait3A_800 = arith.constant 0 : i32
      %dma_wait3A_801 = arith.constant 0 : i32
      %dma_wait3A_802 = tpu.memref_slice %arg3[%dma_wait3A_800, %dma_wait3A_801] : memref<49152x64xf32, #tpu.memory_space<hbm>> -> memref<256x64xf32, #tpu.memory_space<hbm>>
      %dma_wait3A_803 = arith.constant 0 : i32
      %dma_wait3A_804 = arith.constant 0 : i32
      %dma_wait3A_805 = tpu.memref_slice %arg3[%dma_wait3A_803, %dma_wait3A_804] : memref<49152x64xf32, #tpu.memory_space<hbm>> -> memref<256x64xf32, #tpu.memory_space<hbm>>
      tpu.wait_dma2 semaphore(%arg16 : memref<!tpu.dma_semaphore, #tpu.memory_space<semaphore_mem>>) src(%dma_wait3A_805 : memref<256x64xf32, #tpu.memory_space<hbm>>) dst(%arg12 : memref<256x64xf32, #tpu.memory_space<vmem>>)
      %eq3A = arith.constant 31 : i32
      %eq3A_806 = arith.cmpi eq, %add3A, %eq3A : i32
      %convert_element_type3A_807 = arith.extui %eq3A_806 : i1 to i32
      %cond3A_808 = arith.constant 0 : i32
      %cond3A_809 = arith.cmpi ne, %convert_element_type3A_807, %cond3A_808 : i32
      scf.if %cond3A_809 {
        "tpu.region"() ({
          %run_scoped3A = tpu.sem_alloc : memref<!tpu.dma_semaphore, #tpu.memory_space<semaphore_mem>>
          %dma_start3A_810 = arith.constant 0 : i32
          %dma_start3A_811 = arith.constant 0 : i32
          %dma_start3A_812 = tpu.memref_slice %arg9[%dma_start3A_810, %dma_start3A_811] : memref<256x64xf32, #tpu.memory_space<vmem>> -> memref<2x64xf32, #tpu.memory_space<vmem>>
          %dma_start3A_813 = arith.constant 40960 : i32
          %dma_start3A_814 = arith.constant 0 : i32
          %dma_start3A_815 = tpu.memref_slice %arg2[%dma_start3A_813, %dma_start3A_814] : memref<40962x128xf32, #tpu.memory_space<hbm>> -> memref<2x64xf32, #tpu.memory_space<hbm>>
          %dma_start3A_816 = arith.constant 0 : i32
          %dma_start3A_817 = arith.constant 0 : i32
          %dma_start3A_818 = tpu.memref_slice %arg9[%dma_start3A_816, %dma_start3A_817] : memref<256x64xf32, #tpu.memory_space<vmem>> -> memref<2x64xf32, #tpu.memory_space<vmem>>
          %dma_start3A_819 = arith.constant 40960 : i32
          %dma_start3A_820 = arith.constant 0 : i32
          %dma_start3A_821 = tpu.memref_slice %arg2[%dma_start3A_819, %dma_start3A_820] : memref<40962x128xf32, #tpu.memory_space<hbm>> -> memref<2x64xf32, #tpu.memory_space<hbm>>
          tpu.enqueue_dma source(%dma_start3A_821 : memref<2x64xf32, #tpu.memory_space<hbm>>) target(%dma_start3A_818 : memref<2x64xf32, #tpu.memory_space<vmem>>) target_semaphore(%run_scoped3A : memref<!tpu.dma_semaphore, #tpu.memory_space<semaphore_mem>>)
          %dma_wait3A_822 = arith.constant 0 : i32
          %dma_wait3A_823 = arith.constant 0 : i32
          %dma_wait3A_824 = tpu.memref_slice %arg9[%dma_wait3A_822, %dma_wait3A_823] : memref<256x64xf32, #tpu.memory_space<vmem>> -> memref<2x64xf32, #tpu.memory_space<vmem>>
          %dma_wait3A_825 = arith.constant 40960 : i32
          %dma_wait3A_826 = arith.constant 0 : i32
          %dma_wait3A_827 = tpu.memref_slice %arg2[%dma_wait3A_825, %dma_wait3A_826] : memref<40962x128xf32, #tpu.memory_space<hbm>> -> memref<2x64xf32, #tpu.memory_space<hbm>>
          %dma_wait3A_828 = arith.constant 0 : i32
          %dma_wait3A_829 = arith.constant 0 : i32
          %dma_wait3A_830 = tpu.memref_slice %arg9[%dma_wait3A_828, %dma_wait3A_829] : memref<256x64xf32, #tpu.memory_space<vmem>> -> memref<2x64xf32, #tpu.memory_space<vmem>>
          %dma_wait3A_831 = arith.constant 40960 : i32
          %dma_wait3A_832 = arith.constant 0 : i32
          %dma_wait3A_833 = tpu.memref_slice %arg2[%dma_wait3A_831, %dma_wait3A_832] : memref<40962x128xf32, #tpu.memory_space<hbm>> -> memref<2x64xf32, #tpu.memory_space<hbm>>
          tpu.wait_dma2 semaphore(%run_scoped3A : memref<!tpu.dma_semaphore, #tpu.memory_space<semaphore_mem>>) src(%dma_wait3A_833 : memref<2x64xf32, #tpu.memory_space<hbm>>) dst(%dma_wait3A_830 : memref<2x64xf32, #tpu.memory_space<vmem>>)
          tpu.yield
        }) : () -> ()
        "tpu.region"() ({
          %run_scoped3A = tpu.sem_alloc : memref<!tpu.dma_semaphore, #tpu.memory_space<semaphore_mem>>
          %dma_start3A_810 = arith.constant 0 : i32
          %dma_start3A_811 = arith.constant 0 : i32
          %dma_start3A_812 = tpu.memref_slice %arg9[%dma_start3A_810, %dma_start3A_811] : memref<256x64xf32, #tpu.memory_space<vmem>> -> memref<2x64xf32, #tpu.memory_space<vmem>>
          %dma_start3A_813 = arith.constant 40960 : i32
          %dma_start3A_814 = arith.constant 0 : i32
          %dma_start3A_815 = tpu.memref_slice %arg5[%dma_start3A_813, %dma_start3A_814] : memref<163842x128xf32, #tpu.memory_space<hbm>> -> memref<2x64xf32, #tpu.memory_space<hbm>>
          %dma_start3A_816 = arith.constant 40960 : i32
          %dma_start3A_817 = arith.constant 0 : i32
          %dma_start3A_818 = tpu.memref_slice %arg5[%dma_start3A_816, %dma_start3A_817] : memref<163842x128xf32, #tpu.memory_space<hbm>> -> memref<2x64xf32, #tpu.memory_space<hbm>>
          %dma_start3A_819 = arith.constant 0 : i32
          %dma_start3A_820 = arith.constant 0 : i32
          %dma_start3A_821 = tpu.memref_slice %arg9[%dma_start3A_819, %dma_start3A_820] : memref<256x64xf32, #tpu.memory_space<vmem>> -> memref<2x64xf32, #tpu.memory_space<vmem>>
          tpu.enqueue_dma source(%dma_start3A_821 : memref<2x64xf32, #tpu.memory_space<vmem>>) target(%dma_start3A_818 : memref<2x64xf32, #tpu.memory_space<hbm>>) target_semaphore(%run_scoped3A : memref<!tpu.dma_semaphore, #tpu.memory_space<semaphore_mem>>)
          %dma_wait3A_822 = arith.constant 0 : i32
          %dma_wait3A_823 = arith.constant 0 : i32
          %dma_wait3A_824 = tpu.memref_slice %arg9[%dma_wait3A_822, %dma_wait3A_823] : memref<256x64xf32, #tpu.memory_space<vmem>> -> memref<2x64xf32, #tpu.memory_space<vmem>>
          %dma_wait3A_825 = arith.constant 40960 : i32
          %dma_wait3A_826 = arith.constant 0 : i32
          %dma_wait3A_827 = tpu.memref_slice %arg5[%dma_wait3A_825, %dma_wait3A_826] : memref<163842x128xf32, #tpu.memory_space<hbm>> -> memref<2x64xf32, #tpu.memory_space<hbm>>
          %dma_wait3A_828 = arith.constant 40960 : i32
          %dma_wait3A_829 = arith.constant 0 : i32
          %dma_wait3A_830 = tpu.memref_slice %arg5[%dma_wait3A_828, %dma_wait3A_829] : memref<163842x128xf32, #tpu.memory_space<hbm>> -> memref<2x64xf32, #tpu.memory_space<hbm>>
          %dma_wait3A_831 = arith.constant 0 : i32
          %dma_wait3A_832 = arith.constant 0 : i32
          %dma_wait3A_833 = tpu.memref_slice %arg9[%dma_wait3A_831, %dma_wait3A_832] : memref<256x64xf32, #tpu.memory_space<vmem>> -> memref<2x64xf32, #tpu.memory_space<vmem>>
          tpu.wait_dma2 semaphore(%run_scoped3A : memref<!tpu.dma_semaphore, #tpu.memory_space<semaphore_mem>>) src(%dma_wait3A_833 : memref<2x64xf32, #tpu.memory_space<vmem>>) dst(%dma_wait3A_830 : memref<2x64xf32, #tpu.memory_space<hbm>>)
          tpu.yield
        }) : () -> ()
        "tpu.region"() ({
          %run_scoped3A = tpu.sem_alloc : memref<!tpu.dma_semaphore, #tpu.memory_space<semaphore_mem>>
          %dma_start3A_810 = arith.constant 0 : i32
          %dma_start3A_811 = arith.constant 0 : i32
          %dma_start3A_812 = tpu.memref_slice %arg10[%dma_start3A_810, %dma_start3A_811] : memref<256x64xf32, #tpu.memory_space<vmem>> -> memref<2x64xf32, #tpu.memory_space<vmem>>
          %dma_start3A_813 = arith.constant 40960 : i32
          %dma_start3A_814 = arith.constant 64 : i32
          %dma_start3A_815 = tpu.memref_slice %arg2[%dma_start3A_813, %dma_start3A_814] : memref<40962x128xf32, #tpu.memory_space<hbm>> -> memref<2x64xf32, #tpu.memory_space<hbm>>
          %dma_start3A_816 = arith.constant 0 : i32
          %dma_start3A_817 = arith.constant 0 : i32
          %dma_start3A_818 = tpu.memref_slice %arg10[%dma_start3A_816, %dma_start3A_817] : memref<256x64xf32, #tpu.memory_space<vmem>> -> memref<2x64xf32, #tpu.memory_space<vmem>>
          %dma_start3A_819 = arith.constant 40960 : i32
          %dma_start3A_820 = arith.constant 64 : i32
          %dma_start3A_821 = tpu.memref_slice %arg2[%dma_start3A_819, %dma_start3A_820] : memref<40962x128xf32, #tpu.memory_space<hbm>> -> memref<2x64xf32, #tpu.memory_space<hbm>>
          tpu.enqueue_dma source(%dma_start3A_821 : memref<2x64xf32, #tpu.memory_space<hbm>>) target(%dma_start3A_818 : memref<2x64xf32, #tpu.memory_space<vmem>>) target_semaphore(%run_scoped3A : memref<!tpu.dma_semaphore, #tpu.memory_space<semaphore_mem>>)
          %dma_wait3A_822 = arith.constant 0 : i32
          %dma_wait3A_823 = arith.constant 0 : i32
          %dma_wait3A_824 = tpu.memref_slice %arg10[%dma_wait3A_822, %dma_wait3A_823] : memref<256x64xf32, #tpu.memory_space<vmem>> -> memref<2x64xf32, #tpu.memory_space<vmem>>
          %dma_wait3A_825 = arith.constant 40960 : i32
          %dma_wait3A_826 = arith.constant 64 : i32
          %dma_wait3A_827 = tpu.memref_slice %arg2[%dma_wait3A_825, %dma_wait3A_826] : memref<40962x128xf32, #tpu.memory_space<hbm>> -> memref<2x64xf32, #tpu.memory_space<hbm>>
          %dma_wait3A_828 = arith.constant 0 : i32
          %dma_wait3A_829 = arith.constant 0 : i32
          %dma_wait3A_830 = tpu.memref_slice %arg10[%dma_wait3A_828, %dma_wait3A_829] : memref<256x64xf32, #tpu.memory_space<vmem>> -> memref<2x64xf32, #tpu.memory_space<vmem>>
          %dma_wait3A_831 = arith.constant 40960 : i32
          %dma_wait3A_832 = arith.constant 64 : i32
          %dma_wait3A_833 = tpu.memref_slice %arg2[%dma_wait3A_831, %dma_wait3A_832] : memref<40962x128xf32, #tpu.memory_space<hbm>> -> memref<2x64xf32, #tpu.memory_space<hbm>>
          tpu.wait_dma2 semaphore(%run_scoped3A : memref<!tpu.dma_semaphore, #tpu.memory_space<semaphore_mem>>) src(%dma_wait3A_833 : memref<2x64xf32, #tpu.memory_space<hbm>>) dst(%dma_wait3A_830 : memref<2x64xf32, #tpu.memory_space<vmem>>)
          tpu.yield
        }) : () -> ()
        "tpu.region"() ({
          %run_scoped3A = tpu.sem_alloc : memref<!tpu.dma_semaphore, #tpu.memory_space<semaphore_mem>>
          %dma_start3A_810 = arith.constant 0 : i32
          %dma_start3A_811 = arith.constant 0 : i32
          %dma_start3A_812 = tpu.memref_slice %arg10[%dma_start3A_810, %dma_start3A_811] : memref<256x64xf32, #tpu.memory_space<vmem>> -> memref<2x64xf32, #tpu.memory_space<vmem>>
          %dma_start3A_813 = arith.constant 40960 : i32
          %dma_start3A_814 = arith.constant 64 : i32
          %dma_start3A_815 = tpu.memref_slice %arg5[%dma_start3A_813, %dma_start3A_814] : memref<163842x128xf32, #tpu.memory_space<hbm>> -> memref<2x64xf32, #tpu.memory_space<hbm>>
          %dma_start3A_816 = arith.constant 40960 : i32
          %dma_start3A_817 = arith.constant 64 : i32
          %dma_start3A_818 = tpu.memref_slice %arg5[%dma_start3A_816, %dma_start3A_817] : memref<163842x128xf32, #tpu.memory_space<hbm>> -> memref<2x64xf32, #tpu.memory_space<hbm>>
          %dma_start3A_819 = arith.constant 0 : i32
          %dma_start3A_820 = arith.constant 0 : i32
          %dma_start3A_821 = tpu.memref_slice %arg10[%dma_start3A_819, %dma_start3A_820] : memref<256x64xf32, #tpu.memory_space<vmem>> -> memref<2x64xf32, #tpu.memory_space<vmem>>
          tpu.enqueue_dma source(%dma_start3A_821 : memref<2x64xf32, #tpu.memory_space<vmem>>) target(%dma_start3A_818 : memref<2x64xf32, #tpu.memory_space<hbm>>) target_semaphore(%run_scoped3A : memref<!tpu.dma_semaphore, #tpu.memory_space<semaphore_mem>>)
          %dma_wait3A_822 = arith.constant 0 : i32
          %dma_wait3A_823 = arith.constant 0 : i32
          %dma_wait3A_824 = tpu.memref_slice %arg10[%dma_wait3A_822, %dma_wait3A_823] : memref<256x64xf32, #tpu.memory_space<vmem>> -> memref<2x64xf32, #tpu.memory_space<vmem>>
          %dma_wait3A_825 = arith.constant 40960 : i32
          %dma_wait3A_826 = arith.constant 64 : i32
          %dma_wait3A_827 = tpu.memref_slice %arg5[%dma_wait3A_825, %dma_wait3A_826] : memref<163842x128xf32, #tpu.memory_space<hbm>> -> memref<2x64xf32, #tpu.memory_space<hbm>>
          %dma_wait3A_828 = arith.constant 40960 : i32
          %dma_wait3A_829 = arith.constant 64 : i32
          %dma_wait3A_830 = tpu.memref_slice %arg5[%dma_wait3A_828, %dma_wait3A_829] : memref<163842x128xf32, #tpu.memory_space<hbm>> -> memref<2x64xf32, #tpu.memory_space<hbm>>
          %dma_wait3A_831 = arith.constant 0 : i32
          %dma_wait3A_832 = arith.constant 0 : i32
          %dma_wait3A_833 = tpu.memref_slice %arg10[%dma_wait3A_831, %dma_wait3A_832] : memref<256x64xf32, #tpu.memory_space<vmem>> -> memref<2x64xf32, #tpu.memory_space<vmem>>
          tpu.wait_dma2 semaphore(%run_scoped3A : memref<!tpu.dma_semaphore, #tpu.memory_space<semaphore_mem>>) src(%dma_wait3A_833 : memref<2x64xf32, #tpu.memory_space<vmem>>) dst(%dma_wait3A_830 : memref<2x64xf32, #tpu.memory_space<hbm>>)
          tpu.yield
        }) : () -> ()
      } else {
      }
    } else {
    }
    return
  }
}

module attributes {stable_mosaic.version = 14 : i64} {
  func.func @_tc_body(%arg0: i32, %arg1: memref<4096x128xf32, #tpu.memory_space<vmem>>, %arg2: memref<4096x128xf32, #tpu.memory_space<vmem>>, %arg3: memref<128x64xf32, #tpu.memory_space<vmem>>, %arg4: memref<4096x128xf32, #tpu.memory_space<vmem>>) attributes {dimension_semantics = [#tpu.dimension_semantics<arbitrary>], iteration_bounds = array<i64: 6>, scalar_prefetch = 0 : i64, scratch_operands = 0 : i64, tpu.core_type = #tpu.core_type<tc>, window_params = [{transform_indices = @transform_0, window_bounds = array<i64: 4096, 128>}, {transform_indices = @transform_1, window_bounds = array<i64: 4096, 128>}, {pipeline_mode = #tpu.pipeline_mode<synchronous>, transform_indices = @transform_2, window_bounds = array<i64: 128, 64>}, {transform_indices = @transform_3, window_bounds = array<i64: 4096, 128>}]} {
    %get3A = arith.constant 0 : index
    %get3A_0 = arith.constant 0 : index
    %get3A_1 = vector.load %arg1[%get3A, %get3A_0] : memref<4096x128xf32, #tpu.memory_space<vmem>>, vector<4096x128xf32>
    %get3A_2 = arith.constant 0 : index
    %get3A_3 = arith.constant 0 : index
    %get3A_4 = vector.load %arg3[%get3A_2, %get3A_3] : memref<128x64xf32, #tpu.memory_space<vmem>>, vector<128x64xf32>
    %dot_general3A = arith.constant dense<0.000000e+00> : vector<4096x64xf32>
    %dot_general3A_5 = tpu.matmul %get3A_1, %get3A_4, %dot_general3A {dimension_numbers = #tpu.dot_dimension_numbers<[1], [0], [0], [1], [0, 0, 1, 1], [], []>, precision = #tpu.contract_precision<fp32>, transpose_lhs_hint = false} : vector<4096x128xf32>, vector<128x64xf32>, vector<4096x64xf32> -> vector<4096x64xf32>
    %get3A_6 = arith.constant 0 : index
    %get3A_7 = arith.constant 0 : index
    %get3A_8 = vector.load %arg2[%get3A_6, %get3A_7] : memref<4096x128xf32, #tpu.memory_space<vmem>>, vector<4096x128xf32>
    %get3A_9 = arith.constant 0 : index
    %get3A_10 = arith.constant 0 : index
    %get3A_11 = vector.load %arg3[%get3A_9, %get3A_10] : memref<128x64xf32, #tpu.memory_space<vmem>>, vector<128x64xf32>
    %dot_general3A_12 = arith.constant dense<0.000000e+00> : vector<4096x64xf32>
    %dot_general3A_13 = tpu.matmul %get3A_8, %get3A_11, %dot_general3A_12 {dimension_numbers = #tpu.dot_dimension_numbers<[1], [0], [0], [1], [0, 0, 1, 1], [], []>, precision = #tpu.contract_precision<fp32>, transpose_lhs_hint = false} : vector<4096x128xf32>, vector<128x64xf32>, vector<4096x64xf32> -> vector<4096x64xf32>
    %concatenate3A = tpu.concatenate %dot_general3A_5, %dot_general3A_13 in 1 : vector<4096x64xf32>, vector<4096x64xf32> -> vector<4096x128xf32>
    %swap3A = arith.constant 0 : index
    %swap3A_14 = arith.constant 0 : index
    %swap3A_15 = vector.load %arg4[%swap3A, %swap3A_14] : memref<4096x128xf32, #tpu.memory_space<vmem>>, vector<4096x128xf32>
    tpu.vector_store %arg4[%swap3A, %swap3A_14], %concatenate3A {strides = array<i32>} : memref<4096x128xf32, #tpu.memory_space<vmem>>, vector<4096x128xf32>,
    return
  }
  func.func @transform_0(%arg0: i32) -> (i32, i32) {
    %c0_i32 = arith.constant 0 : i32
    %c0_i32_0 = arith.constant 0 : i32
    return %arg0, %c0_i32 : i32, i32
  }
  func.func @transform_1(%arg0: i32) -> (i32, i32) {
    %add3A = arith.constant 6 : i32
    %add3A_0 = arith.addi %arg0, %add3A : i32
    %min3A = arith.constant 10 : i32
    %min3A_1 = arith.minsi %add3A_0, %min3A : i32
    %c0_i32 = arith.constant 0 : i32
    %c0_i32_2 = arith.constant 0 : i32
    return %min3A_1, %c0_i32 : i32, i32
  }
  func.func @transform_2(%arg0: i32) -> (i32, i32) {
    %c0_i32 = arith.constant 0 : i32
    %c0_i32_0 = arith.constant 0 : i32
    %c0_i32_1 = arith.constant 0 : i32
    return %c0_i32, %c0_i32_0 : i32, i32
  }
  func.func @transform_3(%arg0: i32) -> (i32, i32) {
    %c0_i32 = arith.constant 0 : i32
    %c0_i32_0 = arith.constant 0 : i32
    return %arg0, %c0_i32 : i32, i32
  }
}

</mosaic_0001>

<sc_bundles>
// kernel: _run.4.cloned.1.call-start
scs
__scs_entry_jumppad:
0x0: {  	(pc) =	sbr.rel $0x88, $3  }
0x1: {  	(tag) =	ssettag $0x0;
	lr =	simm.s32 $0x1  }
0x2: {  	[smem:$0x3F9F] =	sst lr;
	_ =	strace $0xD0000000  }
0x3: {  	_ = 	snop  }
0x4: {  	_ = 	snop  }
0x5: {  	_ = 	snop  }
0x6: {  	_ = 	snop  }
0x7: {  	_ = 	snop  }
__scs_overlays_trampoline_lowered:
0x8: {  	[smem:$0x3FAE] =	sst s0  }
0x9: {  	[smem:$0x3FAF] =	sst s1  }
0xa: {  	[smem:$0x3FB0] =	sst s2  }
0xb: {  	[smem:$0x3FB1] =	sst s3  }
0xc: {  	[smem:$0x3FB2] =	sst s4  }
0xd: {  	[smem:$0x3FB3] =	sst s5  }
0xe: {  	[smem:$0x3FB4] =	sst s6  }
0xf: {  	[smem:$0x3FB5] =	sst s7  }
0x10: {  	[smem:$0x3FB6] =	sst s8  }
0x11: {  	[smem:$0x3FB7] =	sst s9;
	s0 =	simm.s32 @!p0 $0x0  }
0x12: {  	s1 =	sld [smem:$0x3F9D];
	s0 =	simm.s32 @p0 $0x1  }
0x13: {  	[smem:$0x3FB8] =	sst s0;
	s0 =	simm.s32 @!p1 $0x0  }
0x14: {  	s2 =	sld [smem:$0x3F9C];
	s0 =	simm.s32 @p1 $0x1  }
0x15: {  	[smem:$0x3FB9] =	sst s0;
	s0 =	simm.s32 @!p2 $0x0  }
0x16: {  	s3 =	sld [smem:$0x3FDB];
	s0 =	simm.s32 @p2 $0x1  }
0x17: {  	s4 =	simm.s32 $0x1BF5;
	[smem:$0x3FBB] =	sst s0  }
0x18: {  	s0 =	sld [smem:$0x3F9E];
	_ =	swait.ge [sflag:s4], $0x0  }
0x19: {  	s7 =	sld [smem:$0x3F9F]  }
0x1a: {  	s8 =	sadd.s32 $0xFFFFE003, lr  }
0x1b: {  	s9 =	sadd.s32 $0xFFFFFEF7, lr;
	s5 =	simm.s32 $0xFFFFFFFF;
	p2 =	slt.u32 s8, $0xFFFFF086  }
0x1c: {  	p1 =	slt.u32 s9, $0xF7A;
	s5 =	simm.s32 @!p2 $0x0  }
0x1d: {  	s5 =	simm.s32 @p1 $0x1;
	p0 =	seq.s32 s7, s2  }
0x1e: {  	s7 =	smul.u32 @!p0 $0xF7A, s2;
	p2 =	seq.s32 @!p0 s5, $0x0  }
0x1f: {  	s9 =	smul.u32 $0xF7A, s1;
	s8 =	simm.s32 @!p0 $0x1BF5;
	p2 =	por !p2, p0  }
0x20: {  	[sflag:s8] =	ssyncset.s32 @!p0 $0xFFFFF086;
	s6 =	sadd.s32 @!p0 s3, s7;
	s7 =	simm.s32 @!p0 $0x108  }
0x21: {  	s3 =	sadd.s32 s3, s9;
	s6 =	sadd.s32 @!p0 $0x88, s6;
	s7 =	simm.s32 @p2 $0x1082  }
0x22: {  	[simem:s7], [sflag:s8] =	dma.local @!p0 [hbm:s6], $0xF7A  }
0x23: {  	s9 =	sor.u32 $0xD0000000, s2;
	s6 =	simm.s32 $0x108;
	_ =	swait.ge @!p0 [sflag:s8], $0x0  }
0x24: {  	s3 =	sadd.s32 $0x88, s3;
	s6 =	simm.s32 @!p1 $0x1082;
	[sflag:s4] =	ssyncset.s32 $0xFFFFF086  }
0x25: {  	[simem:s6], [sflag:s4] =	dma.local [hbm:s3], $0xF7A  }
0x26: {  	[smem:$0x3F9F] =	sst s1;
	(tag) =	ssettag s2;
	_ =	strace s9  }
0x27: {  	s1 =	sld [smem:$0x3FAF]  }
0x28: {  	s2 =	sld [smem:$0x3FB0]  }
0x29: {  	s4 =	sld [smem:$0x3FB2]  }
0x2a: {  	p0 =	seq.s32 s5, $0x0;
	s5 =	sld [smem:$0x3FB3]  }
0x2b: {  	s6 =	sld [smem:$0x3FB4]  }
0x2c: {  	s7 =	sld [smem:$0x3FB5]  }
0x2d: {  	s3 =	simm.s32 $0x108;
	s8 =	sld [smem:$0x3FB6]  }
0x2e: {  	s3 =	simm.s32 @!p0 $0x1082;
	s9 =	sld [smem:$0x3FB7]  }
0x2f: {  	lr =	sadd.s32 s0, s3;
	s0 =	sld [smem:$0x3FAE]  }
0x30: {  	s3 =	sld [smem:$0x3FB1]  }
0x31: {  	[smem:$0x3FBA] =	sst s10  }
0x32: {  	s10 =	sld [smem:$0x3FB8];
	_ =	sdelay $0x3  }
0x33: {  	p0 =	seq.s32 s10, $0x1;
	s10 =	sld [smem:$0x3FBA];
	_ =	sdelay $0x3  }
0x34: {  	[smem:$0x3FBA] =	sst s10  }
0x35: {  	s10 =	sld [smem:$0x3FB9];
	_ =	sdelay $0x3  }
0x36: {  	p1 =	seq.s32 s10, $0x1;
	s10 =	sld [smem:$0x3FBA];
	_ =	sdelay $0x3  }
0x37: {  	[smem:$0x3FBA] =	sst s10  }
0x38: {  	s10 =	sld [smem:$0x3FBB]  }
0x39: {  	_ = 	snop;
	(pc) =	sbr.ind lr, $3  }
0x3a: {  	_ = 	snop  }
0x3b: {  	_ = 	snop  }
0x3c: {  	p2 =	seq.s32 s10, $0x1;
	s10 =	sld [smem:$0x3FBA]  }
0x3d: {  	_ =	shalt  }
0x3e: {  	_ =	shalt  }
0x3f: {  	_ =	shalt  }
0x40: {  	_ =	shalt  }
0x41: {  	_ =	shalt  }
0x42: {  	_ =	shalt  }
0x43: {  	_ =	shalt  }
0x44: {  	_ =	shalt  }
0x45: {  	_ =	shalt  }
0x46: {  	_ =	shalt  }
0x47: {  	_ =	shalt  }
0x48: {  	_ =	shalt  }
0x49: {  	_ =	shalt  }
0x4a: {  	_ =	shalt  }
0x4b: {  	_ =	shalt  }
0x4c: {  	_ =	shalt  }
0x4d: {  	_ =	shalt  }
0x4e: {  	_ =	shalt  }
0x4f: {  	_ =	shalt  }
0x50: {  	_ =	shalt  }
0x51: {  	_ =	shalt  }
0x52: {  	_ =	shalt  }
0x53: {  	_ =	shalt  }
0x54: {  	_ =	shalt  }
0x55: {  	_ =	shalt  }
0x56: {  	_ =	shalt  }
0x57: {  	_ =	shalt  }
0x58: {  	_ =	shalt  }
0x59: {  	_ =	shalt  }
0x5a: {  	_ =	shalt  }
0x5b: {  	_ =	shalt  }
0x5c: {  	_ =	shalt  }
0x5d: {  	_ =	shalt  }
0x5e: {  	_ =	shalt  }
0x5f: {  	_ =	shalt  }
0x60: {  	_ =	shalt  }
0x61: {  	_ =	shalt  }
0x62: {  	_ =	shalt  }
0x63: {  	_ =	shalt  }
0x64: {  	_ =	shalt  }
0x65: {  	_ =	shalt  }
0x66: {  	_ =	shalt  }
0x67: {  	_ =	shalt  }
0x68: {  	_ =	shalt  }
0x69: {  	_ =	shalt  }
0x6a: {  	_ =	shalt  }
0x6b: {  	_ =	shalt  }
0x6c: {  	_ =	shalt  }
0x6d: {  	_ =	shalt  }
0x6e: {  	_ =	shalt  }
0x6f: {  	_ =	shalt  }
0x70: {  	_ =	shalt  }
0x71: {  	_ =	shalt  }
0x72: {  	_ =	shalt  }
0x73: {  	_ =	shalt  }
0x74: {  	_ =	shalt  }
0x75: {  	_ =	shalt  }
0x76: {  	_ =	shalt  }
0x77: {  	_ =	shalt  }
0x78: {  	_ =	shalt  }
0x79: {  	_ =	shalt  }
0x7a: {  	_ =	shalt  }
0x7b: {  	_ =	shalt  }
0x7c: {  	_ =	shalt  }
0x7d: {  	_ =	shalt  }
0x7e: {  	_ =	shalt  }
0x7f: {  	_ =	shalt  }
0x80: {  	_ =	shalt  }
0x81: {  	_ =	shalt  }
0x82: {  	_ =	shalt  }
0x83: {  	_ =	shalt  }
0x84: {  	_ =	shalt  }
0x85: {  	_ =	shalt  }
0x86: {  	_ =	shalt  }
0x87: {  	_ =	shalt  }
.Lfunc_end0:
.L_simem_size_0:
called_computation_lowered:
.L_overlay_start_0:
0x88: {  	s2 =	sld [smem:$0x3FD9]  }
0x89: {  	s3 =	sld [smem:$0x3FFE];
	_ =	sdelay $0x1  }
0x8a: {  	s1 =	srdreg.scid  }
0x8b: {  	s0 =	sand.u32 $0x1, s1  }
0x8c: {  	s17 =	sshll.u32 s0, $0xA;
	s2 =	sadd.s32 s3, s2  }
0x8d: {  	s2 =	sadd.s32 s2, s17  }
0x8e: {  	[smem:$0x3FC6] =	sst s2  }
0x8f: {  	_ = 	snop  }
0x90: {  	s2 =	sld [smem:$0x3FC9]  }
0x91: {  	s18 =	sld [smem:$0x3FC8]  }
0x92: {  	s4 =	sld [smem:$0x3FD0];
	(tm) =	ssettm $0x1  }
0x93: {  	s5 =	sld [smem:$0x3FFB];
	_ =	sdelay $0x3  }
0x94: {  	_ =	strace s5  }
0x95: {  	s5 =	sld [smem:$0x3FFC];
	_ =	sdelay $0x3  }
0x96: {  	_ =	strace s5  }
0x97: {  	s5 =	sld [smem:$0x3FFD];
	_ =	sdelay $0x3  }
0x98: {  	_ =	strace s5  }
0x99: {  	_ =	strace $0x8FFFFFFF  }
0x9a: {  	s19 =	sld [smem:$0x3FDB];
	_ =	sdelay $0x1  }
0x9b: {  	s6 =	simm.s32 $_scs_section_size  }
0x9c: {  	s7 =	simm.s32 $_size__tile_overlayer_lowered;
	s8 =	simm.s32 $_tile_overlayer_lowered  }
0x9d: {  	s22 =	simm.s32 $0x1BFF;
	s21 =	sshll.u32 s8, $0x1;
	s5 =	sadd.s32 s6, s19  }
0x9e: {  	s9 =	simm.s32 $0x0;
	s20 =	sshll.u32 s7, $0x1;
	s7 =	sadd.s32 s21, s5  }
0x9f: {  	[timem:s9], [sflag:s22] =	dma.local [hbm:s7], s20  }
0xa0: {  	_ =	swait.ge [sflag:s22], s20  }
0xa1: {  	s6 =	ssub.s32 $0x0, s20;
	[sflag:s22] =	ssyncset.done $0x0  }
0xa2: {  	[sflag:s22] =	ssyncadd.s32 s6;
	_ =	sdelay $0x1  }
0xa3: {  	s23 =	simm.s32 $0x1B8B  }
0xa4: {  	_ =	swait.ge [sflag:s23], $0x1  }
0xa5: {  	[sflag:s23] =	ssyncset.done $0x0  }
0xa6: {  	s25 =	simm.s32 $0x1B8E;
	s24 =	sld [smem:$0x3FFE];
	[sflag:s23] =	ssyncadd.s32 $0xFFFFFFFF  }
0xa7: {  	s26 =	simm.s32 $execute0_lowered;
	[smem:$0x3FD2] =	sst s25  }
0xa8: {  	s7 =	sshll.u32 s26, $0x1;
	_ =	strace $0x80000046;
	[dreg:$0x1] =	wrdreg $0xFFFFFFFF  }
0xa9: {  	s28 =	simm.s32 $_size_execute0_lowered;
	s5 =	sadd.s32 s5, s7;
	[dreg:$0x0] =	wrdreg $0x0  }
0xaa: {  	s7 =	sshll.u32 s28, $0x1;
	[dreg:$0x2] =	wrdreg s5  }
0xab: {  	[dreg:$0x3] =	wrdreg s7  }
0xac: {  	[dreg:$0x4] =	wrdreg $0xC0  }
0xad: {  	_ =	task [dreg:s9], $0x5FFFF  }
0xae: {  	[dreg:$0x1] =	wrdreg $0xFFFFFFFF  }
0xaf: {  	[dreg:$0x0] =	wrdreg $0x60  }
0xb0: {  	[dreg:$0x2] =	wrdreg s2  }
0xb1: {  	[dreg:$0x3] =	wrdreg s24  }
0xb2: {  	[dreg:$0x4] =	wrdreg s18  }
0xb3: {  	[dreg:$0x5] =	wrdreg s4  }
0xb4: {  	[dreg:$0x6] =	wrdreg $0x9  }
0xb5: {  	_ =	task.clear_ibuf [dreg:s9], $0x7FFFF;
	_ =	strace $0x90000046  }
0xb6: {  	s29 =	simm.s32 $0x9;
	_ =	strace $0x80000048  }
0xb7: {  	_ =	swait.ge [sflag:s29], $0x1  }
0xb8: {  	[sflag:s29] =	ssyncadd.s32 $0xFFFFFFFF  }
0xb9: {  	_ =	strace $0x90000048  }
0xba: {  	_ =	sfence  }
0xbb: {  	s30 =	sld [smem:$0x0];
	_ =	sdelay $0x2  }
0xbc: {  	s31 =	sshll.u32 s1, $0xD;
	s1 =	sshrl.u32 s1, $0x2  }
0xbd: {  	s3 =	sand.u32 $0x4000, s31;
	s1 =	sadd.s32 s1, s30  }
0xbe: {  	s0 =	sor.u32 s3, s0;
	s1 =	sshll.u32 s1, $0x11  }
0xbf: {  	s0 =	sor.u32 s1, s0  }
0xc0: {  	s0 =	sadd.s32 $0x8F2B, s0  }
0xc1: {  	[sflag:s0] =	ssyncadd.remote.s32 $0x1  }
0xc2: {  	_ =	sfence.sel $0xFFFF  }
0xc3: {  	[dreg:$0x0] =	wrdreg $0xFFFFFFFF;
	(pc) =	sbr.abs _section_cstart, $3  }
0xc4: {  	[dreg:$0x1] =	wrdreg $0xFFFFFFFF  }
0xc5: {  	_ =	task.clear_ibuf [dreg:s9], $0x2FFFF;
	_ =	strace $0x9FFFFFFF  }
0xc6: {  	(tm) =	ssettm $0x7FFFFFFF  }
0xc7: {  	_ =	shalt  }
tec
execute0_lowered:
.L_overlay_start_1:
0x0: {  	(tag) =	ssettag $0x1  }
0x1: {  	s0 =	rddreg [dreg:$0x0]  }
0x2: {  	s1 =	srdreg.scid;
	s3 =	rddreg [dreg:$0x1]  }
0x3: {  	s13 =	stileid.u32;
	s7 =	rddreg [dreg:$0x2]  }
0x4: {  	s2 =	simm.s32 $0x0;
	s6 =	sand.u32 $0x1, s1;
	s1 =	rddreg [dreg:$0x3]  }
0x5: {  	s25 =	sshll.u32 s13, $0x1;
	[smem:$0x7FF] =	sst s2  }
0x6: {  	s3 =	sadd.s32 $0x800, s3;
	s28 =	sadd.s32 $0xA0000, s0;
	s29 =	sadd.s32 $0xA0008, s0  }
0x7: {  	p1 =	sgt.u32 s13, $0xB;
	s8 =	sor.u32 s6, s25;
	s25 =	smul.u32 $0x28000, s13  }
0x8: {  	_ =	strace $0x80000047;
	s9 =	ssub.s32 $0x2, s6;
	s6 =	smul.u32 $0x14000, s6  }
0x9: {  	s30 =	sadd.s32 $0xA0000, s1;
	s31 =	sadd.s32 $0xA0008, s1;
	s4 =	smul.u32 $0xA0000, s8  }
0xa: {  	s13 =	simm.s32 $0x11000;
	s26 =	sshrl.u32 s9, $0x1;
	s23 =	smul.u32 $0x500, s8  }
0xb: {  	p0 =	sne.s32 s8, $0x1F;
	s5 =	sadd.s32 $0xFF100000, s4;
	s17 =	sadd.s32 $0xFF108040, s4  }
0xc: {  	s16 =	sadd.s32 $0xFF108000, s4;
	s21 =	sadd.s32 $0xFF110000, s4;
	s22 =	sadd.s32 $0xFF110040, s4  }
0xd: {  	s7 =	sadd.s32 s7, s23;
	s23 =	sadd.s32 $0xFF128000, s4;
	s10 =	sshrl.u32 s5, $0x3  }
0xe: {  	s5 =	ssub.s32 s9, s26;
	[dreg:$0x11] =	wrdreg s7;
	s12 =	sadd.s32 s0, s10  }
0xf: {  	s9 =	sshrl.u32 s16, $0x3;
	s15 =	sadd.s32 s1, s10;
	[dreg:$0x5] =	wrdreg s12  }
0x10: {  	s26 =	sadd.s32 $0xFF118000, s4;
	s18 =	sadd.s32 s0, s9;
	[dreg:$0x7] =	wrdreg s15  }
0x11: {  	s11 =	sor.u32 $0x8, s10;
	s9 =	sadd.s32 s1, s9;
	[dreg:$0x9] =	wrdreg s18  }
0x12: {  	s10 =	sshrl.u32 s17, $0x3;
	s14 =	sadd.s32 s0, s11;
	[dreg:$0xb] =	wrdreg s9  }
0x13: {  	s11 =	sadd.s32 s1, s11;
	s19 =	sadd.s32 s0, s10;
	[dreg:$0x6] =	wrdreg s14  }
0x14: {  	s20 =	sadd.s32 s1, s10;
	s9 =	sshrl.u32 s21, $0x3;
	[dreg:$0x8] =	wrdreg s11  }
0x15: {  	s10 =	sshrl.u32 s22, $0x3;
	s18 =	sadd.s32 $0xFF120000, s4;
	[dreg:$0xa] =	wrdreg s19  }
0x16: {  	[dreg:$0xc] =	wrdreg s20;
	s12 =	sadd.s32 s0, s9;
	s24 =	sadd.s32 s0, s10  }
0x17: {  	s9 =	sadd.s32 s1, s9;
	s10 =	sadd.s32 s1, s10;
	[dreg:$0xd] =	wrdreg s12  }
0x18: {  	s14 =	sadd.s32 $0xFF118040, s4;
	s19 =	sshrl.u32 s18, $0x3;
	[dreg:$0xe] =	wrdreg s24  }
0x19: {  	s20 =	sadd.s32 $0xFF120040, s4;
	s18 =	sadd.s32 $0xFF138040, s4;
	[dreg:$0xf] =	wrdreg s9  }
0x1a: {  	[dreg:$0x10] =	wrdreg s10;
	s9 =	sshrl.u32 s26, $0x3;
	s12 =	sadd.s32 s25, s1  }
0x1b: {  	s7 =	sshrl.u32 s14, $0x3;
	s8 =	sshrl.u32 s20, $0x3;
	s21 =	sadd.s32 s0, s19  }
0x1c: {  	s24 =	sadd.s32 $0xFF128040, s4;
	s15 =	sadd.s32 s0, s9;
	[dreg:$0x16] =	wrdreg s21  }
0x1d: {  	s10 =	sadd.s32 $0xFF130000, s4;
	s16 =	sadd.s32 s0, s7;
	[dreg:$0x12] =	wrdreg s15  }
0x1e: {  	s6 =	sadd.s32 s6, s12;
	s17 =	sadd.s32 s1, s9;
	[dreg:$0x13] =	wrdreg s16  }
0x1f: {  	s7 =	sadd.s32 s1, s7;
	s22 =	sadd.s32 s0, s8;
	[dreg:$0x14] =	wrdreg s17  }
0x20: {  	s8 =	sadd.s32 s1, s8;
	s25 =	sshrl.u32 s24, $0x3;
	[dreg:$0x15] =	wrdreg s7  }
0x21: {  	s12 =	sadd.s32 $0xFF130040, s4;
	s21 =	sadd.s32 $0xFF140000, s4;
	[dreg:$0x18] =	wrdreg s22  }
0x22: {  	s9 =	sadd.s32 $0xFF180000, s4;
	s7 =	sadd.s32 s1, s19;
	[dreg:$0x19] =	wrdreg s8  }
0x23: {  	s11 =	sadd.s32 s0, s25;
	s8 =	sadd.s32 s1, s25;
	[dreg:$0x17] =	wrdreg s7  }
0x24: {  	s14 =	sshrl.u32 s12, $0x3;
	s17 =	sadd.s32 $0xFF138000, s4;
	[dreg:$0x1c] =	wrdreg s11  }
0x25: {  	s22 =	sadd.s32 $0xFF140040, s4;
	[dreg:$0x1d] =	wrdreg s8;
	s16 =	sadd.s32 s0, s14  }
0x26: {  	s7 =	sshrl.u32 s23, $0x3;
	s8 =	sadd.s32 s1, s14;
	[smem:$0x7C9] =	sst s16  }
0x27: {  	s25 =	sadd.s32 $0xFF148000, s4;
	s26 =	sadd.s32 s0, s7;
	[smem:$0x7CA] =	sst s8  }
0x28: {  	s7 =	sadd.s32 s1, s7;
	s8 =	sshrl.u32 s18, $0x3;
	[dreg:$0x1a] =	wrdreg s26  }
0x29: {  	s23 =	sshrl.u32 s22, $0x3;
	[dreg:$0x1b] =	wrdreg s7;
	s20 =	sadd.s32 s0, s8  }
0x2a: {  	s16 =	sadd.s32 $0xFF150040, s4;
	s8 =	sadd.s32 s1, s8;
	[smem:$0x7CD] =	sst s20  }
0x2b: {  	s7 =	sshrl.u32 s10, $0x3;
	s26 =	sadd.s32 s0, s23;
	[smem:$0x7CE] =	sst s8  }
0x2c: {  	s10 =	sadd.s32 $0xFF148040, s4;
	s15 =	sadd.s32 s0, s7;
	[smem:$0x7D1] =	sst s26  }
0x2d: {  	s7 =	sadd.s32 s1, s7;
	s8 =	sadd.s32 s1, s23;
	[dreg:$0x1e] =	wrdreg s15  }
0x2e: {  	s11 =	sshrl.u32 s10, $0x3;
	s20 =	sadd.s32 $0xFF158040, s4;
	[dreg:$0x1f] =	wrdreg s7  }
0x2f: {  	s23 =	sadd.s32 $0xFF160000, s4;
	[smem:$0x7D2] =	sst s8;
	s14 =	sadd.s32 s0, s11  }
0x30: {  	s7 =	sshrl.u32 s17, $0x3;
	s8 =	sadd.s32 s1, s11;
	[smem:$0x7D5] =	sst s14  }
0x31: {  	s15 =	sadd.s32 $0xFF150000, s4;
	s19 =	sadd.s32 s0, s7;
	[smem:$0x7D6] =	sst s8  }
0x32: {  	s7 =	sadd.s32 s1, s7;
	s8 =	sshrl.u32 s16, $0x3;
	[smem:$0x7CB] =	sst s19  }
0x33: {  	s14 =	sadd.s32 $0xFF168040, s4;
	[smem:$0x7CC] =	sst s7;
	s18 =	sadd.s32 s0, s8  }
0x34: {  	s7 =	sshrl.u32 s21, $0x3;
	s8 =	sadd.s32 s1, s8;
	[smem:$0x7D9] =	sst s18  }
0x35: {  	s19 =	sadd.s32 $0xFF158000, s4;
	s24 =	sadd.s32 s0, s7;
	[smem:$0x7DA] =	sst s8  }
0x36: {  	s21 =	sshrl.u32 s20, $0x3;
	s7 =	sadd.s32 s1, s7;
	[smem:$0x7CF] =	sst s24  }
0x37: {  	s8 =	sadd.s32 s1, s21;
	s18 =	sadd.s32 $0xFF170040, s4;
	[smem:$0x7D0] =	sst s7  }
0x38: {  	s7 =	sshrl.u32 s25, $0x3;
	s24 =	sadd.s32 s0, s21;
	[smem:$0x7DE] =	sst s8  }
0x39: {  	s25 =	sadd.s32 $0xFF160040, s4;
	s12 =	sadd.s32 s0, s7;
	[smem:$0x7DD] =	sst s24  }
0x3a: {  	s7 =	sadd.s32 s1, s7;
	s26 =	sshrl.u32 s25, $0x3;
	[smem:$0x7D3] =	sst s12  }
0x3b: {  	s21 =	sadd.s32 $0xFF178000, s4;
	[smem:$0x7D4] =	sst s7;
	s11 =	sadd.s32 s0, s26  }
0x3c: {  	s7 =	sshrl.u32 s15, $0x3;
	s8 =	sadd.s32 s1, s26;
	[smem:$0x7E1] =	sst s11  }
0x3d: {  	s12 =	sadd.s32 $0xFF168000, s4;
	s17 =	sadd.s32 s0, s7;
	[smem:$0x7E2] =	sst s8  }
0x3e: {  	s7 =	sadd.s32 s1, s7;
	s8 =	sshrl.u32 s14, $0x3;
	[smem:$0x7D7] =	sst s17  }
0x3f: {  	s14 =	sadd.s32 $0xFF188000, s4;
	[smem:$0x7D8] =	sst s7;
	s16 =	sadd.s32 s0, s8  }
0x40: {  	s7 =	sshrl.u32 s19, $0x3;
	s8 =	sadd.s32 s1, s8;
	[smem:$0x7E5] =	sst s16  }
0x41: {  	s17 =	sadd.s32 $0xFF170000, s4;
	s22 =	sadd.s32 s0, s7;
	[smem:$0x7E6] =	sst s8  }
0x42: {  	s19 =	sshrl.u32 s18, $0x3;
	s7 =	sadd.s32 s1, s7;
	[smem:$0x7DB] =	sst s22  }
0x43: {  	s18 =	sadd.s32 $0xFF190000, s4;
	s8 =	sadd.s32 s1, s19;
	[smem:$0x7DC] =	sst s7  }
0x44: {  	s7 =	sshrl.u32 s23, $0x3;
	s22 =	sadd.s32 s0, s19;
	[smem:$0x7EA] =	sst s8  }
0x45: {  	s23 =	sadd.s32 $0xFF178040, s4;
	s10 =	sadd.s32 s0, s7;
	[smem:$0x7E9] =	sst s22  }
0x46: {  	s7 =	sadd.s32 s1, s7;
	s24 =	sshrl.u32 s23, $0x3;
	[smem:$0x7DF] =	sst s10  }
0x47: {  	[smem:$0x7E0] =	sst s7;
	s7 =	sshrl.u32 s12, $0x3;
	s26 =	sadd.s32 s0, s24  }
0x48: {  	s8 =	sadd.s32 s1, s24;
	s10 =	sadd.s32 $0xFF180040, s4;
	[smem:$0x7ED] =	sst s26  }
0x49: {  	s24 =	sadd.s32 $0xFF198000, s4;
	s15 =	sadd.s32 s0, s7;
	[smem:$0x7EE] =	sst s8  }
0x4a: {  	s7 =	sadd.s32 s1, s7;
	s8 =	sshrl.u32 s10, $0x3;
	[smem:$0x7E3] =	sst s15  }
0x4b: {  	s10 =	simm.s32 $0x1;
	[smem:$0x7E4] =	sst s7;
	s12 =	sadd.s32 s0, s8  }
0x4c: {  	s7 =	sshrl.u32 s17, $0x3;
	s8 =	sadd.s32 s1, s8;
	[smem:$0x7F1] =	sst s12  }
0x4d: {  	s15 =	sadd.s32 $0xFF188040, s4;
	s20 =	sadd.s32 s0, s7;
	[smem:$0x7F2] =	sst s8  }
0x4e: {  	s7 =	sadd.s32 s1, s7;
	s16 =	sshrl.u32 s15, $0x3;
	[smem:$0x7E7] =	sst s20  }
0x4f: {  	s12 =	simm.s32 $0xD000;
	s15 =	simm.s32 $0x13000;
	[smem:$0x7E8] =	sst s7  }
0x50: {  	s7 =	sshrl.u32 s21, $0x3;
	s19 =	sadd.s32 s0, s16;
	s20 =	sadd.s32 $0xFF190040, s4  }
0x51: {  	s8 =	sadd.s32 s1, s16;
	s4 =	sadd.s32 $0xFF198040, s4;
	[smem:$0x7F5] =	sst s19  }
0x52: {  	s16 =	simm.s32 $0x2;
	s25 =	sadd.s32 s0, s7;
	[smem:$0x7F6] =	sst s8  }
0x53: {  	s7 =	sadd.s32 s1, s7;
	s21 =	sshrl.u32 s20, $0x3;
	[smem:$0x7EB] =	sst s25  }
0x54: {  	s4 =	sshrl.u32 s4, $0x3;
	[smem:$0x7EC] =	sst s7;
	s23 =	sadd.s32 s0, s21  }
0x55: {  	s7 =	sshrl.u32 s9, $0x3;
	s8 =	sadd.s32 s1, s21;
	[smem:$0x7F9] =	sst s23  }
0x56: {  	s26 =	sadd.s32 s0, s4;
	s9 =	simm.s32 $0xB000;
	[smem:$0x7FA] =	sst s8  }
0x57: {  	s11 =	sadd.s32 s0, s7;
	s7 =	sadd.s32 s1, s7;
	[smem:$0x7FD] =	sst s26  }
0x58: {  	s26 =	sadd.s32 s1, s4;
	s4 =	simm.s32 $0x5;
	[smem:$0x7EF] =	sst s11  }
0x59: {  	s8 =	simm.s32 $0x7000;
	[smem:$0x7F0] =	sst s7;
	s7 =	sshrl.u32 s14, $0x3  }
0x5a: {  	s11 =	simm.s32 $0x40;
	s17 =	sadd.s32 s0, s7;
	s7 =	sadd.s32 s1, s7  }
0x5b: {  	s14 =	simm.s32 $0xF000;
	[smem:$0x7F4] =	sst s7;
	s7 =	sshrl.u32 s18, $0x3  }
0x5c: {  	[smem:$0x7F3] =	sst s17;
	s17 =	simm.s32 $0x3;
	s22 =	sadd.s32 s0, s7  }
.Ltmp0:
0x5d: {  	v0 =	vlaneseq.u32;
	s7 =	sadd.s32 s1, s7;
	[smem:$0x7F7] =	sst s22;
	(pc) =	sbr.rel .LBB2_1-.Ltmp0, $4  }
0x5e: {  	v1 =	vand.u32 $0x3, v0;
	s18 =	simm.s32 $0x4;
	[smem:$0x7F8] =	sst s7;
	s7 =	sshrl.u32 s24, $0x3  }
0x5f: {  	v0 =	vmul.u32 $0x2, v0;
	v1 =	vmul.u32 $0x2, v1;
	s22 =	sadd.s32 $0xA1028, s6;
	s6 =	simm.s32 $0x5000;
	s25 =	sadd.s32 s0, s7  }
0x60: {  	s7 =	sadd.s32 s1, s7;
	s1 =	smax.u32 s5, $0x1;
	[smem:$0x7FB] =	sst s25  }
0x61: {  	v2 =	vor.u32 $0x1, v0;
	v1 =	vor.u32 $0xFFFFFFF8, v1;
	s5 =	simm.s32 $0x80;
	[smem:$0x7FC] =	sst s7;
	s7 =	simm.s32 $0x9000  }
.LBB2_7:
0x62: {  	s0 =	rddreg [dreg:$0x5]  }
0x63: {  	[tilespmem:s6], [sflag:$0x1] =	stream.strided.gather [hbm4b:s0+s11], $0x4000, s5, s11, $0x38;
	[tilespmem:$0x15000] =	vst v63  }
0x64: {  	s19 =	rddreg [dreg:$0x6]  }
0x65: {  	[tilespmem:s7], [sflag:$0x1] =	stream.strided.gather [hbm4b:s19+s11], $0x4000, s5, s11, $0x38;
	[tilespmem:$0x15000] =	vst v63  }
0x66: {  	_ =	swait.ge [sflag:s10], $0x4000  }
0x67: {  	[sflag:s10] =	ssyncset.done $0x0  }
0x68: {  	[sflag:s10] =	ssyncadd.s32 $0xFFFFC000  }
0x69: {  	_ =	swait.ge [sflag:s10], $0x4000  }
0x6a: {  	[sflag:s10] =	ssyncset.done $0x0  }
0x6b: {  	s20 =	rddreg [dreg:$0x7];
	[sflag:s10] =	ssyncadd.s32 $0xFFFFC000  }
0x6c: {  	[hbm4b:s20+s11] =	stream.strided.scatter [tilespmem:s6], [sflag:$0x3], $0x4000, s5, s11, $0x38;
	[tilespmem:$0x15000] =	vst v63  }
0x6d: {  	s21 =	rddreg [dreg:$0x8]  }
0x6e: {  	[hbm4b:s21+s11] =	stream.strided.scatter [tilespmem:s7], [sflag:$0x3], $0x4000, s5, s11, $0x38;
	[tilespmem:$0x15000] =	vst v63  }
0x6f: {  	s23 =	rddreg [dreg:$0x9]  }
0x70: {  	[tilespmem:s12], [sflag:$0x2] =	stream.strided.gather [hbm4b:s23+s11], $0x4000, s5, s11, $0x38;
	[tilespmem:$0x15000] =	vst v63  }
0x71: {  	s24 =	rddreg [dreg:$0xa]  }
0x72: {  	[tilespmem:s13], [sflag:$0x2] =	stream.strided.gather [hbm4b:s24+s11], $0x4000, s5, s11, $0x38;
	[tilespmem:$0x15000] =	vst v63  }
0x73: {  	_ =	swait.ge [sflag:s16], $0x4000  }
0x74: {  	[sflag:s16] =	ssyncset.done $0x0  }
0x75: {  	[sflag:s16] =	ssyncadd.s32 $0xFFFFC000  }
0x76: {  	_ =	swait.ge [sflag:s16], $0x4000  }
0x77: {  	[sflag:s16] =	ssyncset.done $0x0  }
0x78: {  	s25 =	rddreg [dreg:$0xb];
	[sflag:s16] =	ssyncadd.s32 $0xFFFFC000  }
0x79: {  	[hbm4b:s25+s11] =	stream.strided.scatter [tilespmem:s12], [sflag:$0x4], $0x4000, s5, s11, $0x38;
	[tilespmem:$0x15000] =	vst v63  }
0x7a: {  	s19 =	rddreg [dreg:$0xc]  }
0x7b: {  	[hbm4b:s19+s11] =	stream.strided.scatter [tilespmem:s13], [sflag:$0x4], $0x4000, s5, s11, $0x38;
	[tilespmem:$0x15000] =	vst v63  }
0x7c: {  	_ =	swait.ge [sflag:s17], $0x4000  }
0x7d: {  	[sflag:s17] =	ssyncset.done $0x0  }
0x7e: {  	[sflag:s17] =	ssyncadd.s32 $0xFFFFC000  }
0x7f: {  	_ =	swait.ge [sflag:s17], $0x4000  }
0x80: {  	[sflag:s17] =	ssyncset.done $0x0  }
0x81: {  	s20 =	rddreg [dreg:$0xd];
	[sflag:s17] =	ssyncadd.s32 $0xFFFFC000  }
0x82: {  	[tilespmem:s6], [sflag:$0x1] =	stream.strided.gather [hbm4b:s20+s11], $0x4000, s5, s11, $0x38;
	[tilespmem:$0x15000] =	vst v63  }
0x83: {  	s21 =	rddreg [dreg:$0xe]  }
0x84: {  	[tilespmem:s7], [sflag:$0x1] =	stream.strided.gather [hbm4b:s21+s11], $0x4000, s5, s11, $0x38;
	[tilespmem:$0x15000] =	vst v63  }
0x85: {  	_ =	swait.ge [sflag:s10], $0x4000  }
0x86: {  	[sflag:s10] =	ssyncset.done $0x0  }
0x87: {  	[sflag:s10] =	ssyncadd.s32 $0xFFFFC000  }
0x88: {  	_ =	swait.ge [sflag:s10], $0x4000  }
0x89: {  	[sflag:s10] =	ssyncset.done $0x0  }
0x8a: {  	s23 =	rddreg [dreg:$0xf];
	[sflag:s10] =	ssyncadd.s32 $0xFFFFC000  }
0x8b: {  	[hbm4b:s23+s11] =	stream.strided.scatter [tilespmem:s6], [sflag:$0x3], $0x4000, s5, s11, $0x38;
	[tilespmem:$0x15000] =	vst v63  }
0x8c: {  	s24 =	rddreg [dreg:$0x10]  }
0x8d: {  	[hbm4b:s24+s11] =	stream.strided.scatter [tilespmem:s7], [sflag:$0x3], $0x4000, s5, s11, $0x38;
	[tilespmem:$0x15000] =	vst v63  }
0x8e: {  	_ =	swait.ge [sflag:s18], $0x4000  }
0x8f: {  	[sflag:s18] =	ssyncset.done $0x0  }
0x90: {  	[sflag:s18] =	ssyncadd.s32 $0xFFFFC000  }
0x91: {  	_ =	swait.ge [sflag:s18], $0x4000  }
0x92: {  	[sflag:s18] =	ssyncset.done $0x0  }
0x93: {  	s25 =	rddreg [dreg:$0x12];
	[sflag:s18] =	ssyncadd.s32 $0xFFFFC000  }
0x94: {  	[tilespmem:s12], [sflag:$0x2] =	stream.strided.gather [hbm4b:s25+s11], $0x4000, s5, s11, $0x38;
	[tilespmem:$0x15000] =	vst v63  }
0x95: {  	s19 =	rddreg [dreg:$0x13]  }
0x96: {  	[tilespmem:s13], [sflag:$0x2] =	stream.strided.gather [hbm4b:s19+s11], $0x4000, s5, s11, $0x38;
	[tilespmem:$0x15000] =	vst v63  }
0x97: {  	_ =	swait.ge [sflag:s16], $0x4000  }
0x98: {  	[sflag:s16] =	ssyncset.done $0x0  }
0x99: {  	[sflag:s16] =	ssyncadd.s32 $0xFFFFC000  }
0x9a: {  	_ =	swait.ge [sflag:s16], $0x4000  }
0x9b: {  	[sflag:s16] =	ssyncset.done $0x0  }
0x9c: {  	s20 =	rddreg [dreg:$0x14];
	[sflag:s16] =	ssyncadd.s32 $0xFFFFC000  }
0x9d: {  	[hbm4b:s20+s11] =	stream.strided.scatter [tilespmem:s12], [sflag:$0x4], $0x4000, s5, s11, $0x38;
	[tilespmem:$0x15000] =	vst v63  }
0x9e: {  	s21 =	rddreg [dreg:$0x15]  }
0x9f: {  	[hbm4b:s21+s11] =	stream.strided.scatter [tilespmem:s13], [sflag:$0x4], $0x4000, s5, s11, $0x38;
	[tilespmem:$0x15000] =	vst v63  }
0xa0: {  	_ =	swait.ge [sflag:s17], $0x4000  }
0xa1: {  	[sflag:s17] =	ssyncset.done $0x0  }
0xa2: {  	[sflag:s17] =	ssyncadd.s32 $0xFFFFC000  }
0xa3: {  	_ =	swait.ge [sflag:s17], $0x4000  }
0xa4: {  	[sflag:s17] =	ssyncset.done $0x0  }
0xa5: {  	s23 =	rddreg [dreg:$0x16];
	[sflag:s17] =	ssyncadd.s32 $0xFFFFC000  }
0xa6: {  	[tilespmem:s6], [sflag:$0x1] =	stream.strided.gather [hbm4b:s23+s11], $0x4000, s5, s11, $0x38;
	[tilespmem:$0x15000] =	vst v63  }
0xa7: {  	s24 =	rddreg [dreg:$0x18]  }
0xa8: {  	[tilespmem:s7], [sflag:$0x1] =	stream.strided.gather [hbm4b:s24+s11], $0x4000, s5, s11, $0x38;
	[tilespmem:$0x15000] =	vst v63  }
0xa9: {  	_ =	swait.ge [sflag:s10], $0x4000  }
0xaa: {  	[sflag:s10] =	ssyncset.done $0x0  }
0xab: {  	[sflag:s10] =	ssyncadd.s32 $0xFFFFC000  }
0xac: {  	_ =	swait.ge [sflag:s10], $0x4000  }
0xad: {  	[sflag:s10] =	ssyncset.done $0x0  }
0xae: {  	s25 =	rddreg [dreg:$0x17];
	[sflag:s10] =	ssyncadd.s32 $0xFFFFC000  }
0xaf: {  	[hbm4b:s25+s11] =	stream.strided.scatter [tilespmem:s6], [sflag:$0x3], $0x4000, s5, s11, $0x38;
	[tilespmem:$0x15000] =	vst v63  }
0xb0: {  	s19 =	rddreg [dreg:$0x19]  }
0xb1: {  	[hbm4b:s19+s11] =	stream.strided.scatter [tilespmem:s7], [sflag:$0x3], $0x4000, s5, s11, $0x38;
	[tilespmem:$0x15000] =	vst v63  }
0xb2: {  	_ =	swait.ge [sflag:s18], $0x4000  }
0xb3: {  	[sflag:s18] =	ssyncset.done $0x0  }
0xb4: {  	[sflag:s18] =	ssyncadd.s32 $0xFFFFC000  }
0xb5: {  	_ =	swait.ge [sflag:s18], $0x4000  }
0xb6: {  	[sflag:s18] =	ssyncset.done $0x0  }
0xb7: {  	s20 =	rddreg [dreg:$0x1a];
	[sflag:s18] =	ssyncadd.s32 $0xFFFFC000  }
0xb8: {  	[tilespmem:s12], [sflag:$0x2] =	stream.strided.gather [hbm4b:s20+s11], $0x4000, s5, s11, $0x38;
	[tilespmem:$0x15000] =	vst v63  }
0xb9: {  	s21 =	rddreg [dreg:$0x1c]  }
0xba: {  	[tilespmem:s13], [sflag:$0x2] =	stream.strided.gather [hbm4b:s21+s11], $0x4000, s5, s11, $0x38;
	[tilespmem:$0x15000] =	vst v63  }
0xbb: {  	_ =	swait.ge [sflag:s16], $0x4000  }
0xbc: {  	[sflag:s16] =	ssyncset.done $0x0  }
0xbd: {  	[sflag:s16] =	ssyncadd.s32 $0xFFFFC000  }
0xbe: {  	_ =	swait.ge [sflag:s16], $0x4000  }
0xbf: {  	[sflag:s16] =	ssyncset.done $0x0  }
0xc0: {  	s23 =	rddreg [dreg:$0x1b];
	[sflag:s16] =	ssyncadd.s32 $0xFFFFC000  }
0xc1: {  	[hbm4b:s23+s11] =	stream.strided.scatter [tilespmem:s12], [sflag:$0x4], $0x4000, s5, s11, $0x38;
	[tilespmem:$0x15000] =	vst v63  }
0xc2: {  	s24 =	rddreg [dreg:$0x1d]  }
0xc3: {  	[hbm4b:s24+s11] =	stream.strided.scatter [tilespmem:s13], [sflag:$0x4], $0x4000, s5, s11, $0x38;
	[tilespmem:$0x15000] =	vst v63  }
0xc4: {  	_ =	swait.ge [sflag:s17], $0x4000  }
0xc5: {  	[sflag:s17] =	ssyncset.done $0x0  }
0xc6: {  	[sflag:s17] =	ssyncadd.s32 $0xFFFFC000  }
0xc7: {  	_ =	swait.ge [sflag:s17], $0x4000  }
0xc8: {  	[sflag:s17] =	ssyncset.done $0x0;
	s25 =	rddreg [dreg:$0x1e]  }
0xc9: {  	s19 =	sld [smem:$0x7C9];
	[sflag:s17] =	ssyncadd.s32 $0xFFFFC000  }
0xca: {  	[tilespmem:s6], [sflag:$0x1] =	stream.strided.gather [hbm4b:s25+s11], $0x4000, s5, s11, $0x38;
	[tilespmem:$0x15000] =	vst v63  }
0xcb: {  	_ = 	snop  }
0xcc: {  	[tilespmem:s7], [sflag:$0x1] =	stream.strided.gather [hbm4b:s19+s11], $0x4000, s5, s11, $0x38;
	[tilespmem:$0x15000] =	vst v63  }
0xcd: {  	_ =	swait.ge [sflag:s10], $0x4000  }
0xce: {  	[sflag:s10] =	ssyncset.done $0x0  }
0xcf: {  	[sflag:s10] =	ssyncadd.s32 $0xFFFFC000  }
0xd0: {  	_ =	swait.ge [sflag:s10], $0x4000  }
0xd1: {  	[sflag:s10] =	ssyncset.done $0x0;
	s20 =	rddreg [dreg:$0x1f]  }
0xd2: {  	s21 =	sld [smem:$0x7CA];
	[sflag:s10] =	ssyncadd.s32 $0xFFFFC000  }
0xd3: {  	[hbm4b:s20+s11] =	stream.strided.scatter [tilespmem:s6], [sflag:$0x3], $0x4000, s5, s11, $0x38;
	[tilespmem:$0x15000] =	vst v63  }
0xd4: {  	_ = 	snop  }
0xd5: {  	[hbm4b:s21+s11] =	stream.strided.scatter [tilespmem:s7], [sflag:$0x3], $0x4000, s5, s11, $0x38;
	[tilespmem:$0x15000] =	vst v63  }
0xd6: {  	_ =	swait.ge [sflag:s18], $0x4000  }
0xd7: {  	[sflag:s18] =	ssyncset.done $0x0  }
0xd8: {  	[sflag:s18] =	ssyncadd.s32 $0xFFFFC000  }
0xd9: {  	_ =	swait.ge [sflag:s18], $0x4000  }
0xda: {  	s23 =	sld [smem:$0x7CB]  }
0xdb: {  	[sflag:s18] =	ssyncset.done $0x0  }
0xdc: {  	s24 =	sld [smem:$0x7CD];
	[sflag:s18] =	ssyncadd.s32 $0xFFFFC000  }
0xdd: {  	[tilespmem:s12], [sflag:$0x2] =	stream.strided.gather [hbm4b:s23+s11], $0x4000, s5, s11, $0x38;
	[tilespmem:$0x15000] =	vst v63  }
0xde: {  	_ = 	snop  }
0xdf: {  	[tilespmem:s13], [sflag:$0x2] =	stream.strided.gather [hbm4b:s24+s11], $0x4000, s5, s11, $0x38;
	[tilespmem:$0x15000] =	vst v63  }
0xe0: {  	_ =	swait.ge [sflag:s16], $0x4000  }
0xe1: {  	[sflag:s16] =	ssyncset.done $0x0  }
0xe2: {  	[sflag:s16] =	ssyncadd.s32 $0xFFFFC000  }
0xe3: {  	_ =	swait.ge [sflag:s16], $0x4000  }
0xe4: {  	s25 =	sld [smem:$0x7CC]  }
0xe5: {  	[sflag:s16] =	ssyncset.done $0x0  }
0xe6: {  	s19 =	sld [smem:$0x7CE];
	[sflag:s16] =	ssyncadd.s32 $0xFFFFC000  }
0xe7: {  	[hbm4b:s25+s11] =	stream.strided.scatter [tilespmem:s12], [sflag:$0x4], $0x4000, s5, s11, $0x38;
	[tilespmem:$0x15000] =	vst v63  }
0xe8: {  	_ = 	snop  }
0xe9: {  	[hbm4b:s19+s11] =	stream.strided.scatter [tilespmem:s13], [sflag:$0x4], $0x4000, s5, s11, $0x38;
	[tilespmem:$0x15000] =	vst v63  }
0xea: {  	_ =	swait.ge [sflag:s17], $0x4000  }
0xeb: {  	[sflag:s17] =	ssyncset.done $0x0  }
0xec: {  	[sflag:s17] =	ssyncadd.s32 $0xFFFFC000  }
0xed: {  	_ =	swait.ge [sflag:s17], $0x4000  }
0xee: {  	s20 =	sld [smem:$0x7CF]  }
0xef: {  	[sflag:s17] =	ssyncset.done $0x0  }
0xf0: {  	s21 =	sld [smem:$0x7D1];
	[sflag:s17] =	ssyncadd.s32 $0xFFFFC000  }
0xf1: {  	[tilespmem:s6], [sflag:$0x1] =	stream.strided.gather [hbm4b:s20+s11], $0x4000, s5, s11, $0x38;
	[tilespmem:$0x15000] =	vst v63  }
0xf2: {  	_ = 	snop  }
0xf3: {  	[tilespmem:s7], [sflag:$0x1] =	stream.strided.gather [hbm4b:s21+s11], $0x4000, s5, s11, $0x38;
	[tilespmem:$0x15000] =	vst v63  }
0xf4: {  	_ =	swait.ge [sflag:s10], $0x4000  }
0xf5: {  	[sflag:s10] =	ssyncset.done $0x0  }
0xf6: {  	[sflag:s10] =	ssyncadd.s32 $0xFFFFC000  }
0xf7: {  	_ =	swait.ge [sflag:s10], $0x4000  }
0xf8: {  	s23 =	sld [smem:$0x7D0]  }
0xf9: {  	[sflag:s10] =	ssyncset.done $0x0  }
0xfa: {  	s24 =	sld [smem:$0x7D2];
	[sflag:s10] =	ssyncadd.s32 $0xFFFFC000  }
0xfb: {  	[hbm4b:s23+s11] =	stream.strided.scatter [tilespmem:s6], [sflag:$0x3], $0x4000, s5, s11, $0x38;
	[tilespmem:$0x15000] =	vst v63  }
0xfc: {  	_ = 	snop  }
0xfd: {  	[hbm4b:s24+s11] =	stream.strided.scatter [tilespmem:s7], [sflag:$0x3], $0x4000, s5, s11, $0x38;
	[tilespmem:$0x15000] =	vst v63  }
0xfe: {  	_ =	swait.ge [sflag:s18], $0x4000  }
0xff: {  	[sflag:s18] =	ssyncset.done $0x0  }
0x100: {  	[sflag:s18] =	ssyncadd.s32 $0xFFFFC000  }
0x101: {  	_ =	swait.ge [sflag:s18], $0x4000  }
0x102: {  	s25 =	sld [smem:$0x7D3]  }
0x103: {  	[sflag:s18] =	ssyncset.done $0x0  }
0x104: {  	s19 =	sld [smem:$0x7D5];
	[sflag:s18] =	ssyncadd.s32 $0xFFFFC000  }
0x105: {  	[tilespmem:s12], [sflag:$0x2] =	stream.strided.gather [hbm4b:s25+s11], $0x4000, s5, s11, $0x38;
	[tilespmem:$0x15000] =	vst v63  }
0x106: {  	_ = 	snop  }
0x107: {  	[tilespmem:s13], [sflag:$0x2] =	stream.strided.gather [hbm4b:s19+s11], $0x4000, s5, s11, $0x38;
	[tilespmem:$0x15000] =	vst v63  }
0x108: {  	_ =	swait.ge [sflag:s16], $0x4000  }
0x109: {  	[sflag:s16] =	ssyncset.done $0x0  }
0x10a: {  	[sflag:s16] =	ssyncadd.s32 $0xFFFFC000  }
0x10b: {  	_ =	swait.ge [sflag:s16], $0x4000  }
0x10c: {  	s20 =	sld [smem:$0x7D4]  }
0x10d: {  	[sflag:s16] =	ssyncset.done $0x0  }
0x10e: {  	s21 =	sld [smem:$0x7D6];
	[sflag:s16] =	ssyncadd.s32 $0xFFFFC000  }
0x10f: {  	[hbm4b:s20+s11] =	stream.strided.scatter [tilespmem:s12], [sflag:$0x4], $0x4000, s5, s11, $0x38;
	[tilespmem:$0x15000] =	vst v63  }
0x110: {  	_ = 	snop  }
0x111: {  	[hbm4b:s21+s11] =	stream.strided.scatter [tilespmem:s13], [sflag:$0x4], $0x4000, s5, s11, $0x38;
	[tilespmem:$0x15000] =	vst v63  }
0x112: {  	_ =	swait.ge [sflag:s17], $0x4000  }
0x113: {  	[sflag:s17] =	ssyncset.done $0x0  }
0x114: {  	[sflag:s17] =	ssyncadd.s32 $0xFFFFC000  }
0x115: {  	_ =	swait.ge [sflag:s17], $0x4000  }
0x116: {  	s23 =	sld [smem:$0x7D7]  }
0x117: {  	[sflag:s17] =	ssyncset.done $0x0  }
0x118: {  	s24 =	sld [smem:$0x7D9];
	[sflag:s17] =	ssyncadd.s32 $0xFFFFC000  }
0x119: {  	[tilespmem:s6], [sflag:$0x1] =	stream.strided.gather [hbm4b:s23+s11], $0x4000, s5, s11, $0x38;
	[tilespmem:$0x15000] =	vst v63  }
0x11a: {  	_ = 	snop  }
0x11b: {  	[tilespmem:s7], [sflag:$0x1] =	stream.strided.gather [hbm4b:s24+s11], $0x4000, s5, s11, $0x38;
	[tilespmem:$0x15000] =	vst v63  }
0x11c: {  	_ =	swait.ge [sflag:s10], $0x4000  }
0x11d: {  	[sflag:s10] =	ssyncset.done $0x0  }
0x11e: {  	[sflag:s10] =	ssyncadd.s32 $0xFFFFC000  }
0x11f: {  	_ =	swait.ge [sflag:s10], $0x4000  }
0x120: {  	s25 =	sld [smem:$0x7D8]  }
0x121: {  	[sflag:s10] =	ssyncset.done $0x0  }
0x122: {  	s19 =	sld [smem:$0x7DA];
	[sflag:s10] =	ssyncadd.s32 $0xFFFFC000  }
0x123: {  	[hbm4b:s25+s11] =	stream.strided.scatter [tilespmem:s6], [sflag:$0x3], $0x4000, s5, s11, $0x38;
	[tilespmem:$0x15000] =	vst v63  }
0x124: {  	_ = 	snop  }
0x125: {  	[hbm4b:s19+s11] =	stream.strided.scatter [tilespmem:s7], [sflag:$0x3], $0x4000, s5, s11, $0x38;
	[tilespmem:$0x15000] =	vst v63  }
0x126: {  	_ =	swait.ge [sflag:s18], $0x4000  }
0x127: {  	[sflag:s18] =	ssyncset.done $0x0  }
0x128: {  	[sflag:s18] =	ssyncadd.s32 $0xFFFFC000  }
0x129: {  	_ =	swait.ge [sflag:s18], $0x4000  }
0x12a: {  	s20 =	sld [smem:$0x7DB]  }
0x12b: {  	[sflag:s18] =	ssyncset.done $0x0  }
0x12c: {  	s21 =	sld [smem:$0x7DD];
	[sflag:s18] =	ssyncadd.s32 $0xFFFFC000  }
0x12d: {  	[tilespmem:s12], [sflag:$0x2] =	stream.strided.gather [hbm4b:s20+s11], $0x4000, s5, s11, $0x38;
	[tilespmem:$0x15000] =	vst v63  }
0x12e: {  	_ = 	snop  }
0x12f: {  	[tilespmem:s13], [sflag:$0x2] =	stream.strided.gather [hbm4b:s21+s11], $0x4000, s5, s11, $0x38;
	[tilespmem:$0x15000] =	vst v63  }
0x130: {  	_ =	swait.ge [sflag:s16], $0x4000  }
0x131: {  	[sflag:s16] =	ssyncset.done $0x0  }
0x132: {  	[sflag:s16] =	ssyncadd.s32 $0xFFFFC000  }
0x133: {  	_ =	swait.ge [sflag:s16], $0x4000  }
0x134: {  	s23 =	sld [smem:$0x7DC]  }
0x135: {  	[sflag:s16] =	ssyncset.done $0x0  }
0x136: {  	s24 =	sld [smem:$0x7DE];
	[sflag:s16] =	ssyncadd.s32 $0xFFFFC000  }
0x137: {  	[hbm4b:s23+s11] =	stream.strided.scatter [tilespmem:s12], [sflag:$0x4], $0x4000, s5, s11, $0x38;
	[tilespmem:$0x15000] =	vst v63  }
0x138: {  	_ = 	snop  }
0x139: {  	[hbm4b:s24+s11] =	stream.strided.scatter [tilespmem:s13], [sflag:$0x4], $0x4000, s5, s11, $0x38;
	[tilespmem:$0x15000] =	vst v63  }
0x13a: {  	_ =	swait.ge [sflag:s17], $0x4000  }
0x13b: {  	[sflag:s17] =	ssyncset.done $0x0  }
0x13c: {  	[sflag:s17] =	ssyncadd.s32 $0xFFFFC000  }
0x13d: {  	_ =	swait.ge [sflag:s17], $0x4000  }
0x13e: {  	s25 =	sld [smem:$0x7DF]  }
0x13f: {  	[sflag:s17] =	ssyncset.done $0x0  }
0x140: {  	s19 =	sld [smem:$0x7E1];
	[sflag:s17] =	ssyncadd.s32 $0xFFFFC000  }
0x141: {  	[tilespmem:s6], [sflag:$0x1] =	stream.strided.gather [hbm4b:s25+s11], $0x4000, s5, s11, $0x38;
	[tilespmem:$0x15000] =	vst v63  }
0x142: {  	_ = 	snop  }
0x143: {  	[tilespmem:s7], [sflag:$0x1] =	stream.strided.gather [hbm4b:s19+s11], $0x4000, s5, s11, $0x38;
	[tilespmem:$0x15000] =	vst v63  }
0x144: {  	_ =	swait.ge [sflag:s10], $0x4000  }
0x145: {  	[sflag:s10] =	ssyncset.done $0x0  }
0x146: {  	[sflag:s10] =	ssyncadd.s32 $0xFFFFC000  }
0x147: {  	_ =	swait.ge [sflag:s10], $0x4000  }
0x148: {  	s20 =	sld [smem:$0x7E0]  }
0x149: {  	[sflag:s10] =	ssyncset.done $0x0  }
0x14a: {  	s21 =	sld [smem:$0x7E2];
	[sflag:s10] =	ssyncadd.s32 $0xFFFFC000  }
0x14b: {  	[hbm4b:s20+s11] =	stream.strided.scatter [tilespmem:s6], [sflag:$0x3], $0x4000, s5, s11, $0x38;
	[tilespmem:$0x15000] =	vst v63  }
0x14c: {  	_ = 	snop  }
0x14d: {  	[hbm4b:s21+s11] =	stream.strided.scatter [tilespmem:s7], [sflag:$0x3], $0x4000, s5, s11, $0x38;
	[tilespmem:$0x15000] =	vst v63  }
0x14e: {  	_ =	swait.ge [sflag:s18], $0x4000  }
0x14f: {  	[sflag:s18] =	ssyncset.done $0x0  }
0x150: {  	[sflag:s18] =	ssyncadd.s32 $0xFFFFC000  }
0x151: {  	_ =	swait.ge [sflag:s18], $0x4000  }
0x152: {  	s23 =	sld [smem:$0x7E3]  }
0x153: {  	[sflag:s18] =	ssyncset.done $0x0  }
0x154: {  	s24 =	sld [smem:$0x7E5];
	[sflag:s18] =	ssyncadd.s32 $0xFFFFC000  }
0x155: {  	[tilespmem:s12], [sflag:$0x2] =	stream.strided.gather [hbm4b:s23+s11], $0x4000, s5, s11, $0x38;
	[tilespmem:$0x15000] =	vst v63  }
0x156: {  	_ = 	snop  }
0x157: {  	[tilespmem:s13], [sflag:$0x2] =	stream.strided.gather [hbm4b:s24+s11], $0x4000, s5, s11, $0x38;
	[tilespmem:$0x15000] =	vst v63  }
0x158: {  	_ =	swait.ge [sflag:s16], $0x4000  }
0x159: {  	[sflag:s16] =	ssyncset.done $0x0  }
0x15a: {  	[sflag:s16] =	ssyncadd.s32 $0xFFFFC000  }
0x15b: {  	_ =	swait.ge [sflag:s16], $0x4000  }
0x15c: {  	s25 =	sld [smem:$0x7E4]  }
0x15d: {  	[sflag:s16] =	ssyncset.done $0x0  }
0x15e: {  	s19 =	sld [smem:$0x7E6];
	[sflag:s16] =	ssyncadd.s32 $0xFFFFC000  }
0x15f: {  	[hbm4b:s25+s11] =	stream.strided.scatter [tilespmem:s12], [sflag:$0x4], $0x4000, s5, s11, $0x38;
	[tilespmem:$0x15000] =	vst v63  }
0x160: {  	_ = 	snop  }
0x161: {  	[hbm4b:s19+s11] =	stream.strided.scatter [tilespmem:s13], [sflag:$0x4], $0x4000, s5, s11, $0x38;
	[tilespmem:$0x15000] =	vst v63  }
0x162: {  	_ =	swait.ge [sflag:s17], $0x4000  }
0x163: {  	[sflag:s17] =	ssyncset.done $0x0  }
0x164: {  	[sflag:s17] =	ssyncadd.s32 $0xFFFFC000  }
0x165: {  	_ =	swait.ge [sflag:s17], $0x4000  }
0x166: {  	s20 =	sld [smem:$0x7E7]  }
0x167: {  	[sflag:s17] =	ssyncset.done $0x0  }
0x168: {  	s21 =	sld [smem:$0x7E9];
	[sflag:s17] =	ssyncadd.s32 $0xFFFFC000  }
0x169: {  	[tilespmem:s6], [sflag:$0x1] =	stream.strided.gather [hbm4b:s20+s11], $0x4000, s5, s11, $0x38;
	[tilespmem:$0x15000] =	vst v63  }
0x16a: {  	_ = 	snop  }
0x16b: {  	[tilespmem:s7], [sflag:$0x1] =	stream.strided.gather [hbm4b:s21+s11], $0x4000, s5, s11, $0x38;
	[tilespmem:$0x15000] =	vst v63  }
0x16c: {  	_ =	swait.ge [sflag:s10], $0x4000  }
0x16d: {  	[sflag:s10] =	ssyncset.done $0x0  }
0x16e: {  	[sflag:s10] =	ssyncadd.s32 $0xFFFFC000  }
0x16f: {  	_ =	swait.ge [sflag:s10], $0x4000  }
0x170: {  	s23 =	sld [smem:$0x7E8]  }
0x171: {  	[sflag:s10] =	ssyncset.done $0x0  }
0x172: {  	s24 =	sld [smem:$0x7EA];
	[sflag:s10] =	ssyncadd.s32 $0xFFFFC000  }
0x173: {  	[hbm4b:s23+s11] =	stream.strided.scatter [tilespmem:s6], [sflag:$0x3], $0x4000, s5, s11, $0x38;
	[tilespmem:$0x15000] =	vst v63  }
0x174: {  	_ = 	snop  }
0x175: {  	[hbm4b:s24+s11] =	stream.strided.scatter [tilespmem:s7], [sflag:$0x3], $0x4000, s5, s11, $0x38;
	[tilespmem:$0x15000] =	vst v63  }
0x176: {  	_ =	swait.ge [sflag:s18], $0x4000  }
0x177: {  	[sflag:s18] =	ssyncset.done $0x0  }
0x178: {  	[sflag:s18] =	ssyncadd.s32 $0xFFFFC000  }
0x179: {  	_ =	swait.ge [sflag:s18], $0x4000  }
0x17a: {  	s25 =	sld [smem:$0x7EB]  }
0x17b: {  	[sflag:s18] =	ssyncset.done $0x0  }
0x17c: {  	s19 =	sld [smem:$0x7ED];
	[sflag:s18] =	ssyncadd.s32 $0xFFFFC000  }
0x17d: {  	[tilespmem:s12], [sflag:$0x2] =	stream.strided.gather [hbm4b:s25+s11], $0x4000, s5, s11, $0x38;
	[tilespmem:$0x15000] =	vst v63  }
0x17e: {  	_ = 	snop  }
0x17f: {  	[tilespmem:s13], [sflag:$0x2] =	stream.strided.gather [hbm4b:s19+s11], $0x4000, s5, s11, $0x38;
	[tilespmem:$0x15000] =	vst v63  }
0x180: {  	_ =	swait.ge [sflag:s16], $0x4000  }
0x181: {  	[sflag:s16] =	ssyncset.done $0x0  }
0x182: {  	[sflag:s16] =	ssyncadd.s32 $0xFFFFC000  }
0x183: {  	_ =	swait.ge [sflag:s16], $0x4000  }
0x184: {  	s20 =	sld [smem:$0x7EC]  }
0x185: {  	[sflag:s16] =	ssyncset.done $0x0  }
0x186: {  	s21 =	sld [smem:$0x7EE];
	[sflag:s16] =	ssyncadd.s32 $0xFFFFC000  }
0x187: {  	[hbm4b:s20+s11] =	stream.strided.scatter [tilespmem:s12], [sflag:$0x4], $0x4000, s5, s11, $0x38;
	[tilespmem:$0x15000] =	vst v63  }
0x188: {  	_ = 	snop  }
0x189: {  	[hbm4b:s21+s11] =	stream.strided.scatter [tilespmem:s13], [sflag:$0x4], $0x4000, s5, s11, $0x38;
	[tilespmem:$0x15000] =	vst v63  }
0x18a: {  	_ =	swait.ge [sflag:s17], $0x4000  }
0x18b: {  	[sflag:s17] =	ssyncset.done $0x0  }
0x18c: {  	[sflag:s17] =	ssyncadd.s32 $0xFFFFC000  }
0x18d: {  	_ =	swait.ge [sflag:s17], $0x4000  }
0x18e: {  	s23 =	sld [smem:$0x7EF]  }
0x18f: {  	[sflag:s17] =	ssyncset.done $0x0  }
0x190: {  	s24 =	sld [smem:$0x7F1];
	[sflag:s17] =	ssyncadd.s32 $0xFFFFC000  }
0x191: {  	[tilespmem:s6], [sflag:$0x1] =	stream.strided.gather [hbm4b:s23+s11], $0x4000, s5, s11, $0x38;
	[tilespmem:$0x15000] =	vst v63  }
0x192: {  	_ = 	snop  }
0x193: {  	[tilespmem:s7], [sflag:$0x1] =	stream.strided.gather [hbm4b:s24+s11], $0x4000, s5, s11, $0x38;
	[tilespmem:$0x15000] =	vst v63  }
0x194: {  	_ =	swait.ge [sflag:s10], $0x4000  }
0x195: {  	[sflag:s10] =	ssyncset.done $0x0  }
0x196: {  	[sflag:s10] =	ssyncadd.s32 $0xFFFFC000  }
0x197: {  	_ =	swait.ge [sflag:s10], $0x4000  }
0x198: {  	s25 =	sld [smem:$0x7F0]  }
0x199: {  	[sflag:s10] =	ssyncset.done $0x0  }
0x19a: {  	s19 =	sld [smem:$0x7F2];
	[sflag:s10] =	ssyncadd.s32 $0xFFFFC000  }
0x19b: {  	[hbm4b:s25+s11] =	stream.strided.scatter [tilespmem:s6], [sflag:$0x3], $0x4000, s5, s11, $0x38;
	[tilespmem:$0x15000] =	vst v63  }
0x19c: {  	_ = 	snop  }
0x19d: {  	[hbm4b:s19+s11] =	stream.strided.scatter [tilespmem:s7], [sflag:$0x3], $0x4000, s5, s11, $0x38;
	[tilespmem:$0x15000] =	vst v63  }
0x19e: {  	_ =	swait.ge [sflag:s18], $0x4000  }
0x19f: {  	[sflag:s18] =	ssyncset.done $0x0  }
0x1a0: {  	[sflag:s18] =	ssyncadd.s32 $0xFFFFC000  }
0x1a1: {  	_ =	swait.ge [sflag:s18], $0x4000  }
0x1a2: {  	s20 =	sld [smem:$0x7F3]  }
0x1a3: {  	[sflag:s18] =	ssyncset.done $0x0  }
0x1a4: {  	s21 =	sld [smem:$0x7F5];
	[sflag:s18] =	ssyncadd.s32 $0xFFFFC000  }
0x1a5: {  	[tilespmem:s12], [sflag:$0x2] =	stream.strided.gather [hbm4b:s20+s11], $0x4000, s5, s11, $0x38;
	[tilespmem:$0x15000] =	vst v63  }
0x1a6: {  	_ = 	snop  }
0x1a7: {  	[tilespmem:s13], [sflag:$0x2] =	stream.strided.gather [hbm4b:s21+s11], $0x4000, s5, s11, $0x38;
	[tilespmem:$0x15000] =	vst v63  }
0x1a8: {  	_ =	swait.ge [sflag:s16], $0x4000  }
0x1a9: {  	[sflag:s16] =	ssyncset.done $0x0  }
0x1aa: {  	[sflag:s16] =	ssyncadd.s32 $0xFFFFC000  }
0x1ab: {  	_ =	swait.ge [sflag:s16], $0x4000  }
0x1ac: {  	s23 =	sld [smem:$0x7F4]  }
0x1ad: {  	[sflag:s16] =	ssyncset.done $0x0  }
0x1ae: {  	s24 =	sld [smem:$0x7F6];
	[sflag:s16] =	ssyncadd.s32 $0xFFFFC000  }
0x1af: {  	[hbm4b:s23+s11] =	stream.strided.scatter [tilespmem:s12], [sflag:$0x4], $0x4000, s5, s11, $0x38;
	[tilespmem:$0x15000] =	vst v63  }
0x1b0: {  	_ = 	snop  }
0x1b1: {  	[hbm4b:s24+s11] =	stream.strided.scatter [tilespmem:s13], [sflag:$0x4], $0x4000, s5, s11, $0x38;
	[tilespmem:$0x15000] =	vst v63  }
0x1b2: {  	_ =	swait.ge [sflag:s17], $0x4000  }
0x1b3: {  	[sflag:s17] =	ssyncset.done $0x0  }
0x1b4: {  	[sflag:s17] =	ssyncadd.s32 $0xFFFFC000  }
0x1b5: {  	_ =	swait.ge [sflag:s17], $0x4000  }
0x1b6: {  	s25 =	sld [smem:$0x7F7]  }
0x1b7: {  	[sflag:s17] =	ssyncset.done $0x0  }
0x1b8: {  	s19 =	sld [smem:$0x7F9];
	[sflag:s17] =	ssyncadd.s32 $0xFFFFC000  }
0x1b9: {  	[tilespmem:s6], [sflag:$0x1] =	stream.strided.gather [hbm4b:s25+s11], $0x4000, s5, s11, $0x38;
	[tilespmem:$0x15000] =	vst v63  }
0x1ba: {  	_ = 	snop  }
0x1bb: {  	[tilespmem:s7], [sflag:$0x1] =	stream.strided.gather [hbm4b:s19+s11], $0x4000, s5, s11, $0x38;
	[tilespmem:$0x15000] =	vst v63  }
0x1bc: {  	_ =	swait.ge [sflag:s10], $0x4000  }
0x1bd: {  	[sflag:s10] =	ssyncset.done $0x0  }
0x1be: {  	[sflag:s10] =	ssyncadd.s32 $0xFFFFC000  }
0x1bf: {  	_ =	swait.ge [sflag:s10], $0x4000  }
0x1c0: {  	s20 =	sld [smem:$0x7F8]  }
0x1c1: {  	[sflag:s10] =	ssyncset.done $0x0  }
0x1c2: {  	s21 =	sld [smem:$0x7FA];
	[sflag:s10] =	ssyncadd.s32 $0xFFFFC000  }
0x1c3: {  	[hbm4b:s20+s11] =	stream.strided.scatter [tilespmem:s6], [sflag:$0x3], $0x4000, s5, s11, $0x38;
	[tilespmem:$0x15000] =	vst v63  }
0x1c4: {  	_ = 	snop  }
0x1c5: {  	[hbm4b:s21+s11] =	stream.strided.scatter [tilespmem:s7], [sflag:$0x3], $0x4000, s5, s11, $0x38;
	[tilespmem:$0x15000] =	vst v63  }
0x1c6: {  	_ =	swait.ge [sflag:s18], $0x4000  }
0x1c7: {  	[sflag:s18] =	ssyncset.done $0x0  }
0x1c8: {  	[sflag:s18] =	ssyncadd.s32 $0xFFFFC000  }
0x1c9: {  	_ =	swait.ge [sflag:s18], $0x4000  }
0x1ca: {  	s23 =	sld [smem:$0x7FB]  }
0x1cb: {  	[sflag:s18] =	ssyncset.done $0x0  }
0x1cc: {  	s24 =	sld [smem:$0x7FD];
	[sflag:s18] =	ssyncadd.s32 $0xFFFFC000  }
0x1cd: {  	[tilespmem:s12], [sflag:$0x2] =	stream.strided.gather [hbm4b:s23+s11], $0x4000, s5, s11, $0x38;
	[tilespmem:$0x15000] =	vst v63  }
0x1ce: {  	_ = 	snop  }
0x1cf: {  	[tilespmem:s13], [sflag:$0x2] =	stream.strided.gather [hbm4b:s24+s11], $0x4000, s5, s11, $0x38;
	[tilespmem:$0x15000] =	vst v63  }
0x1d0: {  	_ =	swait.ge [sflag:s16], $0x4000  }
0x1d1: {  	[sflag:s16] =	ssyncset.done $0x0  }
0x1d2: {  	[sflag:s16] =	ssyncadd.s32 $0xFFFFC000  }
0x1d3: {  	_ =	swait.ge [sflag:s16], $0x4000  }
0x1d4: {  	s25 =	sld [smem:$0x7FC]  }
0x1d5: {  	[sflag:s16] =	ssyncset.done $0x0  }
0x1d6: {  	[sflag:s16] =	ssyncadd.s32 $0xFFFFC000  }
0x1d7: {  	[hbm4b:s25+s11] =	stream.strided.scatter [tilespmem:s12], [sflag:$0x4], $0x4000, s5, s11, $0x38;
	[tilespmem:$0x15000] =	vst v63  }
0x1d8: {  	_ = 	snop  }
0x1d9: {  	[hbm4b:s26+s11] =	stream.strided.scatter [tilespmem:s13], [sflag:$0x4], $0x4000, s5, s11, $0x38;
	[tilespmem:$0x15000] =	vst v63  }
0x1da: {  	_ =	swait.ge [sflag:s17], $0x4000  }
0x1db: {  	[sflag:s17] =	ssyncset.done $0x0  }
0x1dc: {  	[sflag:s17] =	ssyncadd.s32 $0xFFFFC000  }
0x1dd: {  	_ =	swait.ge [sflag:s17], $0x4000  }
0x1de: {  	[sflag:s17] =	ssyncset.done $0x0  }
0x1df: {  	[sflag:s17] =	ssyncadd.s32 $0xFFFFC000  }
0x1e0: {  	_ =	swait.ge [sflag:s18], $0x4000  }
0x1e1: {  	[sflag:s18] =	ssyncset.done $0x0  }
0x1e2: {  	[sflag:s18] =	ssyncadd.s32 $0xFFFFC000  }
0x1e3: {  	_ =	swait.ge [sflag:s18], $0x4000  }
0x1e4: {  	s0 =	simm.s32 @!p0 $0x40;
	s19 =	simm.s32 @!p0 $0x80;
	[sflag:s18] =	ssyncset.done $0x0  }
0x1e5: {  	s20 =	simm.s32 @!p0 $0x5000;
	s21 =	simm.s32 @!p0 $0x5;
	[sflag:s18] =	ssyncadd.s32 $0xFFFFC000  }
0x1e6: {  	[tilespmem:s20], [sflag:$0x5] =	stream.strided.gather @!p0 [hbm4b:s28+s0], $0x80, s19, s0, $0x38;
	[tilespmem:$0x15000] =	vst v63  }
0x1e7: {  	_ =	swait.ge @!p0 [sflag:s21], $0x80  }
0x1e8: {  	[sflag:s21] =	ssyncset.done @!p0 $0x0  }
0x1e9: {  	[sflag:s21] =	ssyncadd.s32 @!p0 $0xFFFFFF80  }
0x1ea: {  	[hbm4b:s30+s0] =	stream.strided.scatter @!p0 [tilespmem:s20], [sflag:$0x5], $0x80, s19, s0, $0x38;
	[tilespmem:$0x15000] =	vst v63  }
0x1eb: {  	_ =	swait.ge @!p0 [sflag:s21], $0x80  }
0x1ec: {  	[sflag:s21] =	ssyncset.done @!p0 $0x0  }
0x1ed: {  	s20 =	simm.s32 @!p0 $0x9000;
	[sflag:s21] =	ssyncadd.s32 @!p0 $0xFFFFFF80  }
0x1ee: {  	[tilespmem:s20], [sflag:$0x5] =	stream.strided.gather @!p0 [hbm4b:s29+s0], $0x80, s19, s0, $0x38;
	[tilespmem:$0x15000] =	vst v63  }
0x1ef: {  	_ =	swait.ge @!p0 [sflag:s21], $0x80  }
0x1f0: {  	[sflag:s21] =	ssyncset.done @!p0 $0x0  }
0x1f1: {  	[sflag:s21] =	ssyncadd.s32 @!p0 $0xFFFFFF80  }
0x1f2: {  	[hbm4b:s31+s0] =	stream.strided.scatter @!p0 [tilespmem:s20], [sflag:$0x5], $0x80, s19, s0, $0x38;
	[tilespmem:$0x15000] =	vst v63  }
0x1f3: {  	_ =	swait.ge @!p0 [sflag:s21], $0x80  }
0x1f4: {  	[sflag:s21] =	ssyncset.done @!p0 $0x0  }
0x1f5: {  	[sflag:s21] =	ssyncadd.s32 @!p0 $0xFFFFFF80  }
.LBB2_8:
0x1f6: {  	s2 =	sadd.s32 $0x1, s2  }
0x1f7: {  	p2 =	sne.s32 s2, s1  }
.Ltmp1:
0x1f8: {  	_ = 	snop;
	(pc) =	sbr.rel @!p2 .LBB2_9-.Ltmp1, $1  }
0x1f9: {  	_ =	sdelay $0x3  }
.LBB2_1:
.Ltmp2:
0x1fa: {  	(pc) =	sbr.rel @p1 .LBB2_7-.Ltmp2, $1  }
0x1fb: {  	_ =	sdelay $0x3  }
0x1fc: {  	s0 =	simm.s32 $0x0  }
0x1fd: {  	v3 =	vor.u32 s0, v0  }
0x1fe: {  	s19 =	rddreg [dreg:$0x11];
	v3 =	vand.u32 v1, v3  }
0x1ff: {  	[tilespmem:s0], [sflag:$0x5] =	stream.linear.gather [hbm4b:s19+s0], $0x2800, $0x38;
	v4 =	vor.u32 s0, v2;
	[tilespmem:$0x15000] =	vst v63  }
0x200: {  	_ =	swait.ge [sflag:s4], $0x2800  }
0x201: {  	[sflag:s4] =	ssyncset.done $0x0  }
0x202: {  	[sflag:s4] =	ssyncadd.s32 $0xFFFFD800  }
0x203: {  	v3 =	vld.idx.msk [tilespmem:v3+s0+$0x0], $0xffff  }
0x204: {  	v4 =	vld.idx.msk [tilespmem:v4+s0+$0x0], $0xffff;
	_ =	sdelay $0x2  }
0x205: {  	s21 =	simm.s32 $0x20  }
0x206: {  	v5 =	vor.u32 s21, v0;
	v6 =	vshll.u32 v3, $0x1  }
0x207: {  	v7 =	vshll.u32 v4, $0x1;
	vm0 =	vlt.s32 v3, $0x6000;
	v3 =	vadd.s32 $0xFFFF4001, v6  }
0x208: {  	s19 =	simm.s32 $0x2800;
	vm15 =	vlt.s32 v4, $0x6000;
	v4 =	vadd.s32 $0xFFFF4001, v7;
	v3 =	vsel vm0, v6, v3  }
0x209: {  	s20 =	simm.s32 $0x3C00;
	v5 =	vand.u32 v1, v5;
	[tilespmem:s19+$0x0] =	vst v3;
	v3 =	vsel vm15, v7, v4  }
0x20a: {  	[tilespmem:s20+$0x0] =	vst v3;
	v3 =	vor.u32 s21, v2;
	_ =	sdelay $0x3  }
0x20b: {  	v6 =	vld.idx.msk [tilespmem:v5+s0+$0x0], $0xffff  }
0x20c: {  	v5 =	vld.idx.msk [tilespmem:v3+s0+$0x0], $0xffff;
	_ =	sdelay $0x1  }
0x20d: {  	s25 =	simm.s32 $0x40  }
0x20e: {  	v4 =	vor.u32 s25, v0  }
0x20f: {  	v4 =	vand.u32 v1, v4;
	s21 =	simm.s32 $0x60;
	v3 =	vor.u32 s25, v2;
	v7 =	vshll.u32 v6, $0x1  }
.LBB2_3:
0x210: {  	p2 =	sne.s32 s21, $0x27E0;
	vm0 =	vlt.s32 v6, $0x6000;
	v6 =	vadd.s32 $0xFFFF4001, v7;
	v8 =	vshll.u32 v5, $0x1  }
0x211: {  	s19 =	sadd.s32 $0x10, s19;
	v6 =	vsel vm0, v7, v6;
	vm0 =	vlt.s32 v5, $0x6000;
	v5 =	vadd.s32 $0xFFFF4001, v8  }
0x212: {  	s20 =	sadd.s32 $0x10, s20;
	[tilespmem:s19+$0x0] =	vst v6;
	v5 =	vsel vm0, v8, v5  }
0x213: {  	[tilespmem:s20+$0x0] =	vst v5  }
0x214: {  	v6 =	vld.idx.msk [tilespmem:v4+s0+$0x0], $0xffff  }
0x215: {  	v5 =	vld.idx.msk [tilespmem:v3+s0+$0x0], $0xffff  }
.Ltmp3:
0x216: {  	(pc) =	sbr.rel @p2 .LBB2_3-.Ltmp3, $3  }
0x217: {  	_ =	sdelay $0x1  }
0x218: {  	v3 =	vor.u32 s21, v0  }
0x219: {  	v4 =	vand.u32 v1, v3;
	v3 =	vor.u32 s21, v2;
	s21 =	sadd.s32 $0x20, s21;
	v7 =	vshll.u32 v6, $0x1  }
0x21a: {  	vm0 =	vlt.s32 v6, $0x6000;
	v59 =	vadd.s32 $0xFFFF4001, v7;
	v8 =	vshll.u32 v5, $0x1  }
0x21b: {  	vm13 =	vlt.s32 v5, $0x6000;
	s19 =	sadd.s32 $0x10, s19;
	v6 =	vsel vm0, v7, v59;
	v60 =	vadd.s32 $0xFFFF4001, v8  }
0x21c: {  	s20 =	sadd.s32 $0x10, s20;
	[tilespmem:s19+$0x0] =	vst v6;
	v5 =	vsel vm13, v8, v60  }
0x21d: {  	[tilespmem:s20+$0x0] =	vst v5  }
0x21e: {  	v4 =	vld.idx.msk [tilespmem:v4+s0+$0x0], $0xffff  }
0x21f: {  	v3 =	vld.idx.msk [tilespmem:v3+s0+$0x0], $0xffff;
	_ =	sdelay $0x3  }
0x220: {  	v61 =	vshll.u32 v4, $0x1  }
0x221: {  	vm14 =	vlt.s32 v4, $0x6000;
	v63 =	vshll.u32 v3, $0x1;
	v62 =	vadd.s32 $0xFFFF4001, v61  }
0x222: {  	s24 =	sadd.s32 $0x10, s19;
	vm15 =	vlt.s32 v3, $0x6000;
	v3 =	vadd.s32 $0xFFFF4001, v63;
	v4 =	vsel vm14, v61, v62  }
0x223: {  	p2 =	por $0x1, $0x1;
	s25 =	sadd.s32 $0x10, s20;
	v3 =	vsel vm15, v63, v3;
	[tilespmem:s24+$0x0] =	vst v4  }
0x224: {  	s0 =	simm.s32 @!p2 $0x3;
	[tilespmem:s25+$0x0] =	vst v3  }
0x225: {  	_ =	swait.ge @!p2 [sflag:s0], $0x4000  }
0x226: {  	[sflag:s0] =	ssyncset.done @!p2 $0x0  }
0x227: {  	[sflag:s0] =	ssyncadd.s32 @!p2 $0xFFFFC000  }
0x228: {  	_ =	swait.ge @!p2 [sflag:s0], $0x4000  }
0x229: {  	[sflag:s0] =	ssyncset.done @!p2 $0x0  }
0x22a: {  	s19 =	simm.s32 $0x2800;
	[sflag:s0] =	ssyncadd.s32 @!p2 $0xFFFFC000  }
0x22b: {  	[tilespmem:s6], [sflag:$0x1] =	stream.indirect.gather [hbm4b:s3+s5], $0x40, s19, s5, $0xb8;
	[tilespmem:$0x15000] =	vst v63  }
0x22c: {  	s20 =	simm.s32 $0x3C00  }
0x22d: {  	[tilespmem:s7], [sflag:$0x1] =	stream.indirect.gather [hbm4b:s3+s5], $0x40, s20, s5, $0xb8;
	[tilespmem:$0x15000] =	vst v63  }
0x22e: {  	s21 =	simm.s32 $0x2880  }
0x22f: {  	[tilespmem:s8], [sflag:$0x1] =	stream.indirect.gather [hbm4b:s3+s5], $0x40, s21, s5, $0xb8;
	[tilespmem:$0x15000] =	vst v63  }
0x230: {  	s23 =	simm.s32 $0x3C80  }
0x231: {  	[tilespmem:s9], [sflag:$0x1] =	stream.indirect.gather [hbm4b:s3+s5], $0x40, s23, s5, $0xb8;
	[tilespmem:$0x15000] =	vst v63  }
0x232: {  	_ =	swait.ge [sflag:s10], $0x2000  }
0x233: {  	[sflag:s10] =	ssyncset.done $0x0  }
0x234: {  	[sflag:s10] =	ssyncadd.s32 $0xFFFFE000  }
0x235: {  	_ =	swait.ge [sflag:s10], $0x2000  }
0x236: {  	[sflag:s10] =	ssyncset.done $0x0  }
0x237: {  	[sflag:s10] =	ssyncadd.s32 $0xFFFFE000  }
0x238: {  	_ =	swait.ge [sflag:s10], $0x2000  }
0x239: {  	[sflag:s10] =	ssyncset.done $0x0  }
0x23a: {  	[sflag:s10] =	ssyncadd.s32 $0xFFFFE000  }
0x23b: {  	_ =	swait.ge [sflag:s10], $0x2000  }
0x23c: {  	[sflag:s10] =	ssyncset.done $0x0  }
0x23d: {  	s24 =	sadd.s32 $0xFFFFEFF8, s22;
	[sflag:s10] =	ssyncadd.s32 $0xFFFFE000  }
0x23e: {  	[hbm4b:s24+s11] =	stream.strided.scatter [tilespmem:s6], [sflag:$0x3], $0x4000, s5, s11, $0x38;
	[tilespmem:$0x15000] =	vst v63  }
0x23f: {  	s25 =	sadd.s32 $0xFFFFF000, s22;
	s19 =	simm.s32 @!p2 $0x4  }
0x240: {  	[hbm4b:s25+s11] =	stream.strided.scatter [tilespmem:s7], [sflag:$0x3], $0x4000, s5, s11, $0x38;
	[tilespmem:$0x15000] =	vst v63  }
0x241: {  	_ =	swait.ge @!p2 [sflag:s19], $0x4000  }
0x242: {  	[sflag:s19] =	ssyncset.done @!p2 $0x0  }
0x243: {  	[sflag:s19] =	ssyncadd.s32 @!p2 $0xFFFFC000  }
0x244: {  	_ =	swait.ge @!p2 [sflag:s19], $0x4000  }
0x245: {  	[sflag:s19] =	ssyncset.done @!p2 $0x0  }
0x246: {  	s20 =	simm.s32 $0x2900;
	[sflag:s19] =	ssyncadd.s32 @!p2 $0xFFFFC000  }
0x247: {  	[tilespmem:s12], [sflag:$0x2] =	stream.indirect.gather [hbm4b:s3+s5], $0x40, s20, s5, $0xb8;
	[tilespmem:$0x15000] =	vst v63  }
0x248: {  	s21 =	simm.s32 $0x3D00  }
0x249: {  	[tilespmem:s13], [sflag:$0x2] =	stream.indirect.gather [hbm4b:s3+s5], $0x40, s21, s5, $0xb8;
	[tilespmem:$0x15000] =	vst v63  }
0x24a: {  	s23 =	simm.s32 $0x2980  }
0x24b: {  	[tilespmem:s14], [sflag:$0x2] =	stream.indirect.gather [hbm4b:s3+s5], $0x40, s23, s5, $0xb8;
	[tilespmem:$0x15000] =	vst v63  }
0x24c: {  	s24 =	simm.s32 $0x3D80  }
0x24d: {  	[tilespmem:s15], [sflag:$0x2] =	stream.indirect.gather [hbm4b:s3+s5], $0x40, s24, s5, $0xb8;
	[tilespmem:$0x15000] =	vst v63  }
0x24e: {  	_ =	swait.ge [sflag:s16], $0x2000  }
0x24f: {  	[sflag:s16] =	ssyncset.done $0x0  }
0x250: {  	[sflag:s16] =	ssyncadd.s32 $0xFFFFE000  }
0x251: {  	_ =	swait.ge [sflag:s16], $0x2000  }
0x252: {  	[sflag:s16] =	ssyncset.done $0x0  }
0x253: {  	[sflag:s16] =	ssyncadd.s32 $0xFFFFE000  }
0x254: {  	_ =	swait.ge [sflag:s16], $0x2000  }
0x255: {  	[sflag:s16] =	ssyncset.done $0x0  }
0x256: {  	[sflag:s16] =	ssyncadd.s32 $0xFFFFE000  }
0x257: {  	s0 =	smov.u32 s22;
	s25 =	sadd.s32 $0xFFFFFFF8, s22;
	_ =	swait.ge [sflag:s16], $0x2000  }
0x258: {  	p2 =	por $0x0, $0x0;
	s19 =	smov.u32 s22;
	[sflag:s16] =	ssyncset.done $0x0  }
0x259: {  	s20 =	simm.s32 $0x800;
	s21 =	simm.s32 $0x1000;
	[sflag:s16] =	ssyncadd.s32 $0xFFFFE000  }
0x25a: {  	[hbm4b:s25+s11] =	stream.strided.scatter [tilespmem:s12], [sflag:$0x4], $0x4000, s5, s11, $0x38;
	[tilespmem:$0x15000] =	vst v63  }
.LBB2_5:
0x25b: {  	s24 =	simm.s32 @!p2 $0x3  }
0x25c: {  	s0 =	sadd.s32 $0x2000, s0;
	s25 =	smov.u32 s21;
	s21 =	sadd.s32 $0x800, s21  }
0x25d: {  	[hbm4b:s19+s11] =	stream.strided.scatter [tilespmem:s13], [sflag:$0x4], $0x4000, s5, s11, $0x38;
	[tilespmem:$0x15000] =	vst v63  }
0x25e: {  	p3 =	sne.s32 s21, $0x5000;
	s19 =	smov.u32 s0;
	_ =	swait.ge @!p2 [sflag:s24], $0x4000  }
0x25f: {  	[sflag:s24] =	ssyncset.done @!p2 $0x0  }
0x260: {  	[sflag:s24] =	ssyncadd.s32 @!p2 $0xFFFFC000  }
0x261: {  	_ =	swait.ge @!p2 [sflag:s24], $0x4000  }
0x262: {  	s23 =	sshra.s32 s20, $0x2;
	s20 =	smov.u32 s25;
	[sflag:s24] =	ssyncset.done @!p2 $0x0  }
0x263: {  	[sflag:s24] =	ssyncadd.s32 @!p2 $0xFFFFC000;
	s24 =	sadd.s32 $0x2800, s23  }
0x264: {  	[tilespmem:s6], [sflag:$0x1] =	stream.indirect.gather [hbm4b:s3+s5], $0x40, s24, s5, $0xb8;
	[tilespmem:$0x15000] =	vst v63  }
0x265: {  	s24 =	sadd.s32 $0x3C00, s23  }
0x266: {  	[tilespmem:s7], [sflag:$0x1] =	stream.indirect.gather [hbm4b:s3+s5], $0x40, s24, s5, $0xb8;
	[tilespmem:$0x15000] =	vst v63  }
0x267: {  	s24 =	sadd.s32 $0x2880, s23  }
0x268: {  	[tilespmem:s8], [sflag:$0x1] =	stream.indirect.gather [hbm4b:s3+s5], $0x40, s24, s5, $0xb8;
	[tilespmem:$0x15000] =	vst v63  }
0x269: {  	s24 =	sadd.s32 $0x3C80, s23  }
0x26a: {  	[tilespmem:s9], [sflag:$0x1] =	stream.indirect.gather [hbm4b:s3+s5], $0x40, s24, s5, $0xb8;
	[tilespmem:$0x15000] =	vst v63  }
0x26b: {  	_ =	swait.ge [sflag:s10], $0x2000  }
0x26c: {  	[sflag:s10] =	ssyncset.done $0x0  }
0x26d: {  	[sflag:s10] =	ssyncadd.s32 $0xFFFFE000  }
0x26e: {  	_ =	swait.ge [sflag:s10], $0x2000  }
0x26f: {  	[sflag:s10] =	ssyncset.done $0x0  }
0x270: {  	[sflag:s10] =	ssyncadd.s32 $0xFFFFE000  }
0x271: {  	_ =	swait.ge [sflag:s10], $0x2000  }
0x272: {  	[sflag:s10] =	ssyncset.done $0x0  }
0x273: {  	[sflag:s10] =	ssyncadd.s32 $0xFFFFE000  }
0x274: {  	_ =	swait.ge [sflag:s10], $0x2000  }
0x275: {  	[sflag:s10] =	ssyncset.done $0x0  }
0x276: {  	s24 =	sadd.s32 $0xFFFFEFF8, s0;
	[sflag:s10] =	ssyncadd.s32 $0xFFFFE000  }
0x277: {  	[hbm4b:s24+s11] =	stream.strided.scatter [tilespmem:s6], [sflag:$0x3], $0x4000, s5, s11, $0x38;
	[tilespmem:$0x15000] =	vst v63  }
0x278: {  	s25 =	simm.s32 @!p2 $0x4;
	s24 =	sadd.s32 $0xFFFFF000, s0  }
0x279: {  	[hbm4b:s24+s11] =	stream.strided.scatter [tilespmem:s7], [sflag:$0x3], $0x4000, s5, s11, $0x38;
	[tilespmem:$0x15000] =	vst v63  }
0x27a: {  	_ =	swait.ge @!p2 [sflag:s25], $0x4000  }
0x27b: {  	[sflag:s25] =	ssyncset.done @!p2 $0x0  }
0x27c: {  	[sflag:s25] =	ssyncadd.s32 @!p2 $0xFFFFC000  }
0x27d: {  	_ =	swait.ge @!p2 [sflag:s25], $0x4000  }
0x27e: {  	[sflag:s25] =	ssyncset.done @!p2 $0x0  }
0x27f: {  	s24 =	sadd.s32 $0x2900, s23;
	[sflag:s25] =	ssyncadd.s32 @!p2 $0xFFFFC000  }
0x280: {  	[tilespmem:s12], [sflag:$0x2] =	stream.indirect.gather [hbm4b:s3+s5], $0x40, s24, s5, $0xb8;
	[tilespmem:$0x15000] =	vst v63  }
0x281: {  	s24 =	sadd.s32 $0x3D00, s23  }
0x282: {  	[tilespmem:s13], [sflag:$0x2] =	stream.indirect.gather [hbm4b:s3+s5], $0x40, s24, s5, $0xb8;
	[tilespmem:$0x15000] =	vst v63  }
0x283: {  	s24 =	sadd.s32 $0x2980, s23  }
0x284: {  	[tilespmem:s14], [sflag:$0x2] =	stream.indirect.gather [hbm4b:s3+s5], $0x40, s24, s5, $0xb8;
	[tilespmem:$0x15000] =	vst v63  }
0x285: {  	s23 =	sadd.s32 $0x3D80, s23  }
0x286: {  	[tilespmem:s15], [sflag:$0x2] =	stream.indirect.gather [hbm4b:s3+s5], $0x40, s23, s5, $0xb8;
	[tilespmem:$0x15000] =	vst v63  }
0x287: {  	_ =	swait.ge [sflag:s16], $0x2000  }
0x288: {  	[sflag:s16] =	ssyncset.done $0x0  }
0x289: {  	[sflag:s16] =	ssyncadd.s32 $0xFFFFE000  }
0x28a: {  	_ =	swait.ge [sflag:s16], $0x2000  }
0x28b: {  	[sflag:s16] =	ssyncset.done $0x0  }
0x28c: {  	[sflag:s16] =	ssyncadd.s32 $0xFFFFE000  }
0x28d: {  	_ =	swait.ge [sflag:s16], $0x2000  }
0x28e: {  	[sflag:s16] =	ssyncset.done $0x0  }
.Ltmp4:
0x28f: {  	[sflag:s16] =	ssyncadd.s32 $0xFFFFE000;
	(pc) =	sbr.rel @p3 .LBB2_5-.Ltmp4, $4  }
0x290: {  	_ =	swait.ge [sflag:s16], $0x2000  }
0x291: {  	[sflag:s16] =	ssyncset.done $0x0  }
0x292: {  	p2 =	seq.s32 s20, $0x0;
	s23 =	sadd.s32 $0xFFFFFFF8, s0;
	[sflag:s16] =	ssyncadd.s32 $0xFFFFE000  }
0x293: {  	[hbm4b:s23+s11] =	stream.strided.scatter [tilespmem:s12], [sflag:$0x4], $0x4000, s5, s11, $0x38;
	[tilespmem:$0x15000] =	vst v63  }
0x294: {  	s21 =	simm.s32 @!p2 $0x3  }
0x295: {  	[hbm4b:s19+s11] =	stream.strided.scatter [tilespmem:s13], [sflag:$0x4], $0x4000, s5, s11, $0x38;
	[tilespmem:$0x15000] =	vst v63  }
0x296: {  	_ =	swait.ge @!p2 [sflag:s21], $0x4000  }
0x297: {  	[sflag:s21] =	ssyncset.done @!p2 $0x0  }
0x298: {  	[sflag:s21] =	ssyncadd.s32 @!p2 $0xFFFFC000  }
0x299: {  	_ =	swait.ge @!p2 [sflag:s21], $0x4000  }
0x29a: {  	s19 =	sshra.s32 s20, $0x2;
	[sflag:s21] =	ssyncset.done @!p2 $0x0  }
0x29b: {  	s20 =	sadd.s32 $0x2800, s19;
	[sflag:s21] =	ssyncadd.s32 @!p2 $0xFFFFC000  }
0x29c: {  	[tilespmem:s6], [sflag:$0x1] =	stream.indirect.gather [hbm4b:s3+s5], $0x40, s20, s5, $0xb8;
	[tilespmem:$0x15000] =	vst v63  }
0x29d: {  	s25 =	sadd.s32 $0x3C00, s19  }
0x29e: {  	[tilespmem:s7], [sflag:$0x1] =	stream.indirect.gather [hbm4b:s3+s5], $0x40, s25, s5, $0xb8;
	[tilespmem:$0x15000] =	vst v63  }
0x29f: {  	s21 =	sadd.s32 $0x2880, s19  }
0x2a0: {  	[tilespmem:s8], [sflag:$0x1] =	stream.indirect.gather [hbm4b:s3+s5], $0x40, s21, s5, $0xb8;
	[tilespmem:$0x15000] =	vst v63  }
0x2a1: {  	s23 =	sadd.s32 $0x3C80, s19  }
0x2a2: {  	[tilespmem:s9], [sflag:$0x1] =	stream.indirect.gather [hbm4b:s3+s5], $0x40, s23, s5, $0xb8;
	[tilespmem:$0x15000] =	vst v63  }
0x2a3: {  	_ =	swait.ge [sflag:s10], $0x2000  }
0x2a4: {  	[sflag:s10] =	ssyncset.done $0x0  }
0x2a5: {  	[sflag:s10] =	ssyncadd.s32 $0xFFFFE000  }
0x2a6: {  	_ =	swait.ge [sflag:s10], $0x2000  }
0x2a7: {  	[sflag:s10] =	ssyncset.done $0x0  }
0x2a8: {  	[sflag:s10] =	ssyncadd.s32 $0xFFFFE000  }
0x2a9: {  	_ =	swait.ge [sflag:s10], $0x2000  }
0x2aa: {  	[sflag:s10] =	ssyncset.done $0x0  }
0x2ab: {  	[sflag:s10] =	ssyncadd.s32 $0xFFFFE000  }
0x2ac: {  	_ =	swait.ge [sflag:s10], $0x2000  }
0x2ad: {  	s0 =	sadd.s32 $0x2000, s0;
	[sflag:s10] =	ssyncset.done $0x0  }
0x2ae: {  	s24 =	sadd.s32 $0xFFFFEFF8, s0;
	[sflag:s10] =	ssyncadd.s32 $0xFFFFE000  }
0x2af: {  	[hbm4b:s24+s11] =	stream.strided.scatter [tilespmem:s6], [sflag:$0x3], $0x4000, s5, s11, $0x38;
	[tilespmem:$0x15000] =	vst v63  }
0x2b0: {  	s25 =	sadd.s32 $0xFFFFF000, s0;
	s21 =	simm.s32 @!p2 $0x4  }
0x2b1: {  	[hbm4b:s25+s11] =	stream.strided.scatter [tilespmem:s7], [sflag:$0x3], $0x4000, s5, s11, $0x38;
	[tilespmem:$0x15000] =	vst v63  }
0x2b2: {  	_ =	swait.ge @!p2 [sflag:s21], $0x4000  }
0x2b3: {  	[sflag:s21] =	ssyncset.done @!p2 $0x0  }
0x2b4: {  	[sflag:s21] =	ssyncadd.s32 @!p2 $0xFFFFC000  }
0x2b5: {  	_ =	swait.ge @!p2 [sflag:s21], $0x4000  }
0x2b6: {  	[sflag:s21] =	ssyncset.done @!p2 $0x0  }
0x2b7: {  	[sflag:s21] =	ssyncadd.s32 @!p2 $0xFFFFC000;
	s21 =	sadd.s32 $0x2900, s19  }
0x2b8: {  	[tilespmem:s12], [sflag:$0x2] =	stream.indirect.gather [hbm4b:s3+s5], $0x40, s21, s5, $0xb8;
	[tilespmem:$0x15000] =	vst v63  }
0x2b9: {  	s23 =	sadd.s32 $0x3D00, s19  }
0x2ba: {  	[tilespmem:s13], [sflag:$0x2] =	stream.indirect.gather [hbm4b:s3+s5], $0x40, s23, s5, $0xb8;
	[tilespmem:$0x15000] =	vst v63  }
0x2bb: {  	s24 =	sadd.s32 $0x2980, s19  }
0x2bc: {  	[tilespmem:s14], [sflag:$0x2] =	stream.indirect.gather [hbm4b:s3+s5], $0x40, s24, s5, $0xb8;
	[tilespmem:$0x15000] =	vst v63  }
0x2bd: {  	s19 =	sadd.s32 $0x3D80, s19  }
0x2be: {  	[tilespmem:s15], [sflag:$0x2] =	stream.indirect.gather [hbm4b:s3+s5], $0x40, s19, s5, $0xb8;
	[tilespmem:$0x15000] =	vst v63  }
0x2bf: {  	_ =	swait.ge [sflag:s16], $0x2000  }
0x2c0: {  	[sflag:s16] =	ssyncset.done $0x0  }
0x2c1: {  	[sflag:s16] =	ssyncadd.s32 $0xFFFFE000  }
0x2c2: {  	_ =	swait.ge [sflag:s16], $0x2000  }
0x2c3: {  	[sflag:s16] =	ssyncset.done $0x0  }
0x2c4: {  	[sflag:s16] =	ssyncadd.s32 $0xFFFFE000  }
0x2c5: {  	_ =	swait.ge [sflag:s16], $0x2000  }
0x2c6: {  	[sflag:s16] =	ssyncset.done $0x0  }
0x2c7: {  	[sflag:s16] =	ssyncadd.s32 $0xFFFFE000  }
0x2c8: {  	_ =	swait.ge [sflag:s16], $0x2000  }
0x2c9: {  	[sflag:s16] =	ssyncset.done $0x0  }
0x2ca: {  	s25 =	sadd.s32 $0xFFFFFFF8, s0;
	[sflag:s16] =	ssyncadd.s32 $0xFFFFE000  }
0x2cb: {  	[hbm4b:s25+s11] =	stream.strided.scatter [tilespmem:s12], [sflag:$0x4], $0x4000, s5, s11, $0x38;
	[tilespmem:$0x15000] =	vst v63  }
0x2cc: {  	_ = 	snop  }
0x2cd: {  	[hbm4b:s0+s11] =	stream.strided.scatter [tilespmem:s13], [sflag:$0x4], $0x4000, s5, s11, $0x38;
	[tilespmem:$0x15000] =	vst v63  }
0x2ce: {  	_ =	swait.ge [sflag:s17], $0x4000  }
0x2cf: {  	[sflag:s17] =	ssyncset.done $0x0  }
0x2d0: {  	[sflag:s17] =	ssyncadd.s32 $0xFFFFC000  }
0x2d1: {  	_ =	swait.ge [sflag:s17], $0x4000  }
0x2d2: {  	[sflag:s17] =	ssyncset.done $0x0  }
0x2d3: {  	[sflag:s17] =	ssyncadd.s32 $0xFFFFC000  }
0x2d4: {  	_ =	swait.ge [sflag:s18], $0x4000  }
.Ltmp5:
0x2d5: {  	[sflag:s18] =	ssyncset.done $0x0;
	(pc) =	sbr.rel .LBB2_8-.Ltmp5, $4  }
0x2d6: {  	[sflag:s18] =	ssyncadd.s32 $0xFFFFC000  }
0x2d7: {  	_ =	swait.ge [sflag:s18], $0x4000  }
0x2d8: {  	[sflag:s18] =	ssyncset.done $0x0  }
0x2d9: {  	[sflag:s18] =	ssyncadd.s32 $0xFFFFC000  }
.LBB2_9:
0x2da: {  	_ =	sfence.sel $0x180000  }
0x2db: {  	[bflag:$0x0] =	sbarrier.arrive $0xFFFF  }
0x2dc: {  	_ =	strace $0x90000047  }
0x2dd: {  	s0 =	stileid.u32;
	[bflag:$0x2] =	sbarrier.arrive $0xFFFF  }
0x2de: {  	p0 =	sne.s32 s0, $0x0;
	s0 =	rddreg [dreg:$0x4]  }
0x2df: {  	s0 =	sadd.s32 @!p0 $0x100000, s0  }
0x2e0: {  	[sflag:s0] =	ssyncadd.tile.s32 @!p0 $0x1;
	_ =	shalt  }
.Lfunc_end2:
_tile_overlayer_lowered:
.L_overlay_start_2:
0x2e1: {  	(tag) =	ssettag $0x2  }
0x2e2: {  	s0 =	rddreg [dreg:$0x0];
	s2 =	stileid.u32  }
0x2e3: {  	s1 =	rddreg [dreg:$0x1];
	p0 =	sne.s32 s2, $0x0  }
0x2e4: {  	s3 =	rddreg [dreg:$0x2];
	[bflag:$0x3] =	sbarrier.arrive $0xFFFF;
	s2 =	simm.s32 @!p0 $0x1C05  }
0x2e5: {  	[timem:s3], [sflag:s2] =	dma.local @!p0 [hbm:s0], s1  }
0x2e6: {  	s0 =	simm.s32 @!p0 $0x5  }
0x2e7: {  	_ =	swait.ge @!p0 [sflag:s0], s1  }
0x2e8: {  	s1 =	ssub.s32 @!p0 $0x0, s1;
	[sflag:s0] =	ssyncset.done @!p0 $0x0  }
0x2e9: {  	[sflag:s0] =	ssyncadd.s32 @!p0 s1  }
0x2ea: {  	[bflag:$0x3] =	sbarrier.arrive $0xFFFF  }
0x2eb: {  	_ =	shalt  }

</sc_bundles>
